<compile_context>
chip_gen: v7x
topology: tpu7x:2x2x1
jax: 0.10.2.dev20260603
libtpu: 0.0.44.dev20260713+nightly
codegen_flags: <defaults>
</compile_context>

<pallas_src>
import functools

import jax
import jax.numpy as jnp
from jax import lax
from jax.experimental import pallas as pl
from jax.experimental.pallas import tpu as pltpu
from jax.experimental.pallas import tpu_sc as plsc

N = 10000
E = 160000
B = 64
HID = 128
FIN = 2 * HID
LAT = 64
NR = 4

NBK = 1000
GRID = N // NBK

NC, NS, LANES = 2, 16, 16
NW = NC * NS
EPT = E // NW
EPT_PAD = EPT + LANES
NVR = (EPT + LANES - 1) // LANES
CH = 125
NCH = EPT // CH
ROWS_PS = N // NS



def _leaky(x):
    return jnp.where(x > 0, x, 0.1 * x)


def _ln(x, s, b):
    m = jnp.mean(x, axis=-1, keepdims=True)
    v = jnp.var(x, axis=-1, keepdims=True)
    return (x - m) / jnp.sqrt(v + 1e-5) * s + b


def _dot(a, b):
    return jnp.dot(a, b, preferred_element_type=jnp.float32)


def _xwr1_body(x_ref, bases_ref, wc_ref, out_ref):
    x = x_ref[...]
    bs = bases_ref[...]
    wc = wc_ref[...]
    for r in range(NR):
        w = (wc[r, 0] * bs[0] + wc[r, 1] * bs[1]
             + wc[r, 2] * bs[2] + wc[r, 3] * bs[3])
        out_ref[r] = _dot(x, w)


def _xwr1_call(x, bases1, wcomp1):
    return pl.pallas_call(
        _xwr1_body,
        grid=(GRID,),
        in_specs=[
            pl.BlockSpec((NBK, 4), lambda i: (i, 0)),
            pl.BlockSpec((NR, 4, HID), lambda i: (0, 0, 0)),
            pl.BlockSpec((NR, 4), lambda i: (0, 0)),
        ],
        out_specs=pl.BlockSpec((NR, NBK, HID), lambda i: (0, i, 0)),
        out_shape=jax.ShapeDtypeStruct((NR, N, HID), jnp.float32),
    )(x, bases1, wcomp1)


def _layer2_body(p1_ref, x_ref, loop1_ref, b1_ref, ln1s_ref, ln1b_ref,
                 bases2_ref, wc2_ref, loop2_ref, b2_ref,
                 xwr2_ref, sl2_ref):
    agg = p1_ref[0] + p1_ref[1] + _dot(x_ref[...], loop1_ref[...]) + b1_ref[...]
    h1 = _ln(_leaky(agg), ln1s_ref[...], ln1b_ref[...])
    wc = wc2_ref[...]
    bs = bases2_ref[...]
    for r in range(NR):
        w = (wc[r, 0] * bs[0] + wc[r, 1] * bs[1]
             + wc[r, 2] * bs[2] + wc[r, 3] * bs[3])
        t = _dot(h1, w)
        xwr2_ref[0, r] = t[:, :HID]
        xwr2_ref[1, r] = t[:, HID:]
    sl2_ref[...] = _dot(h1, loop2_ref[...]) + b2_ref[...]


def _layer2_call(p1, x, loop1, b1, ln1s, ln1b, bases2, wcomp2, loop2, b2):
    full = lambda shape: pl.BlockSpec(shape, lambda i: tuple(0 for _ in shape))
    return pl.pallas_call(
        _layer2_body,
        grid=(GRID,),
        in_specs=[
            pl.BlockSpec((NC, NBK, HID), lambda i: (0, i, 0)),
            pl.BlockSpec((NBK, 4), lambda i: (i, 0)),
            full((4, HID)), full((1, HID)), full((1, HID)), full((1, HID)),
            full((NR, HID, FIN)), full((NR, 4)),
            full((HID, FIN)), full((1, FIN)),
        ],
        out_specs=[
            pl.BlockSpec((2, NR, NBK, HID), lambda i: (0, 0, i, 0)),
            pl.BlockSpec((NBK, FIN), lambda i: (i, 0)),
        ],
        out_shape=[
            jax.ShapeDtypeStruct((2, NR, N, HID), jnp.float32),
            jax.ShapeDtypeStruct((N, FIN), jnp.float32),
        ],
    )(p1, x, loop1, b1, ln1s, ln1b, bases2, wcomp2, loop2, b2)


def _pool_body(p2_ref, sl2_ref, n2g_ref, ln2s_ref, ln2b_ref,
               gw1_ref, gb1_ref, gw2_ref, gb2_ref, eps_ref,
               muw_ref, mub_ref, lvw_ref, lvb_ref,
               lpw_ref, lpb_ref, en1w_ref, en1b_ref, en2w_ref, en2b_ref,
               st1w_ref, st1b_ref, st2w_ref, st2b_ref,
               ed1wa_ref, ed1wb_ref, ed1b_ref, ed2wp_ref, ed2bp_ref,
               h2_ref, mu_ref, lv_ref, z_ref, pe_ref, ps_ref, zp_ref,
               etbl_ref, m_ref, denom_ref, numer_ref):
    i = pl.program_id(0)
    agg = jnp.concatenate(
        [p2_ref[0, 0] + p2_ref[0, 1], p2_ref[1, 0] + p2_ref[1, 1]], axis=1)
    agg = agg + sl2_ref[...]
    h2 = _ln(_leaky(agg), ln2s_ref[...], ln2b_ref[...])
    h2_ref[...] = h2
    g1 = jax.nn.relu(_dot(h2, gw1_ref[...]) + gb1_ref[...])
    gate = _dot(g1, gw2_ref[...]) + gb2_ref[...]
    gidx = lax.broadcasted_iota(jnp.int32, (NBK, B), 1)
    msk = gidx == n2g_ref[...]
    mf = msk.astype(jnp.float32)
    vals = jnp.where(msk, gate, -jnp.inf)
    bm = jnp.max(vals, axis=0, keepdims=True)

    @pl.when(i == 0)
    def _():
        m_ref[...] = jnp.full((1, B), -jnp.inf, jnp.float32)
        denom_ref[...] = jnp.zeros((B, 1), jnp.float32)
        numer_ref[...] = jnp.zeros((B, FIN), jnp.float32)

    m_old = m_ref[...]
    m_new = jnp.maximum(m_old, bm)
    m_ref[...] = m_new
    scale = jnp.where(jnp.isfinite(m_old), jnp.exp(m_old - m_new), 0.0)
    rr = lax.broadcasted_iota(jnp.int32, (B, B), 0)
    cc = lax.broadcasted_iota(jnp.int32, (B, B), 1)
    scale_col = jnp.max(
        jnp.where(rr == cc, jnp.broadcast_to(scale, (B, B)), -jnp.inf),
        axis=1, keepdims=True)
    mrow = jnp.where(msk, jnp.broadcast_to(m_new, (NBK, B)), 0.0)
    gmn = jnp.sum(mrow, axis=1, keepdims=True)
    e = jnp.exp(gate - gmn)
    oe = mf * e
    ones = jnp.ones((NBK, 1), jnp.float32)
    dn = lax.dot_general(oe, ones, (((0,), (0,)), ((), ())),
                         preferred_element_type=jnp.float32)
    nm = lax.dot_general(oe, h2, (((0,), (0,)), ((), ())),
                         preferred_element_type=jnp.float32)
    denom_new = denom_ref[...] * scale_col + dn
    numer_new = numer_ref[...] * scale_col + nm
    denom_ref[...] = denom_new
    numer_ref[...] = numer_new

    @pl.when(i == GRID - 1)
    def _():
        ge = numer_new / (denom_new + 1e-12)
        mu = jnp.clip(_dot(ge, muw_ref[...]) + mub_ref[...], -5.0, 5.0)
        lv = jnp.clip(_dot(ge, lvw_ref[...]) + lvb_ref[...], -10.0, 10.0)
        std = jnp.clip(jnp.exp(0.5 * lv), 1e-6, 1e6)
        z = mu + eps_ref[...] * std
        mu_ref[...] = mu
        lv_ref[...] = lv
        z_ref[...] = z
        zp = jax.nn.relu(_dot(z, lpw_ref[...]) + lpb_ref[...])
        zp_ref[...] = zp
        pe_ref[...] = _dot(jax.nn.relu(_dot(z, en1w_ref[...])
                                       + en1b_ref[...]),
                           en2w_ref[...]) + en2b_ref[...]
        ps_ref[...] = _dot(jax.nn.relu(_dot(z, st1w_ref[...])
                                       + st1b_ref[...]),
                           st2w_ref[...]) + st2b_ref[...]
        l = jnp.broadcast_to(zp[:, None, :], (B, B, FIN)).reshape(B * B, FIN)
        r = jnp.broadcast_to(zp[None, :, :], (B, B, FIN)).reshape(B * B, FIN)
        t = jax.nn.relu(_dot(l, ed1wa_ref[...]) + _dot(r, ed1wb_ref[...])
                        + ed1b_ref[...])
        et = lax.dot_general(ed2wp_ref[...], t, (((0,), (1,)), ((), ())),
                             preferred_element_type=jnp.float32)
        etbl_ref[...] = et + ed2bp_ref[...]


def _pool_call(p2, sl2, n2g2d, ln2s, ln2b, gw1, gb1, gw2, gb2, eps, *ws):
    full = lambda shape: pl.BlockSpec(shape, lambda i: tuple(0 for _ in shape))
    cst = lambda shape: pl.BlockSpec(shape, lambda i: tuple(0 for _ in shape))
    return pl.pallas_call(
        _pool_body,
        grid=(GRID,),
        in_specs=[
            pl.BlockSpec((2, NC, NBK, HID), lambda i: (0, 0, i, 0)),
            pl.BlockSpec((NBK, FIN), lambda i: (i, 0)),
            pl.BlockSpec((NBK, 1), lambda i: (i, 0)),
            full((1, FIN)), full((1, FIN)),
            full((FIN, HID)), full((1, HID)), full((HID, 1)), full((1, 1)),
            full((B, LAT)),
        ] + [full(w.shape) for w in ws],
        out_specs=[
            pl.BlockSpec((NBK, FIN), lambda i: (i, 0)),
            cst((B, LAT)), cst((B, LAT)), cst((B, LAT)),
            cst((B, 2)), cst((B, 9)), cst((B, FIN)), cst((8, B * B)),
        ],
        out_shape=[
            jax.ShapeDtypeStruct((N, FIN), jnp.float32),
            jax.ShapeDtypeStruct((B, LAT), jnp.float32),
            jax.ShapeDtypeStruct((B, LAT), jnp.float32),
            jax.ShapeDtypeStruct((B, LAT), jnp.float32),
            jax.ShapeDtypeStruct((B, 2), jnp.float32),
            jax.ShapeDtypeStruct((B, 9), jnp.float32),
            jax.ShapeDtypeStruct((B, FIN), jnp.float32),
            jax.ShapeDtypeStruct((8, B * B), jnp.float32),
        ],
        scratch_shapes=[pltpu.VMEM((1, B), jnp.float32),
                        pltpu.VMEM((B, 1), jnp.float32),
                        pltpu.VMEM((B, FIN), jnp.float32)],
    )(p2, sl2, n2g2d, ln2s, ln2b, gw1, gb1, gw2, gb2, eps, *ws)


def _head_body(numer_ref, denom_ref, eps_ref,
               muw_ref, mub_ref, lvw_ref, lvb_ref,
               lpw_ref, lpb_ref, en1w_ref, en1b_ref, en2w_ref, en2b_ref,
               st1w_ref, st1b_ref, st2w_ref, st2b_ref,
               ed1wa_ref, ed1wb_ref, ed1b_ref, ed2wp_ref, ed2bp_ref,
               mu_ref, lv_ref, z_ref, pe_ref, ps_ref, zp_ref, etbl_ref):
    ge = numer_ref[...] / (denom_ref[...] + 1e-12)
    mu = jnp.clip(_dot(ge, muw_ref[...]) + mub_ref[...], -5.0, 5.0)
    lv = jnp.clip(_dot(ge, lvw_ref[...]) + lvb_ref[...], -10.0, 10.0)
    std = jnp.clip(jnp.exp(0.5 * lv), 1e-6, 1e6)
    z = mu + eps_ref[...] * std
    mu_ref[...] = mu
    lv_ref[...] = lv
    z_ref[...] = z
    zp = jax.nn.relu(_dot(z, lpw_ref[...]) + lpb_ref[...])
    zp_ref[...] = zp
    pe_ref[...] = _dot(jax.nn.relu(_dot(z, en1w_ref[...]) + en1b_ref[...]),
                       en2w_ref[...]) + en2b_ref[...]
    ps_ref[...] = _dot(jax.nn.relu(_dot(z, st1w_ref[...]) + st1b_ref[...]),
                       st2w_ref[...]) + st2b_ref[...]
    l = jnp.broadcast_to(zp[:, None, :], (B, B, FIN)).reshape(B * B, FIN)
    r = jnp.broadcast_to(zp[None, :, :], (B, B, FIN)).reshape(B * B, FIN)
    t = jax.nn.relu(_dot(l, ed1wa_ref[...]) + _dot(r, ed1wb_ref[...])
                    + ed1b_ref[...])
    et = lax.dot_general(ed2wp_ref[...], t, (((0,), (1,)), ((), ())),
                         preferred_element_type=jnp.float32)
    etbl_ref[...] = et + ed2bp_ref[...]


def _head_call(numer, denom, eps, *ws):
    shapes = [w.shape for w in ws]
    return pl.pallas_call(
        _head_body,
        in_specs=[pl.BlockSpec((B, FIN), lambda: (0, 0)),
                  pl.BlockSpec((B, 1), lambda: (0, 0)),
                  pl.BlockSpec((B, LAT), lambda: (0, 0))]
        + [pl.BlockSpec(s, lambda: tuple(0 for _ in s)) for s in shapes],
        out_specs=[
            pl.BlockSpec((B, LAT), lambda: (0, 0)),
            pl.BlockSpec((B, LAT), lambda: (0, 0)),
            pl.BlockSpec((B, LAT), lambda: (0, 0)),
            pl.BlockSpec((B, 2), lambda: (0, 0)),
            pl.BlockSpec((B, 9), lambda: (0, 0)),
            pl.BlockSpec((B, FIN), lambda: (0, 0)),
            pl.BlockSpec((8, B * B), lambda: (0, 0)),
        ],
        out_shape=[
            jax.ShapeDtypeStruct((B, LAT), jnp.float32),
            jax.ShapeDtypeStruct((B, LAT), jnp.float32),
            jax.ShapeDtypeStruct((B, LAT), jnp.float32),
            jax.ShapeDtypeStruct((B, 2), jnp.float32),
            jax.ShapeDtypeStruct((B, 9), jnp.float32),
            jax.ShapeDtypeStruct((B, FIN), jnp.float32),
            jax.ShapeDtypeStruct((8, B * B), jnp.float32),
        ],
    )(numer, denom, eps, *ws)


def _node_body(h2_ref, n2g_ref, zp_ref, npw_ref, npb_ref,
               nd1w_ref, nd1b_ref, nd2w_ref, nd2b_ref, rn_ref):
    mf = (lax.broadcasted_iota(jnp.int32, (NBK, B), 1)
          == n2g_ref[...]).astype(jnp.float32)
    zexp = _dot(mf, zp_ref[...])
    nep = jax.nn.relu(_dot(h2_ref[...], npw_ref[...]) + npb_ref[...])
    t = jax.nn.relu(_dot(zexp + nep, nd1w_ref[...]) + nd1b_ref[...])
    rn_ref[...] = _dot(t, nd2w_ref[...]) + nd2b_ref[...]


def _node_call(h2, n2g2d, zp, npw, npb, nd1w, nd1b, nd2w, nd2b):
    full = lambda shape: pl.BlockSpec(shape, lambda i: tuple(0 for _ in shape))
    return pl.pallas_call(
        _node_body,
        grid=(GRID,),
        in_specs=[
            pl.BlockSpec((NBK, FIN), lambda i: (i, 0)),
            pl.BlockSpec((NBK, 1), lambda i: (i, 0)),
            full((B, FIN)),
            full((FIN, FIN)), full((1, FIN)),
            full((FIN, HID)), full((1, HID)),
            full((HID, 4)), full((1, 4)),
        ],
        out_specs=pl.BlockSpec((NBK, 4), lambda i: (i, 0)),
        out_shape=jax.ShapeDtypeStruct((N, 4), jnp.float32),
    )(h2, n2g2d, zp, npw, npb, nd1w, nd1b, nd2w, nd2b)


def _sc_prep_body(src_hbm, dst_hbm, et_hbm, n2g_hbm, rowidx_hbm, pid_hbm,
                  n2g_v, src_v, et_v, dst_v, row_v, pid_v):
    wid = lax.axis_index("s") * NC + lax.axis_index("c")
    base = wid * EPT
    pltpu.sync_copy(n2g_hbm, n2g_v)
    pltpu.sync_copy(src_hbm.at[pl.ds(base, EPT)], src_v.at[pl.ds(0, EPT)])
    pltpu.sync_copy(dst_hbm.at[pl.ds(base, EPT)], dst_v.at[pl.ds(0, EPT)])
    pltpu.sync_copy(et_hbm.at[pl.ds(base, EPT)], et_v.at[pl.ds(0, EPT)])
    lanes = lax.iota(jnp.int32, LANES)

    def body(i, carry):
        o = i * LANES
        valid = (o + lanes) < EPT
        s = jnp.where(valid, src_v[pl.ds(o, LANES)], 0)
        d = jnp.where(valid, dst_v[pl.ds(o, LANES)], 0)
        t = jnp.where(valid, et_v[pl.ds(o, LANES)], 0)
        row_v[pl.ds(o, LANES)] = t * N + s
        gs = plsc.load_gather(n2g_v, [s])
        gd = plsc.load_gather(n2g_v, [d])
        pid_v[pl.ds(o, LANES)] = gs * B + gd
        return carry

    lax.fori_loop(0, NVR, body, 0)
    pltpu.sync_copy(row_v.at[pl.ds(0, EPT)], rowidx_hbm.at[pl.ds(base, EPT)])
    pltpu.sync_copy(pid_v.at[pl.ds(0, EPT)], pid_hbm.at[pl.ds(base, EPT)])


def _msgpass_phase(table_hbm, ridx_v, dst_v, rows_a, rows_b, acc,
                   sem_a, sem_b, sid):
    plsc.subcore_barrier()
    pltpu.async_copy(table_hbm.at[ridx_v.at[0]], rows_a, sem_a)

    def body(j, carry):
        k0 = 2 * j
        k1 = k0 + 1
        pltpu.async_copy(table_hbm.at[ridx_v.at[k1]], rows_b, sem_b)
        pltpu.make_async_copy(table_hbm.at[ridx_v.at[k0]], rows_a,
                              sem_a).wait()
        pltpu.sync_copy(rows_a, acc.at[dst_v.at[k0]], add=True)

        @pl.when(k1 + 1 < NCH)
        def _():
            pltpu.async_copy(table_hbm.at[ridx_v.at[k1 + 1]], rows_a, sem_a)

        pltpu.make_async_copy(table_hbm.at[ridx_v.at[k1]], rows_b,
                              sem_b).wait()
        pltpu.sync_copy(rows_b, acc.at[dst_v.at[k1]], add=True)
        return carry

    lax.fori_loop(0, NCH // 2, body, 0)
    plsc.subcore_barrier()


def _sc_msgpass_body(table_hbm, rowidx_hbm, dst_hbm, zeros_hbm, out_hbm,
                     ridx_v, dst_v, rows_a, rows_b, acc, sem_a, sem_b):
    cid = lax.axis_index("c")
    sid = lax.axis_index("s")
    wid = sid * NC + cid
    pltpu.sync_copy(rowidx_hbm.at[pl.ds(wid * NCH, NCH)], ridx_v)
    pltpu.sync_copy(dst_hbm.at[pl.ds(wid * NCH, NCH)], dst_v)
    pltpu.sync_copy(zeros_hbm.at[pl.ds(sid * ROWS_PS, ROWS_PS)],
                    acc.at[pl.ds(sid * ROWS_PS, ROWS_PS)])
    _msgpass_phase(table_hbm, ridx_v, dst_v, rows_a, rows_b, acc,
                   sem_a, sem_b, sid)
    pltpu.sync_copy(acc.at[pl.ds(sid * ROWS_PS, ROWS_PS)],
                    out_hbm.at[cid, pl.ds(sid * ROWS_PS, ROWS_PS)])


def _sc_msgpass2_body(table_a_hbm, table_b_hbm, rowidx_hbm, dst_hbm, zeros_hbm,
                      out_hbm, ridx_v, dst_v, rows_a, rows_b, acc,
                      sem_a, sem_b):
    cid = lax.axis_index("c")
    sid = lax.axis_index("s")
    wid = sid * NC + cid
    pltpu.sync_copy(rowidx_hbm.at[pl.ds(wid * NCH, NCH)], ridx_v)
    pltpu.sync_copy(dst_hbm.at[pl.ds(wid * NCH, NCH)], dst_v)
    for half, table_hbm in ((0, table_a_hbm), (1, table_b_hbm)):
        pltpu.sync_copy(zeros_hbm.at[pl.ds(sid * ROWS_PS, ROWS_PS)],
                        acc.at[pl.ds(sid * ROWS_PS, ROWS_PS)])
        _msgpass_phase(table_hbm, ridx_v, dst_v, rows_a, rows_b, acc,
                       sem_a, sem_b, sid)
        pltpu.sync_copy(acc.at[pl.ds(sid * ROWS_PS, ROWS_PS)],
                        out_hbm.at[half, cid, pl.ds(sid * ROWS_PS, ROWS_PS)])


def _sc_edgeout_body(pid_hbm, etbl_hbm, dep_hbm, out_hbm, tbl_v, pid_v, out_v):
    del dep_hbm
    wid = lax.axis_index("s") * NC + lax.axis_index("c")
    base = wid * EPT
    pltpu.sync_copy(etbl_hbm.at[pl.ds(0, 3)], tbl_v)
    pltpu.sync_copy(pid_hbm.at[pl.ds(base, EPT)], pid_v.at[pl.ds(0, EPT)])
    lanes = lax.iota(jnp.int32, LANES)

    def body(i, carry):
        o = i * LANES
        valid = (o + lanes) < EPT
        pidv = jnp.where(valid, pid_v[pl.ds(o, LANES)], 0)
        rows = o + lanes
        for c in range(3):
            cvec = jnp.full((LANES,), c, jnp.int32)
            v = plsc.load_gather(tbl_v, [cvec, pidv])
            plsc.store_scatter(out_v, [rows, cvec], v)
        return carry

    lax.fori_loop(0, NVR, body, 0)
    pltpu.sync_copy(out_v.at[pl.ds(0, EPT)], out_hbm.at[pl.ds(base, EPT)])


@functools.cache
def _sc_kernels():
    mesh = plsc.VectorSubcoreMesh(core_axis_name="c", subcore_axis_name="s",
                                  num_cores=NC, num_subcores=NS)
    sc_params = pltpu.CompilerParams(needs_layout_passes=False,
                                     use_tc_tiling_on_sc=False)
    prep = pl.kernel(
        _sc_prep_body,
        out_type=[jax.ShapeDtypeStruct((E,), jnp.int32),
                  jax.ShapeDtypeStruct((E,), jnp.int32)],
        mesh=mesh,
        compiler_params=sc_params,
        scratch_types=[pltpu.VMEM((N,), jnp.int32),
                       pltpu.VMEM((EPT_PAD,), jnp.int32),
                       pltpu.VMEM((EPT_PAD,), jnp.int32),
                       pltpu.VMEM((EPT_PAD,), jnp.int32),
                       pltpu.VMEM((EPT_PAD,), jnp.int32),
                       pltpu.VMEM((EPT_PAD,), jnp.int32)],
    )
    msgpass = pl.kernel(
        _sc_msgpass_body,
        out_type=jax.ShapeDtypeStruct((NC, N, HID), jnp.float32),
        mesh=mesh,
        compiler_params=sc_params,
        scratch_types=[pltpu.VMEM((NCH, CH), jnp.int32),
                       pltpu.VMEM((NCH, CH), jnp.int32),
                       pltpu.VMEM((CH, HID), jnp.float32),
                       pltpu.VMEM((CH, HID), jnp.float32),
                       pltpu.VMEM_SHARED((N, HID), jnp.float32),
                       pltpu.SemaphoreType.DMA,
                       pltpu.SemaphoreType.DMA],
    )
    msgpass2 = pl.kernel(
        _sc_msgpass2_body,
        out_type=jax.ShapeDtypeStruct((2, NC, N, HID), jnp.float32),
        mesh=mesh,
        compiler_params=sc_params,
        scratch_types=[pltpu.VMEM((NCH, CH), jnp.int32),
                       pltpu.VMEM((NCH, CH), jnp.int32),
                       pltpu.VMEM((CH, HID), jnp.float32),
                       pltpu.VMEM((CH, HID), jnp.float32),
                       pltpu.VMEM_SHARED((N, HID), jnp.float32),
                       pltpu.SemaphoreType.DMA,
                       pltpu.SemaphoreType.DMA],
    )
    edgeout = pl.kernel(
        _sc_edgeout_body,
        out_type=jax.ShapeDtypeStruct((E, 3), jnp.float32),
        mesh=mesh,
        compiler_params=sc_params,
        scratch_types=[pltpu.VMEM((3, B * B), jnp.float32),
                       pltpu.VMEM((EPT_PAD,), jnp.int32),
                       pltpu.VMEM((EPT_PAD, 3), jnp.float32)],
    )
    return prep, msgpass, msgpass2, edgeout


def kernel(node_feat, edge_index, edge_types, node2graph, params):
    p = params
    src = edge_index[0]
    dst = edge_index[1]
    eps = jax.random.normal(jax.random.key(42), (B, LAT), dtype=jnp.float32)
    n2g2d = node2graph.reshape(N, 1)
    zeros = jnp.zeros((N, HID), jnp.float32)
    row1 = lambda a: a.reshape(1, -1)

    _sc_prep, _sc_msgpass, _sc_msgpass2, _sc_edgeout = _sc_kernels()
    rowidx, pid = _sc_prep(src, dst, edge_types, node2graph)
    rowidx2d = rowidx.reshape(E // CH, CH)
    dst2d = dst.reshape(E // CH, CH)

    xwr1 = _xwr1_call(node_feat, p['bases1'], p['wcomp1'])
    p1 = _sc_msgpass(xwr1.reshape(NR * N, HID), rowidx2d, dst2d, zeros)

    xwr2, sl2 = _layer2_call(
        p1, node_feat, p['loop1'], row1(p['b1']), row1(p['ln1s']),
        row1(p['ln1b']), p['bases2'], p['wcomp2'], p['loop2'], row1(p['b2']))

    p2 = _sc_msgpass2(xwr2[0].reshape(NR * N, HID),
                      xwr2[1].reshape(NR * N, HID), rowidx2d, dst2d, zeros)

    ed2wp = jnp.zeros((HID, 8), jnp.float32).at[:, :3].set(p['ed2w'])
    ed2bp = jnp.zeros((8, 1), jnp.float32).at[:3, 0].set(p['ed2b'])
    h2, mu, lv, z, pe, ps, zp, etbl = _pool_call(
        p2, sl2, n2g2d, row1(p['ln2s']), row1(p['ln2b']),
        p['gw1'], row1(p['gb1']), p['gw2'], row1(p['gb2']), eps,
        p['muw'], row1(p['mub']), p['lvw'], row1(p['lvb']),
        p['lpw'], row1(p['lpb']), p['en1w'], row1(p['en1b']),
        p['en2w'], row1(p['en2b']), p['st1w'], row1(p['st1b']),
        p['st2w'], row1(p['st2b']),
        p['ed1w'][:FIN], p['ed1w'][FIN:], row1(p['ed1b']), ed2wp, ed2bp)

    rn = _node_call(h2, n2g2d, zp, p['npw'], row1(p['npb']),
                    p['nd1w'], row1(p['nd1b']), p['nd2w'], row1(p['nd2b']))

    re = _sc_edgeout(pid, etbl, p2)

    return (mu, lv, z, rn, re, pe, ps)

# --- scband reference (transcript-rebuilt; emitter-appended) ---
"""Pipeline reference for scband-crystal-rgcnvae-27522150432771 (READ-ONLY COPY).

The authoritative reference and input builder live on the scoring server;
editing this copy changes nothing except your own understanding.
"""

import jax, jax.numpy as jnp
import numpy as np

N = 10000
E = 160000
B = 64
NODE_FEAT_DIM = 4
EDGE_FEAT_DIM = 3
HID = 128
FIN = 2 * HID
LAT = 64
NUM_RELS = 4
NUM_BASES = 4


def _dense(x, w, b):
    return x @ w + b


def setup_inputs(seed: int = 0):
    key = jax.random.key(seed)
    ks = jax.random.split(key, 40)
    node_feat = jax.random.normal(ks[0], (N, NODE_FEAT_DIM), dtype=jnp.float32)
    edge_index = jax.random.randint(ks[1], (2, E), 0, N, dtype=jnp.int32)
    edge_types = jax.random.randint(ks[2], (E,), 0, NUM_RELS, dtype=jnp.int32)
    node2graph = jnp.sort(jax.random.randint(ks[3], (N,), 0, B, dtype=jnp.int32))

    def w(k, shape):
        return jax.random.normal(k, shape, dtype=jnp.float32) * 0.05

    p = {}
    # encoder rgcn1 (basis-decomposed RelGraphConv + self-loop + bias, then LeakyReLU + LayerNorm)
    p['bases1'] = w(ks[4], (NUM_BASES, NODE_FEAT_DIM, HID)); p['wcomp1'] = w(ks[5], (NUM_RELS, NUM_BASES))
    p['loop1'] = w(ks[6], (NODE_FEAT_DIM, HID)); p['b1'] = jnp.zeros((HID,), jnp.float32)
    p['ln1s'] = jnp.ones((HID,), jnp.float32); p['ln1b'] = jnp.zeros((HID,), jnp.float32)
    # encoder rgcn2
    p['bases2'] = w(ks[7], (NUM_BASES, HID, FIN)); p['wcomp2'] = w(ks[8], (NUM_RELS, NUM_BASES))
    p['loop2'] = w(ks[9], (HID, FIN)); p['b2'] = jnp.zeros((FIN,), jnp.float32)
    p['ln2s'] = jnp.ones((FIN,), jnp.float32); p['ln2b'] = jnp.zeros((FIN,), jnp.float32)
    # global attention pooling gate_nn: Linear(FIN,HID)-ReLU-Linear(HID,1)
    p['gw1'] = w(ks[10], (FIN, HID)); p['gb1'] = jnp.zeros((HID,), jnp.float32)
    p['gw2'] = w(ks[11], (HID, 1)); p['gb2'] = jnp.zeros((1,), jnp.float32)
    # fc_mu / fc_logvar (logvar init: weight=0.01, bias=-2.0 as in torch code)
    p['muw'] = w(ks[12], (FIN, LAT)); p['mub'] = jnp.zeros((LAT,), jnp.float32)
    p['lvw'] = jnp.full((FIN, LAT), 0.01, jnp.float32); p['lvb'] = jnp.full((LAT,), -2.0, jnp.float32)
    # decoder
    p['lpw'] = w(ks[13], (LAT, FIN)); p['lpb'] = jnp.zeros((FIN,), jnp.float32)
    p['npw'] = w(ks[14], (FIN, FIN)); p['npb'] = jnp.zeros((FIN,), jnp.float32)
    p['nd1w'] = w(ks[15], (FIN, HID)); p['nd1b'] = jnp.zeros((HID,), jnp.float32)
    p['nd2w'] = w(ks[16], (HID, NODE_FEAT_DIM)); p['nd2b'] = jnp.zeros((NODE_FEAT_DIM,), jnp.float32)
    p['ed1w'] = w(ks[17], (4 * HID, HID)); p['ed1b'] = jnp.zeros((HID,), jnp.float32)
    p['ed2w'] = w(ks[18], (HID, EDGE_FEAT_DIM)); p['ed2b'] = jnp.zeros((EDGE_FEAT_DIM,), jnp.float32)
    p['en1w'] = w(ks[19], (LAT, HID)); p['en1b'] = jnp.zeros((HID,), jnp.float32)
    p['en2w'] = w(ks[20], (HID, 2)); p['en2b'] = jnp.zeros((2,), jnp.float32)
    p['st1w'] = w(ks[21], (LAT, HID)); p['st1b'] = jnp.zeros((HID,), jnp.float32)
    p['st2w'] = w(ks[22], (HID, 9)); p['st2b'] = jnp.zeros((9,), jnp.float32)
    return {'node_feat': node_feat, 'edge_index': edge_index, 'edge_types': edge_types,
            'node2graph': node2graph, 'params': p}


def _forward(node_feat, params, edge_index, edge_types, node2graph):
    p = params
    src = edge_index[0]
    dst = edge_index[1]

    def rgcn(x, bases, wcomp, loop, bias):
        # basis regularizer: W_r = sum_b wcomp[r,b] * bases[b]
        xW = jnp.einsum('ni,bio->bno', x, bases)  # [nb, N, out]
        wc_e = wcomp[edge_types]                  # [E, nb]
        msg = jnp.zeros((src.shape[0], bases.shape[2]), dtype=x.dtype)
        for b in range(bases.shape[0]):
            msg = msg + wc_e[:, b:b + 1] * xW[b][src]
        agg = jax.ops.segment_sum(msg, dst, num_segments=x.shape[0])
        return agg + x @ loop + bias

    def leaky(x):
        return jnp.where(x > 0, x, 0.1 * x)

    def ln(x, s, b):
        m = jnp.mean(x, axis=-1, keepdims=True)
        v = jnp.var(x, axis=-1, keepdims=True)
        return (x - m) / jnp.sqrt(v + 1e-5) * s + b

    h = ln(leaky(rgcn(node_feat, p['bases1'], p['wcomp1'], p['loop1'], p['b1'])), p['ln1s'], p['ln1b'])
    h = ln(leaky(rgcn(h, p['bases2'], p['wcomp2'], p['loop2'], p['b2'])), p['ln2s'], p['ln2b'])

    # GlobalAttentionPooling: per-graph softmax gate then weighted sum
    gate = _dense(jax.nn.relu(_dense(h, p['gw1'], p['gb1'])), p['gw2'], p['gb2'])  # [N,1]
    gmax = jax.ops.segment_max(gate, node2graph, num_segments=B)
    gmax = jnp.where(jnp.isfinite(gmax), gmax, 0.0)
    e = jnp.exp(gate - gmax[node2graph])
    denom = jax.ops.segment_sum(e, node2graph, num_segments=B)
    alpha = e / (denom[node2graph] + 1e-12)
    graph_emb = jax.ops.segment_sum(alpha * h, node2graph, num_segments=B)

    mu = jnp.clip(_dense(graph_emb, p['muw'], p['mub']), -5.0, 5.0)
    logvar = jnp.clip(_dense(graph_emb, p['lvw'], p['lvb']), -10.0, 10.0)
    std = jnp.clip(jnp.exp(0.5 * logvar), 1e-6, 1e6)
    eps = jax.random.normal(jax.random.key(42), std.shape, dtype=std.dtype)
    z = mu + eps * std

    # decoder (dropout is identity in eval mode)
    z_proj = jax.nn.relu(_dense(z, p['lpw'], p['lpb']))         # [B, FIN]
    z_exp = z_proj[node2graph]                                   # broadcast per-graph latent to nodes
    nep = jax.nn.relu(_dense(h, p['npw'], p['npb']))
    recon_node = _dense(jax.nn.relu(_dense(z_exp + nep, p['nd1w'], p['nd1b'])), p['nd2w'], p['nd2b'])
    edge_in = jnp.concatenate([z_exp[src], z_exp[dst]], axis=1)  # [E, 4*HID]
    recon_edge = _dense(jax.nn.relu(_dense(edge_in, p['ed1w'], p['ed1b'])), p['ed2w'], p['ed2b'])
    pred_energy = _dense(jax.nn.relu(_dense(z, p['en1w'], p['en1b'])), p['en2w'], p['en2b'])
    pred_stress = _dense(jax.nn.relu(_dense(z, p['st1w'], p['st1b'])), p['st2w'], p['st2b'])
    return (mu, logvar, z, recon_node, recon_edge, pred_energy, pred_stress)


def reference(node_feat, edge_index, edge_types, node2graph, params):
    return _forward(node_feat, params, edge_index, edge_types, node2graph)

if __name__ == "__main__":
    import jax
    _d = setup_inputs()
    print(jax.jit(kernel)(*tuple(_d.values())))

</pallas_src>

<mosaic_0001>
#map = affine_map<(d0, d1) -> (0)>
#map1 = affine_map<(d0, d1) -> (0, 0)>
#map2 = affine_map<(d0, d1) -> (0, 0, 0, 0)>
module attributes {stable_mosaic.version = 14 : i64} {
  func.func @_sc_edgeout_body(%arg0: i32, %arg1: i32, %arg2: memref<160000xi32, #tpu.memory_space<hbm>>, %arg3: memref<8x4096xf32, #tpu.memory_space<hbm>>, %arg4: memref<2x2x10000x128xf32, #tpu.memory_space<hbm>>, %arg5: memref<160000x3xf32, #tpu.memory_space<hbm>>, %arg6: memref<3x4096xf32, #tpu.memory_space<vmem>>, %arg7: memref<5016xi32, #tpu.memory_space<vmem>>, %arg8: memref<5016x3xf32, #tpu.memory_space<vmem>>) attributes {dimension_semantics = [#tpu.dimension_semantics<core_parallel>, #tpu.dimension_semantics<subcore_parallel>], iteration_bounds = array<i64: 2, 16>, scalar_prefetch = 0 : i64, scratch_operands = 3 : i64, tpu.core_type = #tpu.core_type<sc_vector_subcore>, window_params = [{transform_indices = #map}, {transform_indices = #map1}, {transform_indices = #map2}, {transform_indices = #map1}]} {
    %mul3A = arith.constant 2 : i32
    %mul3A_0 = arith.muli %arg1, %mul3A : i32
    %add3A = arith.addi %mul3A_0, %arg0 : i32
    %mul3A_1 = arith.constant 5000 : i32
    %mul3A_2 = arith.muli %add3A, %mul3A_1 : i32
    "tpu.region"() ({
      %run_scoped3A = tpu.sem_alloc : memref<!tpu.dma_semaphore, #tpu.memory_space<semaphore_mem>>
      %dma_start3A = arith.constant 0 : i32
      %dma_start3A_8 = arith.constant 0 : i32
      %dma_start3A_9 = tpu.memref_slice %arg3[%dma_start3A, %dma_start3A_8] : memref<8x4096xf32, #tpu.memory_space<hbm>> -> memref<3x4096xf32, #tpu.memory_space<hbm>>
      %dma_start3A_10 = arith.constant 0 : i32
      %dma_start3A_11 = arith.constant 0 : i32
      %dma_start3A_12 = tpu.memref_slice %arg3[%dma_start3A_10, %dma_start3A_11] : memref<8x4096xf32, #tpu.memory_space<hbm>> -> memref<3x4096xf32, #tpu.memory_space<hbm>>
      tpu.enqueue_dma source(%dma_start3A_12 : memref<3x4096xf32, #tpu.memory_space<hbm>>) target(%arg6 : memref<3x4096xf32, #tpu.memory_space<vmem>>) target_semaphore(%run_scoped3A : memref<!tpu.dma_semaphore, #tpu.memory_space<semaphore_mem>>)
      %dma_wait3A = arith.constant 0 : i32
      %dma_wait3A_13 = arith.constant 0 : i32
      %dma_wait3A_14 = tpu.memref_slice %arg3[%dma_wait3A, %dma_wait3A_13] : memref<8x4096xf32, #tpu.memory_space<hbm>> -> memref<3x4096xf32, #tpu.memory_space<hbm>>
      %dma_wait3A_15 = arith.constant 0 : i32
      %dma_wait3A_16 = arith.constant 0 : i32
      %dma_wait3A_17 = tpu.memref_slice %arg3[%dma_wait3A_15, %dma_wait3A_16] : memref<8x4096xf32, #tpu.memory_space<hbm>> -> memref<3x4096xf32, #tpu.memory_space<hbm>>
      tpu.wait_dma2 semaphore(%run_scoped3A : memref<!tpu.dma_semaphore, #tpu.memory_space<semaphore_mem>>) src(%dma_wait3A_17 : memref<3x4096xf32, #tpu.memory_space<hbm>>) dst(%arg6 : memref<3x4096xf32, #tpu.memory_space<vmem>>)
      tpu.yield
    }) : () -> ()
    "tpu.region"() ({
      %run_scoped3A = tpu.sem_alloc : memref<!tpu.dma_semaphore, #tpu.memory_space<semaphore_mem>>
      %dma_start3A = arith.constant 0 : i32
      %dma_start3A_8 = tpu.memref_slice %arg7[%dma_start3A] : memref<5016xi32, #tpu.memory_space<vmem>> -> memref<5000xi32, #tpu.memory_space<vmem>>
      %dma_start3A_9 = tpu.memref_slice %arg2[%mul3A_2] : memref<160000xi32, #tpu.memory_space<hbm>> -> memref<5000xi32, #tpu.memory_space<hbm>>
      %dma_start3A_10 = arith.constant 0 : i32
      %dma_start3A_11 = tpu.memref_slice %arg7[%dma_start3A_10] : memref<5016xi32, #tpu.memory_space<vmem>> -> memref<5000xi32, #tpu.memory_space<vmem>>
      %dma_start3A_12 = tpu.memref_slice %arg2[%mul3A_2] : memref<160000xi32, #tpu.memory_space<hbm>> -> memref<5000xi32, #tpu.memory_space<hbm>>
      tpu.enqueue_dma source(%dma_start3A_12 : memref<5000xi32, #tpu.memory_space<hbm>>) target(%dma_start3A_11 : memref<5000xi32, #tpu.memory_space<vmem>>) target_semaphore(%run_scoped3A : memref<!tpu.dma_semaphore, #tpu.memory_space<semaphore_mem>>)
      %dma_wait3A = arith.constant 0 : i32
      %dma_wait3A_13 = tpu.memref_slice %arg7[%dma_wait3A] : memref<5016xi32, #tpu.memory_space<vmem>> -> memref<5000xi32, #tpu.memory_space<vmem>>
      %dma_wait3A_14 = tpu.memref_slice %arg2[%mul3A_2] : memref<160000xi32, #tpu.memory_space<hbm>> -> memref<5000xi32, #tpu.memory_space<hbm>>
      %dma_wait3A_15 = arith.constant 0 : i32
      %dma_wait3A_16 = tpu.memref_slice %arg7[%dma_wait3A_15] : memref<5016xi32, #tpu.memory_space<vmem>> -> memref<5000xi32, #tpu.memory_space<vmem>>
      %dma_wait3A_17 = tpu.memref_slice %arg2[%mul3A_2] : memref<160000xi32, #tpu.memory_space<hbm>> -> memref<5000xi32, #tpu.memory_space<hbm>>
      tpu.wait_dma2 semaphore(%run_scoped3A : memref<!tpu.dma_semaphore, #tpu.memory_space<semaphore_mem>>) src(%dma_wait3A_17 : memref<5000xi32, #tpu.memory_space<hbm>>) dst(%dma_wait3A_16 : memref<5000xi32, #tpu.memory_space<vmem>>)
      tpu.yield
    }) : () -> ()
    %iota3A = tpu.iota {dimensions = array<i32: 0>} : vector<16xi32>
    %scan3A = arith.constant 0 : i32
    %scan3A_3 = arith.constant 0 : i32
    %scan3A_4 = arith.constant 313 : i32
    %scan3A_5 = arith.addi %scan3A_3, %scan3A_4 : i32
    %scan3A_6 = arith.constant 1 : i32
    scf.for %scan3A_8 = %scan3A_3 to %scan3A_5 step %scan3A_6  : i32 {
      %mul3A_9 = arith.constant 16 : i32
      %mul3A_10 = arith.muli %scan3A_8, %mul3A_9 : i32
      %add3A_11 = vector.broadcast %mul3A_10 : i32 to vector<16xi32>
      %add3A_12 = arith.addi %add3A_11, %iota3A : vector<16xi32>
      %lt3A = arith.constant 5000 : i32
      %lt3A_13 = vector.broadcast %lt3A : i32 to vector<16xi32>
      %lt3A_14 = arith.cmpi slt, %add3A_12, %lt3A_13 : vector<16xi32>
      %get3A = arith.index_cast %mul3A_10 : i32 to index
      %get3A_15 = tpu.vector_load %arg7[%get3A] {strides = array<i32>} : memref<5016xi32, #tpu.memory_space<vmem>>, vector<16xi32>,
      %jit3A = arith.constant 0 : i32
      %broadcast_in_dim3A = vector.broadcast %jit3A : i32 to vector<16xi32>
      %select_n3A = arith.select %lt3A_14, %get3A_15, %broadcast_in_dim3A : vector<16xi1>, vector<16xi32>
      %add3A_16 = vector.broadcast %mul3A_10 : i32 to vector<16xi32>
      %add3A_17 = arith.addi %add3A_16, %iota3A : vector<16xi32>
      %broadcast_in_dim3A_18 = arith.constant 0 : i32
      %broadcast_in_dim3A_19 = vector.broadcast %broadcast_in_dim3A_18 : i32 to vector<16xi32>
      %gather3A = tpu.vector_load_idx %arg6[%broadcast_in_dim3A_19, %select_n3A] : memref<3x4096xf32, #tpu.memory_space<vmem>>[vector<16xi32>, vector<16xi32>], vector<16xf32>,
      tpu.vector_store_idx %arg8[%add3A_17, %broadcast_in_dim3A_19], %gather3A : memref<5016x3xf32, #tpu.memory_space<vmem>>[vector<16xi32>, vector<16xi32>], vector<16xf32>,
      %broadcast_in_dim3A_20 = arith.constant 1 : i32
      %broadcast_in_dim3A_21 = vector.broadcast %broadcast_in_dim3A_20 : i32 to vector<16xi32>
      %gather3A_22 = tpu.vector_load_idx %arg6[%broadcast_in_dim3A_21, %select_n3A] : memref<3x4096xf32, #tpu.memory_space<vmem>>[vector<16xi32>, vector<16xi32>], vector<16xf32>,
      tpu.vector_store_idx %arg8[%add3A_17, %broadcast_in_dim3A_21], %gather3A_22 : memref<5016x3xf32, #tpu.memory_space<vmem>>[vector<16xi32>, vector<16xi32>], vector<16xf32>,
      %broadcast_in_dim3A_23 = arith.constant 2 : i32
      %broadcast_in_dim3A_24 = vector.broadcast %broadcast_in_dim3A_23 : i32 to vector<16xi32>
      %gather3A_25 = tpu.vector_load_idx %arg6[%broadcast_in_dim3A_24, %select_n3A] : memref<3x4096xf32, #tpu.memory_space<vmem>>[vector<16xi32>, vector<16xi32>], vector<16xf32>,
      tpu.vector_store_idx %arg8[%add3A_17, %broadcast_in_dim3A_24], %gather3A_25 : memref<5016x3xf32, #tpu.memory_space<vmem>>[vector<16xi32>, vector<16xi32>], vector<16xf32>,
    }
    %scan3A_7 = arith.constant 313 : i32
    "tpu.region"() ({
      %run_scoped3A = tpu.sem_alloc : memref<!tpu.dma_semaphore, #tpu.memory_space<semaphore_mem>>
      %dma_start3A = arith.constant 0 : i32
      %dma_start3A_8 = arith.constant 0 : i32
      %dma_start3A_9 = tpu.memref_slice %arg8[%dma_start3A, %dma_start3A_8] : memref<5016x3xf32, #tpu.memory_space<vmem>> -> memref<5000x3xf32, #tpu.memory_space<vmem>>
      %dma_start3A_10 = arith.constant 0 : i32
      %dma_start3A_11 = tpu.memref_slice %arg5[%mul3A_2, %dma_start3A_10] : memref<160000x3xf32, #tpu.memory_space<hbm>> -> memref<5000x3xf32, #tpu.memory_space<hbm>>
      %dma_start3A_12 = arith.constant 0 : i32
      %dma_start3A_13 = tpu.memref_slice %arg5[%mul3A_2, %dma_start3A_12] : memref<160000x3xf32, #tpu.memory_space<hbm>> -> memref<5000x3xf32, #tpu.memory_space<hbm>>
      %dma_start3A_14 = arith.constant 0 : i32
      %dma_start3A_15 = arith.constant 0 : i32
      %dma_start3A_16 = tpu.memref_slice %arg8[%dma_start3A_14, %dma_start3A_15] : memref<5016x3xf32, #tpu.memory_space<vmem>> -> memref<5000x3xf32, #tpu.memory_space<vmem>>
      tpu.enqueue_dma source(%dma_start3A_16 : memref<5000x3xf32, #tpu.memory_space<vmem>>) target(%dma_start3A_13 : memref<5000x3xf32, #tpu.memory_space<hbm>>) target_semaphore(%run_scoped3A : memref<!tpu.dma_semaphore, #tpu.memory_space<semaphore_mem>>)
      %dma_wait3A = arith.constant 0 : i32
      %dma_wait3A_17 = arith.constant 0 : i32
      %dma_wait3A_18 = tpu.memref_slice %arg8[%dma_wait3A, %dma_wait3A_17] : memref<5016x3xf32, #tpu.memory_space<vmem>> -> memref<5000x3xf32, #tpu.memory_space<vmem>>
      %dma_wait3A_19 = arith.constant 0 : i32
      %dma_wait3A_20 = tpu.memref_slice %arg5[%mul3A_2, %dma_wait3A_19] : memref<160000x3xf32, #tpu.memory_space<hbm>> -> memref<5000x3xf32, #tpu.memory_space<hbm>>
      %dma_wait3A_21 = arith.constant 0 : i32
      %dma_wait3A_22 = tpu.memref_slice %arg5[%mul3A_2, %dma_wait3A_21] : memref<160000x3xf32, #tpu.memory_space<hbm>> -> memref<5000x3xf32, #tpu.memory_space<hbm>>
      %dma_wait3A_23 = arith.constant 0 : i32
      %dma_wait3A_24 = arith.constant 0 : i32
      %dma_wait3A_25 = tpu.memref_slice %arg8[%dma_wait3A_23, %dma_wait3A_24] : memref<5016x3xf32, #tpu.memory_space<vmem>> -> memref<5000x3xf32, #tpu.memory_space<vmem>>
      tpu.wait_dma2 semaphore(%run_scoped3A : memref<!tpu.dma_semaphore, #tpu.memory_space<semaphore_mem>>) src(%dma_wait3A_25 : memref<5000x3xf32, #tpu.memory_space<vmem>>) dst(%dma_wait3A_22 : memref<5000x3xf32, #tpu.memory_space<hbm>>)
      tpu.yield
    }) : () -> ()
    return
  }
}

#map = affine_map<(d0, d1) -> (0)>
module attributes {stable_mosaic.version = 14 : i64} {
  func.func @_sc_prep_body(%arg0: i32, %arg1: i32, %arg2: memref<160000xi32, #tpu.memory_space<hbm>>, %arg3: memref<160000xi32, #tpu.memory_space<hbm>>, %arg4: memref<160000xi32, #tpu.memory_space<hbm>>, %arg5: memref<10000xi32, #tpu.memory_space<hbm>>, %arg6: memref<160000xi32, #tpu.memory_space<hbm>>, %arg7: memref<160000xi32, #tpu.memory_space<hbm>>, %arg8: memref<10000xi32, #tpu.memory_space<vmem>>, %arg9: memref<5016xi32, #tpu.memory_space<vmem>>, %arg10: memref<5016xi32, #tpu.memory_space<vmem>>, %arg11: memref<5016xi32, #tpu.memory_space<vmem>>, %arg12: memref<5016xi32, #tpu.memory_space<vmem>>, %arg13: memref<5016xi32, #tpu.memory_space<vmem>>) attributes {dimension_semantics = [#tpu.dimension_semantics<core_parallel>, #tpu.dimension_semantics<subcore_parallel>], iteration_bounds = array<i64: 2, 16>, scalar_prefetch = 0 : i64, scratch_operands = 6 : i64, tpu.core_type = #tpu.core_type<sc_vector_subcore>, window_params = [{transform_indices = #map}, {transform_indices = #map}, {transform_indices = #map}, {transform_indices = #map}, {transform_indices = #map}, {transform_indices = #map}]} {
    %mul3A = arith.constant 2 : i32
    %mul3A_0 = arith.muli %arg1, %mul3A : i32
    %add3A = arith.addi %mul3A_0, %arg0 : i32
    %mul3A_1 = arith.constant 5000 : i32
    %mul3A_2 = arith.muli %add3A, %mul3A_1 : i32
    "tpu.region"() ({
      %run_scoped3A = tpu.sem_alloc : memref<!tpu.dma_semaphore, #tpu.memory_space<semaphore_mem>>
      tpu.enqueue_dma source(%arg5 : memref<10000xi32, #tpu.memory_space<hbm>>) target(%arg8 : memref<10000xi32, #tpu.memory_space<vmem>>) target_semaphore(%run_scoped3A : memref<!tpu.dma_semaphore, #tpu.memory_space<semaphore_mem>>)
      tpu.wait_dma2 semaphore(%run_scoped3A : memref<!tpu.dma_semaphore, #tpu.memory_space<semaphore_mem>>) src(%arg5 : memref<10000xi32, #tpu.memory_space<hbm>>) dst(%arg8 : memref<10000xi32, #tpu.memory_space<vmem>>)
      tpu.yield
    }) : () -> ()
    "tpu.region"() ({
      %run_scoped3A = tpu.sem_alloc : memref<!tpu.dma_semaphore, #tpu.memory_space<semaphore_mem>>
      %dma_start3A = arith.constant 0 : i32
      %dma_start3A_8 = tpu.memref_slice %arg9[%dma_start3A] : memref<5016xi32, #tpu.memory_space<vmem>> -> memref<5000xi32, #tpu.memory_space<vmem>>
      %dma_start3A_9 = tpu.memref_slice %arg2[%mul3A_2] : memref<160000xi32, #tpu.memory_space<hbm>> -> memref<5000xi32, #tpu.memory_space<hbm>>
      %dma_start3A_10 = arith.constant 0 : i32
      %dma_start3A_11 = tpu.memref_slice %arg9[%dma_start3A_10] : memref<5016xi32, #tpu.memory_space<vmem>> -> memref<5000xi32, #tpu.memory_space<vmem>>
      %dma_start3A_12 = tpu.memref_slice %arg2[%mul3A_2] : memref<160000xi32, #tpu.memory_space<hbm>> -> memref<5000xi32, #tpu.memory_space<hbm>>
      tpu.enqueue_dma source(%dma_start3A_12 : memref<5000xi32, #tpu.memory_space<hbm>>) target(%dma_start3A_11 : memref<5000xi32, #tpu.memory_space<vmem>>) target_semaphore(%run_scoped3A : memref<!tpu.dma_semaphore, #tpu.memory_space<semaphore_mem>>)
      %dma_wait3A = arith.constant 0 : i32
      %dma_wait3A_13 = tpu.memref_slice %arg9[%dma_wait3A] : memref<5016xi32, #tpu.memory_space<vmem>> -> memref<5000xi32, #tpu.memory_space<vmem>>
      %dma_wait3A_14 = tpu.memref_slice %arg2[%mul3A_2] : memref<160000xi32, #tpu.memory_space<hbm>> -> memref<5000xi32, #tpu.memory_space<hbm>>
      %dma_wait3A_15 = arith.constant 0 : i32
      %dma_wait3A_16 = tpu.memref_slice %arg9[%dma_wait3A_15] : memref<5016xi32, #tpu.memory_space<vmem>> -> memref<5000xi32, #tpu.memory_space<vmem>>
      %dma_wait3A_17 = tpu.memref_slice %arg2[%mul3A_2] : memref<160000xi32, #tpu.memory_space<hbm>> -> memref<5000xi32, #tpu.memory_space<hbm>>
      tpu.wait_dma2 semaphore(%run_scoped3A : memref<!tpu.dma_semaphore, #tpu.memory_space<semaphore_mem>>) src(%dma_wait3A_17 : memref<5000xi32, #tpu.memory_space<hbm>>) dst(%dma_wait3A_16 : memref<5000xi32, #tpu.memory_space<vmem>>)
      tpu.yield
    }) : () -> ()
    "tpu.region"() ({
      %run_scoped3A = tpu.sem_alloc : memref<!tpu.dma_semaphore, #tpu.memory_space<semaphore_mem>>
      %dma_start3A = arith.constant 0 : i32
      %dma_start3A_8 = tpu.memref_slice %arg11[%dma_start3A] : memref<5016xi32, #tpu.memory_space<vmem>> -> memref<5000xi32, #tpu.memory_space<vmem>>
      %dma_start3A_9 = tpu.memref_slice %arg3[%mul3A_2] : memref<160000xi32, #tpu.memory_space<hbm>> -> memref<5000xi32, #tpu.memory_space<hbm>>
      %dma_start3A_10 = arith.constant 0 : i32
      %dma_start3A_11 = tpu.memref_slice %arg11[%dma_start3A_10] : memref<5016xi32, #tpu.memory_space<vmem>> -> memref<5000xi32, #tpu.memory_space<vmem>>
      %dma_start3A_12 = tpu.memref_slice %arg3[%mul3A_2] : memref<160000xi32, #tpu.memory_space<hbm>> -> memref<5000xi32, #tpu.memory_space<hbm>>
      tpu.enqueue_dma source(%dma_start3A_12 : memref<5000xi32, #tpu.memory_space<hbm>>) target(%dma_start3A_11 : memref<5000xi32, #tpu.memory_space<vmem>>) target_semaphore(%run_scoped3A : memref<!tpu.dma_semaphore, #tpu.memory_space<semaphore_mem>>)
      %dma_wait3A = arith.constant 0 : i32
      %dma_wait3A_13 = tpu.memref_slice %arg11[%dma_wait3A] : memref<5016xi32, #tpu.memory_space<vmem>> -> memref<5000xi32, #tpu.memory_space<vmem>>
      %dma_wait3A_14 = tpu.memref_slice %arg3[%mul3A_2] : memref<160000xi32, #tpu.memory_space<hbm>> -> memref<5000xi32, #tpu.memory_space<hbm>>
      %dma_wait3A_15 = arith.constant 0 : i32
      %dma_wait3A_16 = tpu.memref_slice %arg11[%dma_wait3A_15] : memref<5016xi32, #tpu.memory_space<vmem>> -> memref<5000xi32, #tpu.memory_space<vmem>>
      %dma_wait3A_17 = tpu.memref_slice %arg3[%mul3A_2] : memref<160000xi32, #tpu.memory_space<hbm>> -> memref<5000xi32, #tpu.memory_space<hbm>>
      tpu.wait_dma2 semaphore(%run_scoped3A : memref<!tpu.dma_semaphore, #tpu.memory_space<semaphore_mem>>) src(%dma_wait3A_17 : memref<5000xi32, #tpu.memory_space<hbm>>) dst(%dma_wait3A_16 : memref<5000xi32, #tpu.memory_space<vmem>>)
      tpu.yield
    }) : () -> ()
    "tpu.region"() ({
      %run_scoped3A = tpu.sem_alloc : memref<!tpu.dma_semaphore, #tpu.memory_space<semaphore_mem>>
      %dma_start3A = arith.constant 0 : i32
      %dma_start3A_8 = tpu.memref_slice %arg10[%dma_start3A] : memref<5016xi32, #tpu.memory_space<vmem>> -> memref<5000xi32, #tpu.memory_space<vmem>>
      %dma_start3A_9 = tpu.memref_slice %arg4[%mul3A_2] : memref<160000xi32, #tpu.memory_space<hbm>> -> memref<5000xi32, #tpu.memory_space<hbm>>
      %dma_start3A_10 = arith.constant 0 : i32
      %dma_start3A_11 = tpu.memref_slice %arg10[%dma_start3A_10] : memref<5016xi32, #tpu.memory_space<vmem>> -> memref<5000xi32, #tpu.memory_space<vmem>>
      %dma_start3A_12 = tpu.memref_slice %arg4[%mul3A_2] : memref<160000xi32, #tpu.memory_space<hbm>> -> memref<5000xi32, #tpu.memory_space<hbm>>
      tpu.enqueue_dma source(%dma_start3A_12 : memref<5000xi32, #tpu.memory_space<hbm>>) target(%dma_start3A_11 : memref<5000xi32, #tpu.memory_space<vmem>>) target_semaphore(%run_scoped3A : memref<!tpu.dma_semaphore, #tpu.memory_space<semaphore_mem>>)
      %dma_wait3A = arith.constant 0 : i32
      %dma_wait3A_13 = tpu.memref_slice %arg10[%dma_wait3A] : memref<5016xi32, #tpu.memory_space<vmem>> -> memref<5000xi32, #tpu.memory_space<vmem>>
      %dma_wait3A_14 = tpu.memref_slice %arg4[%mul3A_2] : memref<160000xi32, #tpu.memory_space<hbm>> -> memref<5000xi32, #tpu.memory_space<hbm>>
      %dma_wait3A_15 = arith.constant 0 : i32
      %dma_wait3A_16 = tpu.memref_slice %arg10[%dma_wait3A_15] : memref<5016xi32, #tpu.memory_space<vmem>> -> memref<5000xi32, #tpu.memory_space<vmem>>
      %dma_wait3A_17 = tpu.memref_slice %arg4[%mul3A_2] : memref<160000xi32, #tpu.memory_space<hbm>> -> memref<5000xi32, #tpu.memory_space<hbm>>
      tpu.wait_dma2 semaphore(%run_scoped3A : memref<!tpu.dma_semaphore, #tpu.memory_space<semaphore_mem>>) src(%dma_wait3A_17 : memref<5000xi32, #tpu.memory_space<hbm>>) dst(%dma_wait3A_16 : memref<5000xi32, #tpu.memory_space<vmem>>)
      tpu.yield
    }) : () -> ()
    %iota3A = tpu.iota {dimensions = array<i32: 0>} : vector<16xi32>
    %scan3A = arith.constant 0 : i32
    %scan3A_3 = arith.constant 0 : i32
    %scan3A_4 = arith.constant 313 : i32
    %scan3A_5 = arith.addi %scan3A_3, %scan3A_4 : i32
    %scan3A_6 = arith.constant 1 : i32
    scf.for %scan3A_8 = %scan3A_3 to %scan3A_5 step %scan3A_6  : i32 {
      %mul3A_9 = arith.constant 16 : i32
      %mul3A_10 = arith.muli %scan3A_8, %mul3A_9 : i32
      %add3A_11 = vector.broadcast %mul3A_10 : i32 to vector<16xi32>
      %add3A_12 = arith.addi %add3A_11, %iota3A : vector<16xi32>
      %lt3A = arith.constant 5000 : i32
      %lt3A_13 = vector.broadcast %lt3A : i32 to vector<16xi32>
      %lt3A_14 = arith.cmpi slt, %add3A_12, %lt3A_13 : vector<16xi32>
      %get3A = arith.index_cast %mul3A_10 : i32 to index
      %get3A_15 = tpu.vector_load %arg9[%get3A] {strides = array<i32>} : memref<5016xi32, #tpu.memory_space<vmem>>, vector<16xi32>,
      %jit3A = arith.constant 0 : i32
      %broadcast_in_dim3A = vector.broadcast %jit3A : i32 to vector<16xi32>
      %select_n3A = arith.select %lt3A_14, %get3A_15, %broadcast_in_dim3A : vector<16xi1>, vector<16xi32>
      %get3A_16 = arith.index_cast %mul3A_10 : i32 to index
      %get3A_17 = tpu.vector_load %arg11[%get3A_16] {strides = array<i32>} : memref<5016xi32, #tpu.memory_space<vmem>>, vector<16xi32>,
      %jit3A_18 = arith.constant 0 : i32
      %broadcast_in_dim3A_19 = vector.broadcast %jit3A_18 : i32 to vector<16xi32>
      %select_n3A_20 = arith.select %lt3A_14, %get3A_17, %broadcast_in_dim3A_19 : vector<16xi1>, vector<16xi32>
      %get3A_21 = arith.index_cast %mul3A_10 : i32 to index
      %get3A_22 = tpu.vector_load %arg10[%get3A_21] {strides = array<i32>} : memref<5016xi32, #tpu.memory_space<vmem>>, vector<16xi32>,
      %jit3A_23 = arith.constant 0 : i32
      %broadcast_in_dim3A_24 = vector.broadcast %jit3A_23 : i32 to vector<16xi32>
      %select_n3A_25 = arith.select %lt3A_14, %get3A_22, %broadcast_in_dim3A_24 : vector<16xi1>, vector<16xi32>
      %mul3A_26 = arith.constant 10000 : i32
      %mul3A_27 = vector.broadcast %mul3A_26 : i32 to vector<16xi32>
      %mul3A_28 = arith.muli %select_n3A_25, %mul3A_27 : vector<16xi32>
      %add3A_29 = arith.addi %mul3A_28, %select_n3A : vector<16xi32>
      %swap3A = arith.index_cast %mul3A_10 : i32 to index
      %swap3A_30 = tpu.vector_load %arg12[%swap3A] {strides = array<i32>} : memref<5016xi32, #tpu.memory_space<vmem>>, vector<16xi32>,
      tpu.vector_store %arg12[%swap3A], %add3A_29 {strides = array<i32>} : memref<5016xi32, #tpu.memory_space<vmem>>, vector<16xi32>,
      %gather3A = tpu.vector_load_idx %arg8[%select_n3A] : memref<10000xi32, #tpu.memory_space<vmem>>[vector<16xi32>], vector<16xi32>,
      %gather3A_31 = tpu.vector_load_idx %arg8[%select_n3A_20] : memref<10000xi32, #tpu.memory_space<vmem>>[vector<16xi32>], vector<16xi32>,
      %mul3A_32 = arith.constant 64 : i32
      %mul3A_33 = vector.broadcast %mul3A_32 : i32 to vector<16xi32>
      %mul3A_34 = arith.muli %gather3A, %mul3A_33 : vector<16xi32>
      %add3A_35 = arith.addi %mul3A_34, %gather3A_31 : vector<16xi32>
      %swap3A_36 = arith.index_cast %mul3A_10 : i32 to index
      %swap3A_37 = tpu.vector_load %arg13[%swap3A_36] {strides = array<i32>} : memref<5016xi32, #tpu.memory_space<vmem>>, vector<16xi32>,
      tpu.vector_store %arg13[%swap3A_36], %add3A_35 {strides = array<i32>} : memref<5016xi32, #tpu.memory_space<vmem>>, vector<16xi32>,
    }
    %scan3A_7 = arith.constant 313 : i32
    "tpu.region"() ({
      %run_scoped3A = tpu.sem_alloc : memref<!tpu.dma_semaphore, #tpu.memory_space<semaphore_mem>>
      %dma_start3A = arith.constant 0 : i32
      %dma_start3A_8 = tpu.memref_slice %arg12[%dma_start3A] : memref<5016xi32, #tpu.memory_space<vmem>> -> memref<5000xi32, #tpu.memory_space<vmem>>
      %dma_start3A_9 = tpu.memref_slice %arg6[%mul3A_2] : memref<160000xi32, #tpu.memory_space<hbm>> -> memref<5000xi32, #tpu.memory_space<hbm>>
      %dma_start3A_10 = tpu.memref_slice %arg6[%mul3A_2] : memref<160000xi32, #tpu.memory_space<hbm>> -> memref<5000xi32, #tpu.memory_space<hbm>>
      %dma_start3A_11 = arith.constant 0 : i32
      %dma_start3A_12 = tpu.memref_slice %arg12[%dma_start3A_11] : memref<5016xi32, #tpu.memory_space<vmem>> -> memref<5000xi32, #tpu.memory_space<vmem>>
      tpu.enqueue_dma source(%dma_start3A_12 : memref<5000xi32, #tpu.memory_space<vmem>>) target(%dma_start3A_10 : memref<5000xi32, #tpu.memory_space<hbm>>) target_semaphore(%run_scoped3A : memref<!tpu.dma_semaphore, #tpu.memory_space<semaphore_mem>>)
      %dma_wait3A = arith.constant 0 : i32
      %dma_wait3A_13 = tpu.memref_slice %arg12[%dma_wait3A] : memref<5016xi32, #tpu.memory_space<vmem>> -> memref<5000xi32, #tpu.memory_space<vmem>>
      %dma_wait3A_14 = tpu.memref_slice %arg6[%mul3A_2] : memref<160000xi32, #tpu.memory_space<hbm>> -> memref<5000xi32, #tpu.memory_space<hbm>>
      %dma_wait3A_15 = tpu.memref_slice %arg6[%mul3A_2] : memref<160000xi32, #tpu.memory_space<hbm>> -> memref<5000xi32, #tpu.memory_space<hbm>>
      %dma_wait3A_16 = arith.constant 0 : i32
      %dma_wait3A_17 = tpu.memref_slice %arg12[%dma_wait3A_16] : memref<5016xi32, #tpu.memory_space<vmem>> -> memref<5000xi32, #tpu.memory_space<vmem>>
      tpu.wait_dma2 semaphore(%run_scoped3A : memref<!tpu.dma_semaphore, #tpu.memory_space<semaphore_mem>>) src(%dma_wait3A_17 : memref<5000xi32, #tpu.memory_space<vmem>>) dst(%dma_wait3A_15 : memref<5000xi32, #tpu.memory_space<hbm>>)
      tpu.yield
    }) : () -> ()
    "tpu.region"() ({
      %run_scoped3A = tpu.sem_alloc : memref<!tpu.dma_semaphore, #tpu.memory_space<semaphore_mem>>
      %dma_start3A = arith.constant 0 : i32
      %dma_start3A_8 = tpu.memref_slice %arg13[%dma_start3A] : memref<5016xi32, #tpu.memory_space<vmem>> -> memref<5000xi32, #tpu.memory_space<vmem>>
      %dma_start3A_9 = tpu.memref_slice %arg7[%mul3A_2] : memref<160000xi32, #tpu.memory_space<hbm>> -> memref<5000xi32, #tpu.memory_space<hbm>>
      %dma_start3A_10 = tpu.memref_slice %arg7[%mul3A_2] : memref<160000xi32, #tpu.memory_space<hbm>> -> memref<5000xi32, #tpu.memory_space<hbm>>
      %dma_start3A_11 = arith.constant 0 : i32
      %dma_start3A_12 = tpu.memref_slice %arg13[%dma_start3A_11] : memref<5016xi32, #tpu.memory_space<vmem>> -> memref<5000xi32, #tpu.memory_space<vmem>>
      tpu.enqueue_dma source(%dma_start3A_12 : memref<5000xi32, #tpu.memory_space<vmem>>) target(%dma_start3A_10 : memref<5000xi32, #tpu.memory_space<hbm>>) target_semaphore(%run_scoped3A : memref<!tpu.dma_semaphore, #tpu.memory_space<semaphore_mem>>)
      %dma_wait3A = arith.constant 0 : i32
      %dma_wait3A_13 = tpu.memref_slice %arg13[%dma_wait3A] : memref<5016xi32, #tpu.memory_space<vmem>> -> memref<5000xi32, #tpu.memory_space<vmem>>
      %dma_wait3A_14 = tpu.memref_slice %arg7[%mul3A_2] : memref<160000xi32, #tpu.memory_space<hbm>> -> memref<5000xi32, #tpu.memory_space<hbm>>
      %dma_wait3A_15 = tpu.memref_slice %arg7[%mul3A_2] : memref<160000xi32, #tpu.memory_space<hbm>> -> memref<5000xi32, #tpu.memory_space<hbm>>
      %dma_wait3A_16 = arith.constant 0 : i32
      %dma_wait3A_17 = tpu.memref_slice %arg13[%dma_wait3A_16] : memref<5016xi32, #tpu.memory_space<vmem>> -> memref<5000xi32, #tpu.memory_space<vmem>>
      tpu.wait_dma2 semaphore(%run_scoped3A : memref<!tpu.dma_semaphore, #tpu.memory_space<semaphore_mem>>) src(%dma_wait3A_17 : memref<5000xi32, #tpu.memory_space<vmem>>) dst(%dma_wait3A_15 : memref<5000xi32, #tpu.memory_space<hbm>>)
      tpu.yield
    }) : () -> ()
    return
  }
}

#map = affine_map<(d0, d1) -> (0, 0)>
#map1 = affine_map<(d0, d1) -> (0, 0, 0, 0)>
module attributes {stable_mosaic.version = 14 : i64} {
  func.func @_sc_msgpass2_body(%arg0: i32, %arg1: i32, %arg2: memref<40000x128xf32, #tpu.memory_space<hbm>>, %arg3: memref<40000x128xf32, #tpu.memory_space<hbm>>, %arg4: memref<1280x125xi32, #tpu.memory_space<hbm>>, %arg5: memref<1280x125xi32, #tpu.memory_space<hbm>>, %arg6: memref<10000x128xf32, #tpu.memory_space<hbm>>, %arg7: memref<2x2x10000x128xf32, #tpu.memory_space<hbm>>, %arg8: memref<40x125xi32, #tpu.memory_space<vmem>>, %arg9: memref<40x125xi32, #tpu.memory_space<vmem>>, %arg10: memref<125x128xf32, #tpu.memory_space<vmem>>, %arg11: memref<125x128xf32, #tpu.memory_space<vmem>>, %arg12: memref<10000x128xf32, #tpu.memory_space<vmem_shared>>, %arg13: memref<!tpu.dma_semaphore, #tpu.memory_space<semaphore_mem>>, %arg14: memref<!tpu.dma_semaphore, #tpu.memory_space<semaphore_mem>>) attributes {dimension_semantics = [#tpu.dimension_semantics<core_parallel>, #tpu.dimension_semantics<subcore_parallel>], iteration_bounds = array<i64: 2, 16>, scalar_prefetch = 0 : i64, scratch_operands = 7 : i64, tpu.core_type = #tpu.core_type<sc_vector_subcore>, window_params = [{transform_indices = #map}, {transform_indices = #map}, {transform_indices = #map}, {transform_indices = #map}, {transform_indices = #map}, {transform_indices = #map1}]} {
    %mul3A = arith.constant 2 : i32
    %mul3A_0 = arith.muli %arg1, %mul3A : i32
    %add3A = arith.addi %mul3A_0, %arg0 : i32
    %mul3A_1 = arith.constant 40 : i32
    %mul3A_2 = arith.muli %add3A, %mul3A_1 : i32
    "tpu.region"() ({
      %run_scoped3A_49 = tpu.sem_alloc : memref<!tpu.dma_semaphore, #tpu.memory_space<semaphore_mem>>
      %dma_start3A_50 = arith.constant 0 : i32
      %dma_start3A_51 = tpu.memref_slice %arg4[%mul3A_2, %dma_start3A_50] : memref<1280x125xi32, #tpu.memory_space<hbm>> -> memref<40x125xi32, #tpu.memory_space<hbm>>
      %dma_start3A_52 = arith.constant 0 : i32
      %dma_start3A_53 = tpu.memref_slice %arg4[%mul3A_2, %dma_start3A_52] : memref<1280x125xi32, #tpu.memory_space<hbm>> -> memref<40x125xi32, #tpu.memory_space<hbm>>
      tpu.enqueue_dma source(%dma_start3A_53 : memref<40x125xi32, #tpu.memory_space<hbm>>) target(%arg8 : memref<40x125xi32, #tpu.memory_space<vmem>>) target_semaphore(%run_scoped3A_49 : memref<!tpu.dma_semaphore, #tpu.memory_space<semaphore_mem>>)
      %dma_wait3A = arith.constant 0 : i32
      %dma_wait3A_54 = tpu.memref_slice %arg4[%mul3A_2, %dma_wait3A] : memref<1280x125xi32, #tpu.memory_space<hbm>> -> memref<40x125xi32, #tpu.memory_space<hbm>>
      %dma_wait3A_55 = arith.constant 0 : i32
      %dma_wait3A_56 = tpu.memref_slice %arg4[%mul3A_2, %dma_wait3A_55] : memref<1280x125xi32, #tpu.memory_space<hbm>> -> memref<40x125xi32, #tpu.memory_space<hbm>>
      tpu.wait_dma2 semaphore(%run_scoped3A_49 : memref<!tpu.dma_semaphore, #tpu.memory_space<semaphore_mem>>) src(%dma_wait3A_56 : memref<40x125xi32, #tpu.memory_space<hbm>>) dst(%arg8 : memref<40x125xi32, #tpu.memory_space<vmem>>)
      tpu.yield
    }) : () -> ()
    %mul3A_3 = arith.constant 40 : i32
    %mul3A_4 = arith.muli %add3A, %mul3A_3 : i32
    "tpu.region"() ({
      %run_scoped3A_49 = tpu.sem_alloc : memref<!tpu.dma_semaphore, #tpu.memory_space<semaphore_mem>>
      %dma_start3A_50 = arith.constant 0 : i32
      %dma_start3A_51 = tpu.memref_slice %arg5[%mul3A_4, %dma_start3A_50] : memref<1280x125xi32, #tpu.memory_space<hbm>> -> memref<40x125xi32, #tpu.memory_space<hbm>>
      %dma_start3A_52 = arith.constant 0 : i32
      %dma_start3A_53 = tpu.memref_slice %arg5[%mul3A_4, %dma_start3A_52] : memref<1280x125xi32, #tpu.memory_space<hbm>> -> memref<40x125xi32, #tpu.memory_space<hbm>>
      tpu.enqueue_dma source(%dma_start3A_53 : memref<40x125xi32, #tpu.memory_space<hbm>>) target(%arg9 : memref<40x125xi32, #tpu.memory_space<vmem>>) target_semaphore(%run_scoped3A_49 : memref<!tpu.dma_semaphore, #tpu.memory_space<semaphore_mem>>)
      %dma_wait3A = arith.constant 0 : i32
      %dma_wait3A_54 = tpu.memref_slice %arg5[%mul3A_4, %dma_wait3A] : memref<1280x125xi32, #tpu.memory_space<hbm>> -> memref<40x125xi32, #tpu.memory_space<hbm>>
      %dma_wait3A_55 = arith.constant 0 : i32
      %dma_wait3A_56 = tpu.memref_slice %arg5[%mul3A_4, %dma_wait3A_55] : memref<1280x125xi32, #tpu.memory_space<hbm>> -> memref<40x125xi32, #tpu.memory_space<hbm>>
      tpu.wait_dma2 semaphore(%run_scoped3A_49 : memref<!tpu.dma_semaphore, #tpu.memory_space<semaphore_mem>>) src(%dma_wait3A_56 : memref<40x125xi32, #tpu.memory_space<hbm>>) dst(%arg9 : memref<40x125xi32, #tpu.memory_space<vmem>>)
      tpu.yield
    }) : () -> ()
    %mul3A_5 = arith.constant 625 : i32
    %mul3A_6 = arith.muli %arg1, %mul3A_5 : i32
    %mul3A_7 = arith.constant 625 : i32
    %mul3A_8 = arith.muli %arg1, %mul3A_7 : i32
    "tpu.region"() ({
      %run_scoped3A_49 = tpu.sem_alloc : memref<!tpu.dma_semaphore, #tpu.memory_space<semaphore_mem>>
      %dma_start3A_50 = arith.constant 0 : i32
      %dma_start3A_51 = tpu.memref_slice %arg12[%mul3A_8, %dma_start3A_50] : memref<10000x128xf32, #tpu.memory_space<vmem_shared>> -> memref<625x128xf32, #tpu.memory_space<vmem_shared>>
      %dma_start3A_52 = arith.constant 0 : i32
      %dma_start3A_53 = tpu.memref_slice %arg6[%mul3A_6, %dma_start3A_52] : memref<10000x128xf32, #tpu.memory_space<hbm>> -> memref<625x128xf32, #tpu.memory_space<hbm>>
      tpu.enqueue_dma source(%dma_start3A_53 : memref<625x128xf32, #tpu.memory_space<hbm>>) target(%dma_start3A_51 : memref<625x128xf32, #tpu.memory_space<vmem_shared>>) target_semaphore(%run_scoped3A_49 : memref<!tpu.dma_semaphore, #tpu.memory_space<semaphore_mem>>)
      %dma_wait3A = arith.constant 0 : i32
      %dma_wait3A_54 = tpu.memref_slice %arg12[%mul3A_8, %dma_wait3A] : memref<10000x128xf32, #tpu.memory_space<vmem_shared>> -> memref<625x128xf32, #tpu.memory_space<vmem_shared>>
      %dma_wait3A_55 = arith.constant 0 : i32
      %dma_wait3A_56 = tpu.memref_slice %arg6[%mul3A_6, %dma_wait3A_55] : memref<10000x128xf32, #tpu.memory_space<hbm>> -> memref<625x128xf32, #tpu.memory_space<hbm>>
      tpu.wait_dma2 semaphore(%run_scoped3A_49 : memref<!tpu.dma_semaphore, #tpu.memory_space<semaphore_mem>>) src(%dma_wait3A_56 : memref<625x128xf32, #tpu.memory_space<hbm>>) dst(%dma_wait3A_54 : memref<625x128xf32, #tpu.memory_space<vmem_shared>>)
      tpu.yield
    }) : () -> ()
    %barrier3A = arith.constant 0 : index
    tpu.barrier barrier_id(%barrier3A)
    %dma_start3A = arith.constant 0 : i32
    %dma_start3A_9 = arith.constant 0 : i32
    %dma_start3A_10 = tpu.memref_slice %arg8[%dma_start3A, %dma_start3A_9] : memref<40x125xi32, #tpu.memory_space<vmem>> -> memref<1x125xi32, #tpu.memory_space<vmem>>
    %dma_start3A_11 = tpu.memref_squeeze %dma_start3A_10 : memref<1x125xi32, #tpu.memory_space<vmem>> -> memref<125xi32, #tpu.memory_space<vmem>>
    %dma_start3A_12 = arith.constant 0 : i32
    %dma_start3A_13 = arith.constant 0 : i32
    %dma_start3A_14 = tpu.memref_slice %arg2[%dma_start3A_12, %dma_start3A_13] : memref<40000x128xf32, #tpu.memory_space<hbm>> -> memref<40000x128xf32, #tpu.memory_space<hbm>>
    tpu.enqueue_indirect_dma source(%dma_start3A_14 : memref<40000x128xf32, #tpu.memory_space<hbm>>) target(%arg10 : memref<125x128xf32, #tpu.memory_space<vmem>>) offsets(%dma_start3A_11 : memref<125xi32, #tpu.memory_space<vmem>>) semaphore(%arg13 : memref<!tpu.dma_semaphore, #tpu.memory_space<semaphore_mem>>)
    %scan3A = arith.constant 0 : i32
    %scan3A_15 = arith.constant 0 : i32
    %scan3A_16 = arith.constant 20 : i32
    %scan3A_17 = arith.addi %scan3A_15, %scan3A_16 : i32
    %scan3A_18 = arith.constant 1 : i32
    scf.for %scan3A_49 = %scan3A_15 to %scan3A_17 step %scan3A_18  : i32 {
      %mul3A_50 = arith.constant 2 : i32
      %mul3A_51 = arith.muli %mul3A_50, %scan3A_49 : i32
      %add3A_52 = arith.constant 1 : i32
      %add3A_53 = arith.addi %mul3A_51, %add3A_52 : i32
      %dma_start3A_54 = arith.constant 0 : i32
      %dma_start3A_55 = tpu.memref_slice %arg8[%add3A_53, %dma_start3A_54] : memref<40x125xi32, #tpu.memory_space<vmem>> -> memref<1x125xi32, #tpu.memory_space<vmem>>
      %dma_start3A_56 = tpu.memref_squeeze %dma_start3A_55 : memref<1x125xi32, #tpu.memory_space<vmem>> -> memref<125xi32, #tpu.memory_space<vmem>>
      %dma_start3A_57 = arith.constant 0 : i32
      %dma_start3A_58 = arith.constant 0 : i32
      %dma_start3A_59 = tpu.memref_slice %arg2[%dma_start3A_57, %dma_start3A_58] : memref<40000x128xf32, #tpu.memory_space<hbm>> -> memref<40000x128xf32, #tpu.memory_space<hbm>>
      tpu.enqueue_indirect_dma source(%dma_start3A_59 : memref<40000x128xf32, #tpu.memory_space<hbm>>) target(%arg11 : memref<125x128xf32, #tpu.memory_space<vmem>>) offsets(%dma_start3A_56 : memref<125xi32, #tpu.memory_space<vmem>>) semaphore(%arg14 : memref<!tpu.dma_semaphore, #tpu.memory_space<semaphore_mem>>)
      %dma_wait3A = arith.constant 0 : i32
      %dma_wait3A_60 = tpu.memref_slice %arg8[%mul3A_51, %dma_wait3A] : memref<40x125xi32, #tpu.memory_space<vmem>> -> memref<1x125xi32, #tpu.memory_space<vmem>>
      %dma_wait3A_61 = tpu.memref_squeeze %dma_wait3A_60 : memref<1x125xi32, #tpu.memory_space<vmem>> -> memref<125xi32, #tpu.memory_space<vmem>>
      %dma_wait3A_62 = arith.constant 0 : i32
      %dma_wait3A_63 = arith.constant 0 : i32
      %dma_wait3A_64 = tpu.memref_slice %arg2[%dma_wait3A_62, %dma_wait3A_63] : memref<40000x128xf32, #tpu.memory_space<hbm>> -> memref<40000x128xf32, #tpu.memory_space<hbm>>
      tpu.wait_indirect_dma semaphore(%arg13 : memref<!tpu.dma_semaphore, #tpu.memory_space<semaphore_mem>>) src(%dma_wait3A_64 : memref<40000x128xf32, #tpu.memory_space<hbm>>) dst(%arg10 : memref<125x128xf32, #tpu.memory_space<vmem>>)
      "tpu.region"() ({
        %run_scoped3A_75 = tpu.sem_alloc : memref<!tpu.dma_semaphore, #tpu.memory_space<semaphore_mem>>
        %dma_start3A_76 = arith.constant 0 : i32
        %dma_start3A_77 = tpu.memref_slice %arg9[%mul3A_51, %dma_start3A_76] : memref<40x125xi32, #tpu.memory_space<vmem>> -> memref<1x125xi32, #tpu.memory_space<vmem>>
        %dma_start3A_78 = tpu.memref_squeeze %dma_start3A_77 : memref<1x125xi32, #tpu.memory_space<vmem>> -> memref<125xi32, #tpu.memory_space<vmem>>
        %dma_start3A_79 = arith.constant 0 : i32
        %dma_start3A_80 = arith.constant 0 : i32
        %dma_start3A_81 = tpu.memref_slice %arg12[%dma_start3A_79, %dma_start3A_80] : memref<10000x128xf32, #tpu.memory_space<vmem_shared>> -> memref<10000x128xf32, #tpu.memory_space<vmem_shared>>
        tpu.enqueue_indirect_dma source(%arg10 : memref<125x128xf32, #tpu.memory_space<vmem>>) target(%dma_start3A_81 : memref<10000x128xf32, #tpu.memory_space<vmem_shared>>) offsets(%dma_start3A_78 : memref<125xi32, #tpu.memory_space<vmem>>) semaphore(%run_scoped3A_75 : memref<!tpu.dma_semaphore, #tpu.memory_space<semaphore_mem>>) {add = true}
        %dma_wait3A_82 = arith.constant 0 : i32
        %dma_wait3A_83 = tpu.memref_slice %arg9[%mul3A_51, %dma_wait3A_82] : memref<40x125xi32, #tpu.memory_space<vmem>> -> memref<1x125xi32, #tpu.memory_space<vmem>>
        %dma_wait3A_84 = tpu.memref_squeeze %dma_wait3A_83 : memref<1x125xi32, #tpu.memory_space<vmem>> -> memref<125xi32, #tpu.memory_space<vmem>>
        %dma_wait3A_85 = arith.constant 0 : i32
        %dma_wait3A_86 = arith.constant 0 : i32
        %dma_wait3A_87 = tpu.memref_slice %arg12[%dma_wait3A_85, %dma_wait3A_86] : memref<10000x128xf32, #tpu.memory_space<vmem_shared>> -> memref<10000x128xf32, #tpu.memory_space<vmem_shared>>
        tpu.wait_indirect_dma semaphore(%run_scoped3A_75 : memref<!tpu.dma_semaphore, #tpu.memory_space<semaphore_mem>>) src(%arg10 : memref<125x128xf32, #tpu.memory_space<vmem>>) dst(%dma_wait3A_87 : memref<10000x128xf32, #tpu.memory_space<vmem_shared>>)
        tpu.yield
      }) : () -> ()
      %add3A_65 = arith.constant 1 : i32
      %add3A_66 = arith.addi %add3A_53, %add3A_65 : i32
      %lt3A = arith.constant 40 : i32
      %lt3A_67 = arith.cmpi slt, %add3A_66, %lt3A : i32
      %convert_element_type3A = arith.extui %lt3A_67 : i1 to i32
      %cond3A = arith.constant 0 : i32
      %cond3A_68 = arith.cmpi ne, %convert_element_type3A, %cond3A : i32
      scf.if %cond3A_68 {
        %add3A_75 = arith.constant 1 : i32
        %add3A_76 = arith.addi %add3A_53, %add3A_75 : i32
        %dma_start3A_77 = arith.constant 0 : i32
        %dma_start3A_78 = tpu.memref_slice %arg8[%add3A_76, %dma_start3A_77] : memref<40x125xi32, #tpu.memory_space<vmem>> -> memref<1x125xi32, #tpu.memory_space<vmem>>
        %dma_start3A_79 = tpu.memref_squeeze %dma_start3A_78 : memref<1x125xi32, #tpu.memory_space<vmem>> -> memref<125xi32, #tpu.memory_space<vmem>>
        %dma_start3A_80 = arith.constant 0 : i32
        %dma_start3A_81 = arith.constant 0 : i32
        %dma_start3A_82 = tpu.memref_slice %arg2[%dma_start3A_80, %dma_start3A_81] : memref<40000x128xf32, #tpu.memory_space<hbm>> -> memref<40000x128xf32, #tpu.memory_space<hbm>>
        tpu.enqueue_indirect_dma source(%dma_start3A_82 : memref<40000x128xf32, #tpu.memory_space<hbm>>) target(%arg10 : memref<125x128xf32, #tpu.memory_space<vmem>>) offsets(%dma_start3A_79 : memref<125xi32, #tpu.memory_space<vmem>>) semaphore(%arg13 : memref<!tpu.dma_semaphore, #tpu.memory_space<semaphore_mem>>)
      } else {
      }
      %dma_wait3A_69 = arith.constant 0 : i32
      %dma_wait3A_70 = tpu.memref_slice %arg8[%add3A_53, %dma_wait3A_69] : memref<40x125xi32, #tpu.memory_space<vmem>> -> memref<1x125xi32, #tpu.memory_space<vmem>>
      %dma_wait3A_71 = tpu.memref_squeeze %dma_wait3A_70 : memref<1x125xi32, #tpu.memory_space<vmem>> -> memref<125xi32, #tpu.memory_space<vmem>>
      %dma_wait3A_72 = arith.constant 0 : i32
      %dma_wait3A_73 = arith.constant 0 : i32
      %dma_wait3A_74 = tpu.memref_slice %arg2[%dma_wait3A_72, %dma_wait3A_73] : memref<40000x128xf32, #tpu.memory_space<hbm>> -> memref<40000x128xf32, #tpu.memory_space<hbm>>
      tpu.wait_indirect_dma semaphore(%arg14 : memref<!tpu.dma_semaphore, #tpu.memory_space<semaphore_mem>>) src(%dma_wait3A_74 : memref<40000x128xf32, #tpu.memory_space<hbm>>) dst(%arg11 : memref<125x128xf32, #tpu.memory_space<vmem>>)
      "tpu.region"() ({
        %run_scoped3A_75 = tpu.sem_alloc : memref<!tpu.dma_semaphore, #tpu.memory_space<semaphore_mem>>
        %dma_start3A_76 = arith.constant 0 : i32
        %dma_start3A_77 = tpu.memref_slice %arg9[%add3A_53, %dma_start3A_76] : memref<40x125xi32, #tpu.memory_space<vmem>> -> memref<1x125xi32, #tpu.memory_space<vmem>>
        %dma_start3A_78 = tpu.memref_squeeze %dma_start3A_77 : memref<1x125xi32, #tpu.memory_space<vmem>> -> memref<125xi32, #tpu.memory_space<vmem>>
        %dma_start3A_79 = arith.constant 0 : i32
        %dma_start3A_80 = arith.constant 0 : i32
        %dma_start3A_81 = tpu.memref_slice %arg12[%dma_start3A_79, %dma_start3A_80] : memref<10000x128xf32, #tpu.memory_space<vmem_shared>> -> memref<10000x128xf32, #tpu.memory_space<vmem_shared>>
        tpu.enqueue_indirect_dma source(%arg11 : memref<125x128xf32, #tpu.memory_space<vmem>>) target(%dma_start3A_81 : memref<10000x128xf32, #tpu.memory_space<vmem_shared>>) offsets(%dma_start3A_78 : memref<125xi32, #tpu.memory_space<vmem>>) semaphore(%run_scoped3A_75 : memref<!tpu.dma_semaphore, #tpu.memory_space<semaphore_mem>>) {add = true}
        %dma_wait3A_82 = arith.constant 0 : i32
        %dma_wait3A_83 = tpu.memref_slice %arg9[%add3A_53, %dma_wait3A_82] : memref<40x125xi32, #tpu.memory_space<vmem>> -> memref<1x125xi32, #tpu.memory_space<vmem>>
        %dma_wait3A_84 = tpu.memref_squeeze %dma_wait3A_83 : memref<1x125xi32, #tpu.memory_space<vmem>> -> memref<125xi32, #tpu.memory_space<vmem>>
        %dma_wait3A_85 = arith.constant 0 : i32
        %dma_wait3A_86 = arith.constant 0 : i32
        %dma_wait3A_87 = tpu.memref_slice %arg12[%dma_wait3A_85, %dma_wait3A_86] : memref<10000x128xf32, #tpu.memory_space<vmem_shared>> -> memref<10000x128xf32, #tpu.memory_space<vmem_shared>>
        tpu.wait_indirect_dma semaphore(%run_scoped3A_75 : memref<!tpu.dma_semaphore, #tpu.memory_space<semaphore_mem>>) src(%arg11 : memref<125x128xf32, #tpu.memory_space<vmem>>) dst(%dma_wait3A_87 : memref<10000x128xf32, #tpu.memory_space<vmem_shared>>)
        tpu.yield
      }) : () -> ()
    }
    %scan3A_19 = arith.constant 20 : i32
    %barrier3A_20 = arith.constant 0 : index
    tpu.barrier barrier_id(%barrier3A_20)
    %mul3A_21 = arith.constant 625 : i32
    %mul3A_22 = arith.muli %arg1, %mul3A_21 : i32
    %mul3A_23 = arith.constant 625 : i32
    %mul3A_24 = arith.muli %arg1, %mul3A_23 : i32
    %run_scoped3A = arith.constant 0 : i32
    "tpu.region"() ({
      %run_scoped3A_49 = tpu.sem_alloc : memref<!tpu.dma_semaphore, #tpu.memory_space<semaphore_mem>>
      %dma_start3A_50 = arith.constant 0 : i32
      %dma_start3A_51 = tpu.memref_slice %arg7[%run_scoped3A, %arg0, %mul3A_24, %dma_start3A_50] : memref<2x2x10000x128xf32, #tpu.memory_space<hbm>> -> memref<1x1x625x128xf32, #tpu.memory_space<hbm>>
      %dma_start3A_52 = tpu.memref_squeeze %dma_start3A_51 : memref<1x1x625x128xf32, #tpu.memory_space<hbm>> -> memref<625x128xf32, #tpu.memory_space<hbm>>
      %dma_start3A_53 = arith.constant 0 : i32
      %dma_start3A_54 = tpu.memref_slice %arg12[%mul3A_22, %dma_start3A_53] : memref<10000x128xf32, #tpu.memory_space<vmem_shared>> -> memref<625x128xf32, #tpu.memory_space<vmem_shared>>
      tpu.enqueue_dma source(%dma_start3A_54 : memref<625x128xf32, #tpu.memory_space<vmem_shared>>) target(%dma_start3A_52 : memref<625x128xf32, #tpu.memory_space<hbm>>) target_semaphore(%run_scoped3A_49 : memref<!tpu.dma_semaphore, #tpu.memory_space<semaphore_mem>>)
      %dma_wait3A = arith.constant 0 : i32
      %dma_wait3A_55 = tpu.memref_slice %arg7[%run_scoped3A, %arg0, %mul3A_24, %dma_wait3A] : memref<2x2x10000x128xf32, #tpu.memory_space<hbm>> -> memref<1x1x625x128xf32, #tpu.memory_space<hbm>>
      %dma_wait3A_56 = tpu.memref_squeeze %dma_wait3A_55 : memref<1x1x625x128xf32, #tpu.memory_space<hbm>> -> memref<625x128xf32, #tpu.memory_space<hbm>>
      %dma_wait3A_57 = arith.constant 0 : i32
      %dma_wait3A_58 = tpu.memref_slice %arg12[%mul3A_22, %dma_wait3A_57] : memref<10000x128xf32, #tpu.memory_space<vmem_shared>> -> memref<625x128xf32, #tpu.memory_space<vmem_shared>>
      tpu.wait_dma2 semaphore(%run_scoped3A_49 : memref<!tpu.dma_semaphore, #tpu.memory_space<semaphore_mem>>) src(%dma_wait3A_58 : memref<625x128xf32, #tpu.memory_space<vmem_shared>>) dst(%dma_wait3A_56 : memref<625x128xf32, #tpu.memory_space<hbm>>)
      tpu.yield
    }) : () -> ()
    %mul3A_25 = arith.constant 625 : i32
    %mul3A_26 = arith.muli %arg1, %mul3A_25 : i32
    %mul3A_27 = arith.constant 625 : i32
    %mul3A_28 = arith.muli %arg1, %mul3A_27 : i32
    "tpu.region"() ({
      %run_scoped3A_49 = tpu.sem_alloc : memref<!tpu.dma_semaphore, #tpu.memory_space<semaphore_mem>>
      %dma_start3A_50 = arith.constant 0 : i32
      %dma_start3A_51 = tpu.memref_slice %arg12[%mul3A_28, %dma_start3A_50] : memref<10000x128xf32, #tpu.memory_space<vmem_shared>> -> memref<625x128xf32, #tpu.memory_space<vmem_shared>>
      %dma_start3A_52 = arith.constant 0 : i32
      %dma_start3A_53 = tpu.memref_slice %arg6[%mul3A_26, %dma_start3A_52] : memref<10000x128xf32, #tpu.memory_space<hbm>> -> memref<625x128xf32, #tpu.memory_space<hbm>>
      tpu.enqueue_dma source(%dma_start3A_53 : memref<625x128xf32, #tpu.memory_space<hbm>>) target(%dma_start3A_51 : memref<625x128xf32, #tpu.memory_space<vmem_shared>>) target_semaphore(%run_scoped3A_49 : memref<!tpu.dma_semaphore, #tpu.memory_space<semaphore_mem>>)
      %dma_wait3A = arith.constant 0 : i32
      %dma_wait3A_54 = tpu.memref_slice %arg12[%mul3A_28, %dma_wait3A] : memref<10000x128xf32, #tpu.memory_space<vmem_shared>> -> memref<625x128xf32, #tpu.memory_space<vmem_shared>>
      %dma_wait3A_55 = arith.constant 0 : i32
      %dma_wait3A_56 = tpu.memref_slice %arg6[%mul3A_26, %dma_wait3A_55] : memref<10000x128xf32, #tpu.memory_space<hbm>> -> memref<625x128xf32, #tpu.memory_space<hbm>>
      tpu.wait_dma2 semaphore(%run_scoped3A_49 : memref<!tpu.dma_semaphore, #tpu.memory_space<semaphore_mem>>) src(%dma_wait3A_56 : memref<625x128xf32, #tpu.memory_space<hbm>>) dst(%dma_wait3A_54 : memref<625x128xf32, #tpu.memory_space<vmem_shared>>)
      tpu.yield
    }) : () -> ()
    %barrier3A_29 = arith.constant 0 : index
    tpu.barrier barrier_id(%barrier3A_29)
    %dma_start3A_30 = arith.constant 0 : i32
    %dma_start3A_31 = arith.constant 0 : i32
    %dma_start3A_32 = tpu.memref_slice %arg8[%dma_start3A_30, %dma_start3A_31] : memref<40x125xi32, #tpu.memory_space<vmem>> -> memref<1x125xi32, #tpu.memory_space<vmem>>
    %dma_start3A_33 = tpu.memref_squeeze %dma_start3A_32 : memref<1x125xi32, #tpu.memory_space<vmem>> -> memref<125xi32, #tpu.memory_space<vmem>>
    %dma_start3A_34 = arith.constant 0 : i32
    %dma_start3A_35 = arith.constant 0 : i32
    %dma_start3A_36 = tpu.memref_slice %arg3[%dma_start3A_34, %dma_start3A_35] : memref<40000x128xf32, #tpu.memory_space<hbm>> -> memref<40000x128xf32, #tpu.memory_space<hbm>>
    tpu.enqueue_indirect_dma source(%dma_start3A_36 : memref<40000x128xf32, #tpu.memory_space<hbm>>) target(%arg10 : memref<125x128xf32, #tpu.memory_space<vmem>>) offsets(%dma_start3A_33 : memref<125xi32, #tpu.memory_space<vmem>>) semaphore(%arg13 : memref<!tpu.dma_semaphore, #tpu.memory_space<semaphore_mem>>)
    %scan3A_37 = arith.constant 0 : i32
    %scan3A_38 = arith.constant 0 : i32
    %scan3A_39 = arith.constant 20 : i32
    %scan3A_40 = arith.addi %scan3A_38, %scan3A_39 : i32
    %scan3A_41 = arith.constant 1 : i32
    scf.for %scan3A_49 = %scan3A_38 to %scan3A_40 step %scan3A_41  : i32 {
      %mul3A_50 = arith.constant 2 : i32
      %mul3A_51 = arith.muli %mul3A_50, %scan3A_49 : i32
      %add3A_52 = arith.constant 1 : i32
      %add3A_53 = arith.addi %mul3A_51, %add3A_52 : i32
      %dma_start3A_54 = arith.constant 0 : i32
      %dma_start3A_55 = tpu.memref_slice %arg8[%add3A_53, %dma_start3A_54] : memref<40x125xi32, #tpu.memory_space<vmem>> -> memref<1x125xi32, #tpu.memory_space<vmem>>
      %dma_start3A_56 = tpu.memref_squeeze %dma_start3A_55 : memref<1x125xi32, #tpu.memory_space<vmem>> -> memref<125xi32, #tpu.memory_space<vmem>>
      %dma_start3A_57 = arith.constant 0 : i32
      %dma_start3A_58 = arith.constant 0 : i32
      %dma_start3A_59 = tpu.memref_slice %arg3[%dma_start3A_57, %dma_start3A_58] : memref<40000x128xf32, #tpu.memory_space<hbm>> -> memref<40000x128xf32, #tpu.memory_space<hbm>>
      tpu.enqueue_indirect_dma source(%dma_start3A_59 : memref<40000x128xf32, #tpu.memory_space<hbm>>) target(%arg11 : memref<125x128xf32, #tpu.memory_space<vmem>>) offsets(%dma_start3A_56 : memref<125xi32, #tpu.memory_space<vmem>>) semaphore(%arg14 : memref<!tpu.dma_semaphore, #tpu.memory_space<semaphore_mem>>)
      %dma_wait3A = arith.constant 0 : i32
      %dma_wait3A_60 = tpu.memref_slice %arg8[%mul3A_51, %dma_wait3A] : memref<40x125xi32, #tpu.memory_space<vmem>> -> memref<1x125xi32, #tpu.memory_space<vmem>>
      %dma_wait3A_61 = tpu.memref_squeeze %dma_wait3A_60 : memref<1x125xi32, #tpu.memory_space<vmem>> -> memref<125xi32, #tpu.memory_space<vmem>>
      %dma_wait3A_62 = arith.constant 0 : i32
      %dma_wait3A_63 = arith.constant 0 : i32
      %dma_wait3A_64 = tpu.memref_slice %arg3[%dma_wait3A_62, %dma_wait3A_63] : memref<40000x128xf32, #tpu.memory_space<hbm>> -> memref<40000x128xf32, #tpu.memory_space<hbm>>
      tpu.wait_indirect_dma semaphore(%arg13 : memref<!tpu.dma_semaphore, #tpu.memory_space<semaphore_mem>>) src(%dma_wait3A_64 : memref<40000x128xf32, #tpu.memory_space<hbm>>) dst(%arg10 : memref<125x128xf32, #tpu.memory_space<vmem>>)
      "tpu.region"() ({
        %run_scoped3A_75 = tpu.sem_alloc : memref<!tpu.dma_semaphore, #tpu.memory_space<semaphore_mem>>
        %dma_start3A_76 = arith.constant 0 : i32
        %dma_start3A_77 = tpu.memref_slice %arg9[%mul3A_51, %dma_start3A_76] : memref<40x125xi32, #tpu.memory_space<vmem>> -> memref<1x125xi32, #tpu.memory_space<vmem>>
        %dma_start3A_78 = tpu.memref_squeeze %dma_start3A_77 : memref<1x125xi32, #tpu.memory_space<vmem>> -> memref<125xi32, #tpu.memory_space<vmem>>
        %dma_start3A_79 = arith.constant 0 : i32
        %dma_start3A_80 = arith.constant 0 : i32
        %dma_start3A_81 = tpu.memref_slice %arg12[%dma_start3A_79, %dma_start3A_80] : memref<10000x128xf32, #tpu.memory_space<vmem_shared>> -> memref<10000x128xf32, #tpu.memory_space<vmem_shared>>
        tpu.enqueue_indirect_dma source(%arg10 : memref<125x128xf32, #tpu.memory_space<vmem>>) target(%dma_start3A_81 : memref<10000x128xf32, #tpu.memory_space<vmem_shared>>) offsets(%dma_start3A_78 : memref<125xi32, #tpu.memory_space<vmem>>) semaphore(%run_scoped3A_75 : memref<!tpu.dma_semaphore, #tpu.memory_space<semaphore_mem>>) {add = true}
        %dma_wait3A_82 = arith.constant 0 : i32
        %dma_wait3A_83 = tpu.memref_slice %arg9[%mul3A_51, %dma_wait3A_82] : memref<40x125xi32, #tpu.memory_space<vmem>> -> memref<1x125xi32, #tpu.memory_space<vmem>>
        %dma_wait3A_84 = tpu.memref_squeeze %dma_wait3A_83 : memref<1x125xi32, #tpu.memory_space<vmem>> -> memref<125xi32, #tpu.memory_space<vmem>>
        %dma_wait3A_85 = arith.constant 0 : i32
        %dma_wait3A_86 = arith.constant 0 : i32
        %dma_wait3A_87 = tpu.memref_slice %arg12[%dma_wait3A_85, %dma_wait3A_86] : memref<10000x128xf32, #tpu.memory_space<vmem_shared>> -> memref<10000x128xf32, #tpu.memory_space<vmem_shared>>
        tpu.wait_indirect_dma semaphore(%run_scoped3A_75 : memref<!tpu.dma_semaphore, #tpu.memory_space<semaphore_mem>>) src(%arg10 : memref<125x128xf32, #tpu.memory_space<vmem>>) dst(%dma_wait3A_87 : memref<10000x128xf32, #tpu.memory_space<vmem_shared>>)
        tpu.yield
      }) : () -> ()
      %add3A_65 = arith.constant 1 : i32
      %add3A_66 = arith.addi %add3A_53, %add3A_65 : i32
      %lt3A = arith.constant 40 : i32
      %lt3A_67 = arith.cmpi slt, %add3A_66, %lt3A : i32
      %convert_element_type3A = arith.extui %lt3A_67 : i1 to i32
      %cond3A = arith.constant 0 : i32
      %cond3A_68 = arith.cmpi ne, %convert_element_type3A, %cond3A : i32
      scf.if %cond3A_68 {
        %add3A_75 = arith.constant 1 : i32
        %add3A_76 = arith.addi %add3A_53, %add3A_75 : i32
        %dma_start3A_77 = arith.constant 0 : i32
        %dma_start3A_78 = tpu.memref_slice %arg8[%add3A_76, %dma_start3A_77] : memref<40x125xi32, #tpu.memory_space<vmem>> -> memref<1x125xi32, #tpu.memory_space<vmem>>
        %dma_start3A_79 = tpu.memref_squeeze %dma_start3A_78 : memref<1x125xi32, #tpu.memory_space<vmem>> -> memref<125xi32, #tpu.memory_space<vmem>>
        %dma_start3A_80 = arith.constant 0 : i32
        %dma_start3A_81 = arith.constant 0 : i32
        %dma_start3A_82 = tpu.memref_slice %arg3[%dma_start3A_80, %dma_start3A_81] : memref<40000x128xf32, #tpu.memory_space<hbm>> -> memref<40000x128xf32, #tpu.memory_space<hbm>>
        tpu.enqueue_indirect_dma source(%dma_start3A_82 : memref<40000x128xf32, #tpu.memory_space<hbm>>) target(%arg10 : memref<125x128xf32, #tpu.memory_space<vmem>>) offsets(%dma_start3A_79 : memref<125xi32, #tpu.memory_space<vmem>>) semaphore(%arg13 : memref<!tpu.dma_semaphore, #tpu.memory_space<semaphore_mem>>)
      } else {
      }
      %dma_wait3A_69 = arith.constant 0 : i32
      %dma_wait3A_70 = tpu.memref_slice %arg8[%add3A_53, %dma_wait3A_69] : memref<40x125xi32, #tpu.memory_space<vmem>> -> memref<1x125xi32, #tpu.memory_space<vmem>>
      %dma_wait3A_71 = tpu.memref_squeeze %dma_wait3A_70 : memref<1x125xi32, #tpu.memory_space<vmem>> -> memref<125xi32, #tpu.memory_space<vmem>>
      %dma_wait3A_72 = arith.constant 0 : i32
      %dma_wait3A_73 = arith.constant 0 : i32
      %dma_wait3A_74 = tpu.memref_slice %arg3[%dma_wait3A_72, %dma_wait3A_73] : memref<40000x128xf32, #tpu.memory_space<hbm>> -> memref<40000x128xf32, #tpu.memory_space<hbm>>
      tpu.wait_indirect_dma semaphore(%arg14 : memref<!tpu.dma_semaphore, #tpu.memory_space<semaphore_mem>>) src(%dma_wait3A_74 : memref<40000x128xf32, #tpu.memory_space<hbm>>) dst(%arg11 : memref<125x128xf32, #tpu.memory_space<vmem>>)
      "tpu.region"() ({
        %run_scoped3A_75 = tpu.sem_alloc : memref<!tpu.dma_semaphore, #tpu.memory_space<semaphore_mem>>
        %dma_start3A_76 = arith.constant 0 : i32
        %dma_start3A_77 = tpu.memref_slice %arg9[%add3A_53, %dma_start3A_76] : memref<40x125xi32, #tpu.memory_space<vmem>> -> memref<1x125xi32, #tpu.memory_space<vmem>>
        %dma_start3A_78 = tpu.memref_squeeze %dma_start3A_77 : memref<1x125xi32, #tpu.memory_space<vmem>> -> memref<125xi32, #tpu.memory_space<vmem>>
        %dma_start3A_79 = arith.constant 0 : i32
        %dma_start3A_80 = arith.constant 0 : i32
        %dma_start3A_81 = tpu.memref_slice %arg12[%dma_start3A_79, %dma_start3A_80] : memref<10000x128xf32, #tpu.memory_space<vmem_shared>> -> memref<10000x128xf32, #tpu.memory_space<vmem_shared>>
        tpu.enqueue_indirect_dma source(%arg11 : memref<125x128xf32, #tpu.memory_space<vmem>>) target(%dma_start3A_81 : memref<10000x128xf32, #tpu.memory_space<vmem_shared>>) offsets(%dma_start3A_78 : memref<125xi32, #tpu.memory_space<vmem>>) semaphore(%run_scoped3A_75 : memref<!tpu.dma_semaphore, #tpu.memory_space<semaphore_mem>>) {add = true}
        %dma_wait3A_82 = arith.constant 0 : i32
        %dma_wait3A_83 = tpu.memref_slice %arg9[%add3A_53, %dma_wait3A_82] : memref<40x125xi32, #tpu.memory_space<vmem>> -> memref<1x125xi32, #tpu.memory_space<vmem>>
        %dma_wait3A_84 = tpu.memref_squeeze %dma_wait3A_83 : memref<1x125xi32, #tpu.memory_space<vmem>> -> memref<125xi32, #tpu.memory_space<vmem>>
        %dma_wait3A_85 = arith.constant 0 : i32
        %dma_wait3A_86 = arith.constant 0 : i32
        %dma_wait3A_87 = tpu.memref_slice %arg12[%dma_wait3A_85, %dma_wait3A_86] : memref<10000x128xf32, #tpu.memory_space<vmem_shared>> -> memref<10000x128xf32, #tpu.memory_space<vmem_shared>>
        tpu.wait_indirect_dma semaphore(%run_scoped3A_75 : memref<!tpu.dma_semaphore, #tpu.memory_space<semaphore_mem>>) src(%arg11 : memref<125x128xf32, #tpu.memory_space<vmem>>) dst(%dma_wait3A_87 : memref<10000x128xf32, #tpu.memory_space<vmem_shared>>)
        tpu.yield
      }) : () -> ()
    }
    %scan3A_42 = arith.constant 20 : i32
    %barrier3A_43 = arith.constant 0 : index
    tpu.barrier barrier_id(%barrier3A_43)
    %mul3A_44 = arith.constant 625 : i32
    %mul3A_45 = arith.muli %arg1, %mul3A_44 : i32
    %mul3A_46 = arith.constant 625 : i32
    %mul3A_47 = arith.muli %arg1, %mul3A_46 : i32
    %run_scoped3A_48 = arith.constant 1 : i32
    "tpu.region"() ({
      %run_scoped3A_49 = tpu.sem_alloc : memref<!tpu.dma_semaphore, #tpu.memory_space<semaphore_mem>>
      %dma_start3A_50 = arith.constant 0 : i32
      %dma_start3A_51 = tpu.memref_slice %arg7[%run_scoped3A_48, %arg0, %mul3A_47, %dma_start3A_50] : memref<2x2x10000x128xf32, #tpu.memory_space<hbm>> -> memref<1x1x625x128xf32, #tpu.memory_space<hbm>>
      %dma_start3A_52 = tpu.memref_squeeze %dma_start3A_51 : memref<1x1x625x128xf32, #tpu.memory_space<hbm>> -> memref<625x128xf32, #tpu.memory_space<hbm>>
      %dma_start3A_53 = arith.constant 0 : i32
      %dma_start3A_54 = tpu.memref_slice %arg12[%mul3A_45, %dma_start3A_53] : memref<10000x128xf32, #tpu.memory_space<vmem_shared>> -> memref<625x128xf32, #tpu.memory_space<vmem_shared>>
      tpu.enqueue_dma source(%dma_start3A_54 : memref<625x128xf32, #tpu.memory_space<vmem_shared>>) target(%dma_start3A_52 : memref<625x128xf32, #tpu.memory_space<hbm>>) target_semaphore(%run_scoped3A_49 : memref<!tpu.dma_semaphore, #tpu.memory_space<semaphore_mem>>)
      %dma_wait3A = arith.constant 0 : i32
      %dma_wait3A_55 = tpu.memref_slice %arg7[%run_scoped3A_48, %arg0, %mul3A_47, %dma_wait3A] : memref<2x2x10000x128xf32, #tpu.memory_space<hbm>> -> memref<1x1x625x128xf32, #tpu.memory_space<hbm>>
      %dma_wait3A_56 = tpu.memref_squeeze %dma_wait3A_55 : memref<1x1x625x128xf32, #tpu.memory_space<hbm>> -> memref<625x128xf32, #tpu.memory_space<hbm>>
      %dma_wait3A_57 = arith.constant 0 : i32
      %dma_wait3A_58 = tpu.memref_slice %arg12[%mul3A_45, %dma_wait3A_57] : memref<10000x128xf32, #tpu.memory_space<vmem_shared>> -> memref<625x128xf32, #tpu.memory_space<vmem_shared>>
      tpu.wait_dma2 semaphore(%run_scoped3A_49 : memref<!tpu.dma_semaphore, #tpu.memory_space<semaphore_mem>>) src(%dma_wait3A_58 : memref<625x128xf32, #tpu.memory_space<vmem_shared>>) dst(%dma_wait3A_56 : memref<625x128xf32, #tpu.memory_space<hbm>>)
      tpu.yield
    }) : () -> ()
    return
  }
}

#map = affine_map<(d0, d1) -> (0, 0)>
#map1 = affine_map<(d0, d1) -> (0, 0, 0)>
module attributes {stable_mosaic.version = 14 : i64} {
  func.func @_sc_msgpass_body(%arg0: i32, %arg1: i32, %arg2: memref<40000x128xf32, #tpu.memory_space<hbm>>, %arg3: memref<1280x125xi32, #tpu.memory_space<hbm>>, %arg4: memref<1280x125xi32, #tpu.memory_space<hbm>>, %arg5: memref<10000x128xf32, #tpu.memory_space<hbm>>, %arg6: memref<2x10000x128xf32, #tpu.memory_space<hbm>>, %arg7: memref<40x125xi32, #tpu.memory_space<vmem>>, %arg8: memref<40x125xi32, #tpu.memory_space<vmem>>, %arg9: memref<125x128xf32, #tpu.memory_space<vmem>>, %arg10: memref<125x128xf32, #tpu.memory_space<vmem>>, %arg11: memref<10000x128xf32, #tpu.memory_space<vmem_shared>>, %arg12: memref<!tpu.dma_semaphore, #tpu.memory_space<semaphore_mem>>, %arg13: memref<!tpu.dma_semaphore, #tpu.memory_space<semaphore_mem>>) attributes {dimension_semantics = [#tpu.dimension_semantics<core_parallel>, #tpu.dimension_semantics<subcore_parallel>], iteration_bounds = array<i64: 2, 16>, scalar_prefetch = 0 : i64, scratch_operands = 7 : i64, tpu.core_type = #tpu.core_type<sc_vector_subcore>, window_params = [{transform_indices = #map}, {transform_indices = #map}, {transform_indices = #map}, {transform_indices = #map}, {transform_indices = #map1}]} {
    %mul3A = arith.constant 2 : i32
    %mul3A_0 = arith.muli %arg1, %mul3A : i32
    %add3A = arith.addi %mul3A_0, %arg0 : i32
    %mul3A_1 = arith.constant 40 : i32
    %mul3A_2 = arith.muli %add3A, %mul3A_1 : i32
    "tpu.region"() ({
      %run_scoped3A = tpu.sem_alloc : memref<!tpu.dma_semaphore, #tpu.memory_space<semaphore_mem>>
      %dma_start3A_25 = arith.constant 0 : i32
      %dma_start3A_26 = tpu.memref_slice %arg3[%mul3A_2, %dma_start3A_25] : memref<1280x125xi32, #tpu.memory_space<hbm>> -> memref<40x125xi32, #tpu.memory_space<hbm>>
      %dma_start3A_27 = arith.constant 0 : i32
      %dma_start3A_28 = tpu.memref_slice %arg3[%mul3A_2, %dma_start3A_27] : memref<1280x125xi32, #tpu.memory_space<hbm>> -> memref<40x125xi32, #tpu.memory_space<hbm>>
      tpu.enqueue_dma source(%dma_start3A_28 : memref<40x125xi32, #tpu.memory_space<hbm>>) target(%arg7 : memref<40x125xi32, #tpu.memory_space<vmem>>) target_semaphore(%run_scoped3A : memref<!tpu.dma_semaphore, #tpu.memory_space<semaphore_mem>>)
      %dma_wait3A = arith.constant 0 : i32
      %dma_wait3A_29 = tpu.memref_slice %arg3[%mul3A_2, %dma_wait3A] : memref<1280x125xi32, #tpu.memory_space<hbm>> -> memref<40x125xi32, #tpu.memory_space<hbm>>
      %dma_wait3A_30 = arith.constant 0 : i32
      %dma_wait3A_31 = tpu.memref_slice %arg3[%mul3A_2, %dma_wait3A_30] : memref<1280x125xi32, #tpu.memory_space<hbm>> -> memref<40x125xi32, #tpu.memory_space<hbm>>
      tpu.wait_dma2 semaphore(%run_scoped3A : memref<!tpu.dma_semaphore, #tpu.memory_space<semaphore_mem>>) src(%dma_wait3A_31 : memref<40x125xi32, #tpu.memory_space<hbm>>) dst(%arg7 : memref<40x125xi32, #tpu.memory_space<vmem>>)
      tpu.yield
    }) : () -> ()
    %mul3A_3 = arith.constant 40 : i32
    %mul3A_4 = arith.muli %add3A, %mul3A_3 : i32
    "tpu.region"() ({
      %run_scoped3A = tpu.sem_alloc : memref<!tpu.dma_semaphore, #tpu.memory_space<semaphore_mem>>
      %dma_start3A_25 = arith.constant 0 : i32
      %dma_start3A_26 = tpu.memref_slice %arg4[%mul3A_4, %dma_start3A_25] : memref<1280x125xi32, #tpu.memory_space<hbm>> -> memref<40x125xi32, #tpu.memory_space<hbm>>
      %dma_start3A_27 = arith.constant 0 : i32
      %dma_start3A_28 = tpu.memref_slice %arg4[%mul3A_4, %dma_start3A_27] : memref<1280x125xi32, #tpu.memory_space<hbm>> -> memref<40x125xi32, #tpu.memory_space<hbm>>
      tpu.enqueue_dma source(%dma_start3A_28 : memref<40x125xi32, #tpu.memory_space<hbm>>) target(%arg8 : memref<40x125xi32, #tpu.memory_space<vmem>>) target_semaphore(%run_scoped3A : memref<!tpu.dma_semaphore, #tpu.memory_space<semaphore_mem>>)
      %dma_wait3A = arith.constant 0 : i32
      %dma_wait3A_29 = tpu.memref_slice %arg4[%mul3A_4, %dma_wait3A] : memref<1280x125xi32, #tpu.memory_space<hbm>> -> memref<40x125xi32, #tpu.memory_space<hbm>>
      %dma_wait3A_30 = arith.constant 0 : i32
      %dma_wait3A_31 = tpu.memref_slice %arg4[%mul3A_4, %dma_wait3A_30] : memref<1280x125xi32, #tpu.memory_space<hbm>> -> memref<40x125xi32, #tpu.memory_space<hbm>>
      tpu.wait_dma2 semaphore(%run_scoped3A : memref<!tpu.dma_semaphore, #tpu.memory_space<semaphore_mem>>) src(%dma_wait3A_31 : memref<40x125xi32, #tpu.memory_space<hbm>>) dst(%arg8 : memref<40x125xi32, #tpu.memory_space<vmem>>)
      tpu.yield
    }) : () -> ()
    %mul3A_5 = arith.constant 625 : i32
    %mul3A_6 = arith.muli %arg1, %mul3A_5 : i32
    %mul3A_7 = arith.constant 625 : i32
    %mul3A_8 = arith.muli %arg1, %mul3A_7 : i32
    "tpu.region"() ({
      %run_scoped3A = tpu.sem_alloc : memref<!tpu.dma_semaphore, #tpu.memory_space<semaphore_mem>>
      %dma_start3A_25 = arith.constant 0 : i32
      %dma_start3A_26 = tpu.memref_slice %arg11[%mul3A_8, %dma_start3A_25] : memref<10000x128xf32, #tpu.memory_space<vmem_shared>> -> memref<625x128xf32, #tpu.memory_space<vmem_shared>>
      %dma_start3A_27 = arith.constant 0 : i32
      %dma_start3A_28 = tpu.memref_slice %arg5[%mul3A_6, %dma_start3A_27] : memref<10000x128xf32, #tpu.memory_space<hbm>> -> memref<625x128xf32, #tpu.memory_space<hbm>>
      tpu.enqueue_dma source(%dma_start3A_28 : memref<625x128xf32, #tpu.memory_space<hbm>>) target(%dma_start3A_26 : memref<625x128xf32, #tpu.memory_space<vmem_shared>>) target_semaphore(%run_scoped3A : memref<!tpu.dma_semaphore, #tpu.memory_space<semaphore_mem>>)
      %dma_wait3A = arith.constant 0 : i32
      %dma_wait3A_29 = tpu.memref_slice %arg11[%mul3A_8, %dma_wait3A] : memref<10000x128xf32, #tpu.memory_space<vmem_shared>> -> memref<625x128xf32, #tpu.memory_space<vmem_shared>>
      %dma_wait3A_30 = arith.constant 0 : i32
      %dma_wait3A_31 = tpu.memref_slice %arg5[%mul3A_6, %dma_wait3A_30] : memref<10000x128xf32, #tpu.memory_space<hbm>> -> memref<625x128xf32, #tpu.memory_space<hbm>>
      tpu.wait_dma2 semaphore(%run_scoped3A : memref<!tpu.dma_semaphore, #tpu.memory_space<semaphore_mem>>) src(%dma_wait3A_31 : memref<625x128xf32, #tpu.memory_space<hbm>>) dst(%dma_wait3A_29 : memref<625x128xf32, #tpu.memory_space<vmem_shared>>)
      tpu.yield
    }) : () -> ()
    %barrier3A = arith.constant 0 : index
    tpu.barrier barrier_id(%barrier3A)
    %dma_start3A = arith.constant 0 : i32
    %dma_start3A_9 = arith.constant 0 : i32
    %dma_start3A_10 = tpu.memref_slice %arg7[%dma_start3A, %dma_start3A_9] : memref<40x125xi32, #tpu.memory_space<vmem>> -> memref<1x125xi32, #tpu.memory_space<vmem>>
    %dma_start3A_11 = tpu.memref_squeeze %dma_start3A_10 : memref<1x125xi32, #tpu.memory_space<vmem>> -> memref<125xi32, #tpu.memory_space<vmem>>
    %dma_start3A_12 = arith.constant 0 : i32
    %dma_start3A_13 = arith.constant 0 : i32
    %dma_start3A_14 = tpu.memref_slice %arg2[%dma_start3A_12, %dma_start3A_13] : memref<40000x128xf32, #tpu.memory_space<hbm>> -> memref<40000x128xf32, #tpu.memory_space<hbm>>
    tpu.enqueue_indirect_dma source(%dma_start3A_14 : memref<40000x128xf32, #tpu.memory_space<hbm>>) target(%arg9 : memref<125x128xf32, #tpu.memory_space<vmem>>) offsets(%dma_start3A_11 : memref<125xi32, #tpu.memory_space<vmem>>) semaphore(%arg12 : memref<!tpu.dma_semaphore, #tpu.memory_space<semaphore_mem>>)
    %scan3A = arith.constant 0 : i32
    %scan3A_15 = arith.constant 0 : i32
    %scan3A_16 = arith.constant 20 : i32
    %scan3A_17 = arith.addi %scan3A_15, %scan3A_16 : i32
    %scan3A_18 = arith.constant 1 : i32
    scf.for %scan3A_25 = %scan3A_15 to %scan3A_17 step %scan3A_18  : i32 {
      %mul3A_26 = arith.constant 2 : i32
      %mul3A_27 = arith.muli %mul3A_26, %scan3A_25 : i32
      %add3A_28 = arith.constant 1 : i32
      %add3A_29 = arith.addi %mul3A_27, %add3A_28 : i32
      %dma_start3A_30 = arith.constant 0 : i32
      %dma_start3A_31 = tpu.memref_slice %arg7[%add3A_29, %dma_start3A_30] : memref<40x125xi32, #tpu.memory_space<vmem>> -> memref<1x125xi32, #tpu.memory_space<vmem>>
      %dma_start3A_32 = tpu.memref_squeeze %dma_start3A_31 : memref<1x125xi32, #tpu.memory_space<vmem>> -> memref<125xi32, #tpu.memory_space<vmem>>
      %dma_start3A_33 = arith.constant 0 : i32
      %dma_start3A_34 = arith.constant 0 : i32
      %dma_start3A_35 = tpu.memref_slice %arg2[%dma_start3A_33, %dma_start3A_34] : memref<40000x128xf32, #tpu.memory_space<hbm>> -> memref<40000x128xf32, #tpu.memory_space<hbm>>
      tpu.enqueue_indirect_dma source(%dma_start3A_35 : memref<40000x128xf32, #tpu.memory_space<hbm>>) target(%arg10 : memref<125x128xf32, #tpu.memory_space<vmem>>) offsets(%dma_start3A_32 : memref<125xi32, #tpu.memory_space<vmem>>) semaphore(%arg13 : memref<!tpu.dma_semaphore, #tpu.memory_space<semaphore_mem>>)
      %dma_wait3A = arith.constant 0 : i32
      %dma_wait3A_36 = tpu.memref_slice %arg7[%mul3A_27, %dma_wait3A] : memref<40x125xi32, #tpu.memory_space<vmem>> -> memref<1x125xi32, #tpu.memory_space<vmem>>
      %dma_wait3A_37 = tpu.memref_squeeze %dma_wait3A_36 : memref<1x125xi32, #tpu.memory_space<vmem>> -> memref<125xi32, #tpu.memory_space<vmem>>
      %dma_wait3A_38 = arith.constant 0 : i32
      %dma_wait3A_39 = arith.constant 0 : i32
      %dma_wait3A_40 = tpu.memref_slice %arg2[%dma_wait3A_38, %dma_wait3A_39] : memref<40000x128xf32, #tpu.memory_space<hbm>> -> memref<40000x128xf32, #tpu.memory_space<hbm>>
      tpu.wait_indirect_dma semaphore(%arg12 : memref<!tpu.dma_semaphore, #tpu.memory_space<semaphore_mem>>) src(%dma_wait3A_40 : memref<40000x128xf32, #tpu.memory_space<hbm>>) dst(%arg9 : memref<125x128xf32, #tpu.memory_space<vmem>>)
      "tpu.region"() ({
        %run_scoped3A = tpu.sem_alloc : memref<!tpu.dma_semaphore, #tpu.memory_space<semaphore_mem>>
        %dma_start3A_51 = arith.constant 0 : i32
        %dma_start3A_52 = tpu.memref_slice %arg8[%mul3A_27, %dma_start3A_51] : memref<40x125xi32, #tpu.memory_space<vmem>> -> memref<1x125xi32, #tpu.memory_space<vmem>>
        %dma_start3A_53 = tpu.memref_squeeze %dma_start3A_52 : memref<1x125xi32, #tpu.memory_space<vmem>> -> memref<125xi32, #tpu.memory_space<vmem>>
        %dma_start3A_54 = arith.constant 0 : i32
        %dma_start3A_55 = arith.constant 0 : i32
        %dma_start3A_56 = tpu.memref_slice %arg11[%dma_start3A_54, %dma_start3A_55] : memref<10000x128xf32, #tpu.memory_space<vmem_shared>> -> memref<10000x128xf32, #tpu.memory_space<vmem_shared>>
        tpu.enqueue_indirect_dma source(%arg9 : memref<125x128xf32, #tpu.memory_space<vmem>>) target(%dma_start3A_56 : memref<10000x128xf32, #tpu.memory_space<vmem_shared>>) offsets(%dma_start3A_53 : memref<125xi32, #tpu.memory_space<vmem>>) semaphore(%run_scoped3A : memref<!tpu.dma_semaphore, #tpu.memory_space<semaphore_mem>>) {add = true}
        %dma_wait3A_57 = arith.constant 0 : i32
        %dma_wait3A_58 = tpu.memref_slice %arg8[%mul3A_27, %dma_wait3A_57] : memref<40x125xi32, #tpu.memory_space<vmem>> -> memref<1x125xi32, #tpu.memory_space<vmem>>
        %dma_wait3A_59 = tpu.memref_squeeze %dma_wait3A_58 : memref<1x125xi32, #tpu.memory_space<vmem>> -> memref<125xi32, #tpu.memory_space<vmem>>
        %dma_wait3A_60 = arith.constant 0 : i32
        %dma_wait3A_61 = arith.constant 0 : i32
        %dma_wait3A_62 = tpu.memref_slice %arg11[%dma_wait3A_60, %dma_wait3A_61] : memref<10000x128xf32, #tpu.memory_space<vmem_shared>> -> memref<10000x128xf32, #tpu.memory_space<vmem_shared>>
        tpu.wait_indirect_dma semaphore(%run_scoped3A : memref<!tpu.dma_semaphore, #tpu.memory_space<semaphore_mem>>) src(%arg9 : memref<125x128xf32, #tpu.memory_space<vmem>>) dst(%dma_wait3A_62 : memref<10000x128xf32, #tpu.memory_space<vmem_shared>>)
        tpu.yield
      }) : () -> ()
      %add3A_41 = arith.constant 1 : i32
      %add3A_42 = arith.addi %add3A_29, %add3A_41 : i32
      %lt3A = arith.constant 40 : i32
      %lt3A_43 = arith.cmpi slt, %add3A_42, %lt3A : i32
      %convert_element_type3A = arith.extui %lt3A_43 : i1 to i32
      %cond3A = arith.constant 0 : i32
      %cond3A_44 = arith.cmpi ne, %convert_element_type3A, %cond3A : i32
      scf.if %cond3A_44 {
        %add3A_51 = arith.constant 1 : i32
        %add3A_52 = arith.addi %add3A_29, %add3A_51 : i32
        %dma_start3A_53 = arith.constant 0 : i32
        %dma_start3A_54 = tpu.memref_slice %arg7[%add3A_52, %dma_start3A_53] : memref<40x125xi32, #tpu.memory_space<vmem>> -> memref<1x125xi32, #tpu.memory_space<vmem>>
        %dma_start3A_55 = tpu.memref_squeeze %dma_start3A_54 : memref<1x125xi32, #tpu.memory_space<vmem>> -> memref<125xi32, #tpu.memory_space<vmem>>
        %dma_start3A_56 = arith.constant 0 : i32
        %dma_start3A_57 = arith.constant 0 : i32
        %dma_start3A_58 = tpu.memref_slice %arg2[%dma_start3A_56, %dma_start3A_57] : memref<40000x128xf32, #tpu.memory_space<hbm>> -> memref<40000x128xf32, #tpu.memory_space<hbm>>
        tpu.enqueue_indirect_dma source(%dma_start3A_58 : memref<40000x128xf32, #tpu.memory_space<hbm>>) target(%arg9 : memref<125x128xf32, #tpu.memory_space<vmem>>) offsets(%dma_start3A_55 : memref<125xi32, #tpu.memory_space<vmem>>) semaphore(%arg12 : memref<!tpu.dma_semaphore, #tpu.memory_space<semaphore_mem>>)
      } else {
      }
      %dma_wait3A_45 = arith.constant 0 : i32
      %dma_wait3A_46 = tpu.memref_slice %arg7[%add3A_29, %dma_wait3A_45] : memref<40x125xi32, #tpu.memory_space<vmem>> -> memref<1x125xi32, #tpu.memory_space<vmem>>
      %dma_wait3A_47 = tpu.memref_squeeze %dma_wait3A_46 : memref<1x125xi32, #tpu.memory_space<vmem>> -> memref<125xi32, #tpu.memory_space<vmem>>
      %dma_wait3A_48 = arith.constant 0 : i32
      %dma_wait3A_49 = arith.constant 0 : i32
      %dma_wait3A_50 = tpu.memref_slice %arg2[%dma_wait3A_48, %dma_wait3A_49] : memref<40000x128xf32, #tpu.memory_space<hbm>> -> memref<40000x128xf32, #tpu.memory_space<hbm>>
      tpu.wait_indirect_dma semaphore(%arg13 : memref<!tpu.dma_semaphore, #tpu.memory_space<semaphore_mem>>) src(%dma_wait3A_50 : memref<40000x128xf32, #tpu.memory_space<hbm>>) dst(%arg10 : memref<125x128xf32, #tpu.memory_space<vmem>>)
      "tpu.region"() ({
        %run_scoped3A = tpu.sem_alloc : memref<!tpu.dma_semaphore, #tpu.memory_space<semaphore_mem>>
        %dma_start3A_51 = arith.constant 0 : i32
        %dma_start3A_52 = tpu.memref_slice %arg8[%add3A_29, %dma_start3A_51] : memref<40x125xi32, #tpu.memory_space<vmem>> -> memref<1x125xi32, #tpu.memory_space<vmem>>
        %dma_start3A_53 = tpu.memref_squeeze %dma_start3A_52 : memref<1x125xi32, #tpu.memory_space<vmem>> -> memref<125xi32, #tpu.memory_space<vmem>>
        %dma_start3A_54 = arith.constant 0 : i32
        %dma_start3A_55 = arith.constant 0 : i32
        %dma_start3A_56 = tpu.memref_slice %arg11[%dma_start3A_54, %dma_start3A_55] : memref<10000x128xf32, #tpu.memory_space<vmem_shared>> -> memref<10000x128xf32, #tpu.memory_space<vmem_shared>>
        tpu.enqueue_indirect_dma source(%arg10 : memref<125x128xf32, #tpu.memory_space<vmem>>) target(%dma_start3A_56 : memref<10000x128xf32, #tpu.memory_space<vmem_shared>>) offsets(%dma_start3A_53 : memref<125xi32, #tpu.memory_space<vmem>>) semaphore(%run_scoped3A : memref<!tpu.dma_semaphore, #tpu.memory_space<semaphore_mem>>) {add = true}
        %dma_wait3A_57 = arith.constant 0 : i32
        %dma_wait3A_58 = tpu.memref_slice %arg8[%add3A_29, %dma_wait3A_57] : memref<40x125xi32, #tpu.memory_space<vmem>> -> memref<1x125xi32, #tpu.memory_space<vmem>>
        %dma_wait3A_59 = tpu.memref_squeeze %dma_wait3A_58 : memref<1x125xi32, #tpu.memory_space<vmem>> -> memref<125xi32, #tpu.memory_space<vmem>>
        %dma_wait3A_60 = arith.constant 0 : i32
        %dma_wait3A_61 = arith.constant 0 : i32
        %dma_wait3A_62 = tpu.memref_slice %arg11[%dma_wait3A_60, %dma_wait3A_61] : memref<10000x128xf32, #tpu.memory_space<vmem_shared>> -> memref<10000x128xf32, #tpu.memory_space<vmem_shared>>
        tpu.wait_indirect_dma semaphore(%run_scoped3A : memref<!tpu.dma_semaphore, #tpu.memory_space<semaphore_mem>>) src(%arg10 : memref<125x128xf32, #tpu.memory_space<vmem>>) dst(%dma_wait3A_62 : memref<10000x128xf32, #tpu.memory_space<vmem_shared>>)
        tpu.yield
      }) : () -> ()
    }
    %scan3A_19 = arith.constant 20 : i32
    %barrier3A_20 = arith.constant 0 : index
    tpu.barrier barrier_id(%barrier3A_20)
    %mul3A_21 = arith.constant 625 : i32
    %mul3A_22 = arith.muli %arg1, %mul3A_21 : i32
    %mul3A_23 = arith.constant 625 : i32
    %mul3A_24 = arith.muli %arg1, %mul3A_23 : i32
    "tpu.region"() ({
      %run_scoped3A = tpu.sem_alloc : memref<!tpu.dma_semaphore, #tpu.memory_space<semaphore_mem>>
      %dma_start3A_25 = arith.constant 0 : i32
      %dma_start3A_26 = tpu.memref_slice %arg6[%arg0, %mul3A_24, %dma_start3A_25] : memref<2x10000x128xf32, #tpu.memory_space<hbm>> -> memref<1x625x128xf32, #tpu.memory_space<hbm>>
      %dma_start3A_27 = tpu.memref_squeeze %dma_start3A_26 : memref<1x625x128xf32, #tpu.memory_space<hbm>> -> memref<625x128xf32, #tpu.memory_space<hbm>>
      %dma_start3A_28 = arith.constant 0 : i32
      %dma_start3A_29 = tpu.memref_slice %arg11[%mul3A_22, %dma_start3A_28] : memref<10000x128xf32, #tpu.memory_space<vmem_shared>> -> memref<625x128xf32, #tpu.memory_space<vmem_shared>>
      tpu.enqueue_dma source(%dma_start3A_29 : memref<625x128xf32, #tpu.memory_space<vmem_shared>>) target(%dma_start3A_27 : memref<625x128xf32, #tpu.memory_space<hbm>>) target_semaphore(%run_scoped3A : memref<!tpu.dma_semaphore, #tpu.memory_space<semaphore_mem>>)
      %dma_wait3A = arith.constant 0 : i32
      %dma_wait3A_30 = tpu.memref_slice %arg6[%arg0, %mul3A_24, %dma_wait3A] : memref<2x10000x128xf32, #tpu.memory_space<hbm>> -> memref<1x625x128xf32, #tpu.memory_space<hbm>>
      %dma_wait3A_31 = tpu.memref_squeeze %dma_wait3A_30 : memref<1x625x128xf32, #tpu.memory_space<hbm>> -> memref<625x128xf32, #tpu.memory_space<hbm>>
      %dma_wait3A_32 = arith.constant 0 : i32
      %dma_wait3A_33 = tpu.memref_slice %arg11[%mul3A_22, %dma_wait3A_32] : memref<10000x128xf32, #tpu.memory_space<vmem_shared>> -> memref<625x128xf32, #tpu.memory_space<vmem_shared>>
      tpu.wait_dma2 semaphore(%run_scoped3A : memref<!tpu.dma_semaphore, #tpu.memory_space<semaphore_mem>>) src(%dma_wait3A_33 : memref<625x128xf32, #tpu.memory_space<vmem_shared>>) dst(%dma_wait3A_31 : memref<625x128xf32, #tpu.memory_space<hbm>>)
      tpu.yield
    }) : () -> ()
    return
  }
}

module attributes {stable_mosaic.version = 14 : i64} {
  func.func @_xwr1_body(%arg0: i32, %arg1: memref<1000x4xf32, #tpu.memory_space<vmem>>, %arg2: memref<4x4x128xf32, #tpu.memory_space<vmem>>, %arg3: memref<4x4xf32, #tpu.memory_space<vmem>>, %arg4: memref<4x1000x128xf32, #tpu.memory_space<vmem>>) attributes {dimension_semantics = [#tpu.dimension_semantics<arbitrary>], iteration_bounds = array<i64: 10>, scalar_prefetch = 0 : i64, scratch_operands = 0 : i64, tpu.core_type = #tpu.core_type<tc>, window_params = [{transform_indices = @transform_0, window_bounds = array<i64: 1000, 4>}, {pipeline_mode = #tpu.pipeline_mode<synchronous>, transform_indices = @transform_1, window_bounds = array<i64: 4, 4, 128>}, {pipeline_mode = #tpu.pipeline_mode<synchronous>, transform_indices = @transform_2, window_bounds = array<i64: 4, 4>}, {transform_indices = @transform_3, window_bounds = array<i64: 4, 1000, 128>}]} {
    %get3A = arith.constant 0 : index
    %get3A_0 = arith.constant 0 : index
    %get3A_1 = vector.load %arg1[%get3A, %get3A_0] : memref<1000x4xf32, #tpu.memory_space<vmem>>, vector<1000x4xf32>
    %get3A_2 = arith.constant 0 : index
    %get3A_3 = arith.constant 0 : index
    %get3A_4 = arith.constant 0 : index
    %get3A_5 = vector.load %arg2[%get3A_2, %get3A_3, %get3A_4] : memref<4x4x128xf32, #tpu.memory_space<vmem>>, vector<4x4x128xf32>
    %get3A_6 = arith.constant 0 : index
    %get3A_7 = arith.constant 0 : index
    %get3A_8 = vector.load %arg3[%get3A_6, %get3A_7] : memref<4x4xf32, #tpu.memory_space<vmem>>, vector<4x4xf32>
    %slice3A = vector.extract_strided_slice %get3A_8 {offsets = [0, 0], sizes = [1, 1], strides = [1, 1]} : vector<4x4xf32> to vector<1x1xf32>
    %squeeze3A = vector.extract %slice3A[0, 0] : f32 from vector<1x1xf32>
    %slice3A_9 = vector.extract_strided_slice %get3A_5 {offsets = [0, 0, 0], sizes = [1, 4, 128], strides = [1, 1, 1]} : vector<4x4x128xf32> to vector<1x4x128xf32>
    %squeeze3A_10 = vector.shape_cast %slice3A_9 : vector<1x4x128xf32> to vector<4x128xf32>
    %mul3A = vector.broadcast %squeeze3A : f32 to vector<4x128xf32>
    %mul3A_11 = arith.mulf %mul3A, %squeeze3A_10 : vector<4x128xf32>
    %slice3A_12 = vector.extract_strided_slice %get3A_8 {offsets = [0, 1], sizes = [1, 1], strides = [1, 1]} : vector<4x4xf32> to vector<1x1xf32>
    %squeeze3A_13 = vector.extract %slice3A_12[0, 0] : f32 from vector<1x1xf32>
    %slice3A_14 = vector.extract_strided_slice %get3A_5 {offsets = [1, 0, 0], sizes = [1, 4, 128], strides = [1, 1, 1]} : vector<4x4x128xf32> to vector<1x4x128xf32>
    %squeeze3A_15 = vector.shape_cast %slice3A_14 : vector<1x4x128xf32> to vector<4x128xf32>
    %mul3A_16 = vector.broadcast %squeeze3A_13 : f32 to vector<4x128xf32>
    %mul3A_17 = arith.mulf %mul3A_16, %squeeze3A_15 : vector<4x128xf32>
    %add3A = arith.addf %mul3A_11, %mul3A_17 : vector<4x128xf32>
    %slice3A_18 = vector.extract_strided_slice %get3A_8 {offsets = [0, 2], sizes = [1, 1], strides = [1, 1]} : vector<4x4xf32> to vector<1x1xf32>
    %squeeze3A_19 = vector.extract %slice3A_18[0, 0] : f32 from vector<1x1xf32>
    %slice3A_20 = vector.extract_strided_slice %get3A_5 {offsets = [2, 0, 0], sizes = [1, 4, 128], strides = [1, 1, 1]} : vector<4x4x128xf32> to vector<1x4x128xf32>
    %squeeze3A_21 = vector.shape_cast %slice3A_20 : vector<1x4x128xf32> to vector<4x128xf32>
    %mul3A_22 = vector.broadcast %squeeze3A_19 : f32 to vector<4x128xf32>
    %mul3A_23 = arith.mulf %mul3A_22, %squeeze3A_21 : vector<4x128xf32>
    %add3A_24 = arith.addf %add3A, %mul3A_23 : vector<4x128xf32>
    %slice3A_25 = vector.extract_strided_slice %get3A_8 {offsets = [0, 3], sizes = [1, 1], strides = [1, 1]} : vector<4x4xf32> to vector<1x1xf32>
    %squeeze3A_26 = vector.extract %slice3A_25[0, 0] : f32 from vector<1x1xf32>
    %slice3A_27 = vector.extract_strided_slice %get3A_5 {offsets = [3, 0, 0], sizes = [1, 4, 128], strides = [1, 1, 1]} : vector<4x4x128xf32> to vector<1x4x128xf32>
    %squeeze3A_28 = vector.shape_cast %slice3A_27 : vector<1x4x128xf32> to vector<4x128xf32>
    %mul3A_29 = vector.broadcast %squeeze3A_26 : f32 to vector<4x128xf32>
    %mul3A_30 = arith.mulf %mul3A_29, %squeeze3A_28 : vector<4x128xf32>
    %add3A_31 = arith.addf %add3A_24, %mul3A_30 : vector<4x128xf32>
    %dot_general3A = arith.constant dense<0.000000e+00> : vector<1000x128xf32>
    %dot_general3A_32 = tpu.matmul %get3A_1, %add3A_31, %dot_general3A {dimension_numbers = #tpu.dot_dimension_numbers<[1], [0], [0], [1], [0, 0, 1, 1], [], []>, transpose_lhs_hint = false} : vector<1000x4xf32>, vector<4x128xf32>, vector<1000x128xf32> -> vector<1000x128xf32>
    %swap3A = arith.constant 0 : index
    %swap3A_33 = arith.constant 0 : index
    %swap3A_34 = arith.constant 0 : index
    %swap3A_35 = vector.load %arg4[%swap3A, %swap3A_33, %swap3A_34] : memref<4x1000x128xf32, #tpu.memory_space<vmem>>, vector<1x1000x128xf32>
    %swap3A_36 = vector.shape_cast %swap3A_35 : vector<1x1000x128xf32> to vector<1000x128xf32>
    %swap3A_37 = vector.shape_cast %dot_general3A_32 : vector<1000x128xf32> to vector<1x1000x128xf32>
    tpu.vector_store %arg4[%swap3A, %swap3A_33, %swap3A_34], %swap3A_37 {strides = array<i32>} : memref<4x1000x128xf32, #tpu.memory_space<vmem>>, vector<1x1000x128xf32>,
    %slice3A_38 = vector.extract_strided_slice %get3A_8 {offsets = [1, 0], sizes = [1, 1], strides = [1, 1]} : vector<4x4xf32> to vector<1x1xf32>
    %squeeze3A_39 = vector.extract %slice3A_38[0, 0] : f32 from vector<1x1xf32>
    %slice3A_40 = vector.extract_strided_slice %get3A_5 {offsets = [0, 0, 0], sizes = [1, 4, 128], strides = [1, 1, 1]} : vector<4x4x128xf32> to vector<1x4x128xf32>
    %squeeze3A_41 = vector.shape_cast %slice3A_40 : vector<1x4x128xf32> to vector<4x128xf32>
    %mul3A_42 = vector.broadcast %squeeze3A_39 : f32 to vector<4x128xf32>
    %mul3A_43 = arith.mulf %mul3A_42, %squeeze3A_41 : vector<4x128xf32>
    %slice3A_44 = vector.extract_strided_slice %get3A_8 {offsets = [1, 1], sizes = [1, 1], strides = [1, 1]} : vector<4x4xf32> to vector<1x1xf32>
    %squeeze3A_45 = vector.extract %slice3A_44[0, 0] : f32 from vector<1x1xf32>
    %slice3A_46 = vector.extract_strided_slice %get3A_5 {offsets = [1, 0, 0], sizes = [1, 4, 128], strides = [1, 1, 1]} : vector<4x4x128xf32> to vector<1x4x128xf32>
    %squeeze3A_47 = vector.shape_cast %slice3A_46 : vector<1x4x128xf32> to vector<4x128xf32>
    %mul3A_48 = vector.broadcast %squeeze3A_45 : f32 to vector<4x128xf32>
    %mul3A_49 = arith.mulf %mul3A_48, %squeeze3A_47 : vector<4x128xf32>
    %add3A_50 = arith.addf %mul3A_43, %mul3A_49 : vector<4x128xf32>
    %slice3A_51 = vector.extract_strided_slice %get3A_8 {offsets = [1, 2], sizes = [1, 1], strides = [1, 1]} : vector<4x4xf32> to vector<1x1xf32>
    %squeeze3A_52 = vector.extract %slice3A_51[0, 0] : f32 from vector<1x1xf32>
    %slice3A_53 = vector.extract_strided_slice %get3A_5 {offsets = [2, 0, 0], sizes = [1, 4, 128], strides = [1, 1, 1]} : vector<4x4x128xf32> to vector<1x4x128xf32>
    %squeeze3A_54 = vector.shape_cast %slice3A_53 : vector<1x4x128xf32> to vector<4x128xf32>
    %mul3A_55 = vector.broadcast %squeeze3A_52 : f32 to vector<4x128xf32>
    %mul3A_56 = arith.mulf %mul3A_55, %squeeze3A_54 : vector<4x128xf32>
    %add3A_57 = arith.addf %add3A_50, %mul3A_56 : vector<4x128xf32>
    %slice3A_58 = vector.extract_strided_slice %get3A_8 {offsets = [1, 3], sizes = [1, 1], strides = [1, 1]} : vector<4x4xf32> to vector<1x1xf32>
    %squeeze3A_59 = vector.extract %slice3A_58[0, 0] : f32 from vector<1x1xf32>
    %slice3A_60 = vector.extract_strided_slice %get3A_5 {offsets = [3, 0, 0], sizes = [1, 4, 128], strides = [1, 1, 1]} : vector<4x4x128xf32> to vector<1x4x128xf32>
    %squeeze3A_61 = vector.shape_cast %slice3A_60 : vector<1x4x128xf32> to vector<4x128xf32>
    %mul3A_62 = vector.broadcast %squeeze3A_59 : f32 to vector<4x128xf32>
    %mul3A_63 = arith.mulf %mul3A_62, %squeeze3A_61 : vector<4x128xf32>
    %add3A_64 = arith.addf %add3A_57, %mul3A_63 : vector<4x128xf32>
    %dot_general3A_65 = arith.constant dense<0.000000e+00> : vector<1000x128xf32>
    %dot_general3A_66 = tpu.matmul %get3A_1, %add3A_64, %dot_general3A_65 {dimension_numbers = #tpu.dot_dimension_numbers<[1], [0], [0], [1], [0, 0, 1, 1], [], []>, transpose_lhs_hint = false} : vector<1000x4xf32>, vector<4x128xf32>, vector<1000x128xf32> -> vector<1000x128xf32>
    %swap3A_67 = arith.constant 1 : index
    %swap3A_68 = arith.constant 0 : index
    %swap3A_69 = arith.constant 0 : index
    %swap3A_70 = vector.load %arg4[%swap3A_67, %swap3A_68, %swap3A_69] : memref<4x1000x128xf32, #tpu.memory_space<vmem>>, vector<1x1000x128xf32>
    %swap3A_71 = vector.shape_cast %swap3A_70 : vector<1x1000x128xf32> to vector<1000x128xf32>
    %swap3A_72 = vector.shape_cast %dot_general3A_66 : vector<1000x128xf32> to vector<1x1000x128xf32>
    tpu.vector_store %arg4[%swap3A_67, %swap3A_68, %swap3A_69], %swap3A_72 {strides = array<i32>} : memref<4x1000x128xf32, #tpu.memory_space<vmem>>, vector<1x1000x128xf32>,
    %slice3A_73 = vector.extract_strided_slice %get3A_8 {offsets = [2, 0], sizes = [1, 1], strides = [1, 1]} : vector<4x4xf32> to vector<1x1xf32>
    %squeeze3A_74 = vector.extract %slice3A_73[0, 0] : f32 from vector<1x1xf32>
    %slice3A_75 = vector.extract_strided_slice %get3A_5 {offsets = [0, 0, 0], sizes = [1, 4, 128], strides = [1, 1, 1]} : vector<4x4x128xf32> to vector<1x4x128xf32>
    %squeeze3A_76 = vector.shape_cast %slice3A_75 : vector<1x4x128xf32> to vector<4x128xf32>
    %mul3A_77 = vector.broadcast %squeeze3A_74 : f32 to vector<4x128xf32>
    %mul3A_78 = arith.mulf %mul3A_77, %squeeze3A_76 : vector<4x128xf32>
    %slice3A_79 = vector.extract_strided_slice %get3A_8 {offsets = [2, 1], sizes = [1, 1], strides = [1, 1]} : vector<4x4xf32> to vector<1x1xf32>
    %squeeze3A_80 = vector.extract %slice3A_79[0, 0] : f32 from vector<1x1xf32>
    %slice3A_81 = vector.extract_strided_slice %get3A_5 {offsets = [1, 0, 0], sizes = [1, 4, 128], strides = [1, 1, 1]} : vector<4x4x128xf32> to vector<1x4x128xf32>
    %squeeze3A_82 = vector.shape_cast %slice3A_81 : vector<1x4x128xf32> to vector<4x128xf32>
    %mul3A_83 = vector.broadcast %squeeze3A_80 : f32 to vector<4x128xf32>
    %mul3A_84 = arith.mulf %mul3A_83, %squeeze3A_82 : vector<4x128xf32>
    %add3A_85 = arith.addf %mul3A_78, %mul3A_84 : vector<4x128xf32>
    %slice3A_86 = vector.extract_strided_slice %get3A_8 {offsets = [2, 2], sizes = [1, 1], strides = [1, 1]} : vector<4x4xf32> to vector<1x1xf32>
    %squeeze3A_87 = vector.extract %slice3A_86[0, 0] : f32 from vector<1x1xf32>
    %slice3A_88 = vector.extract_strided_slice %get3A_5 {offsets = [2, 0, 0], sizes = [1, 4, 128], strides = [1, 1, 1]} : vector<4x4x128xf32> to vector<1x4x128xf32>
    %squeeze3A_89 = vector.shape_cast %slice3A_88 : vector<1x4x128xf32> to vector<4x128xf32>
    %mul3A_90 = vector.broadcast %squeeze3A_87 : f32 to vector<4x128xf32>
    %mul3A_91 = arith.mulf %mul3A_90, %squeeze3A_89 : vector<4x128xf32>
    %add3A_92 = arith.addf %add3A_85, %mul3A_91 : vector<4x128xf32>
    %slice3A_93 = vector.extract_strided_slice %get3A_8 {offsets = [2, 3], sizes = [1, 1], strides = [1, 1]} : vector<4x4xf32> to vector<1x1xf32>
    %squeeze3A_94 = vector.extract %slice3A_93[0, 0] : f32 from vector<1x1xf32>
    %slice3A_95 = vector.extract_strided_slice %get3A_5 {offsets = [3, 0, 0], sizes = [1, 4, 128], strides = [1, 1, 1]} : vector<4x4x128xf32> to vector<1x4x128xf32>
    %squeeze3A_96 = vector.shape_cast %slice3A_95 : vector<1x4x128xf32> to vector<4x128xf32>
    %mul3A_97 = vector.broadcast %squeeze3A_94 : f32 to vector<4x128xf32>
    %mul3A_98 = arith.mulf %mul3A_97, %squeeze3A_96 : vector<4x128xf32>
    %add3A_99 = arith.addf %add3A_92, %mul3A_98 : vector<4x128xf32>
    %dot_general3A_100 = arith.constant dense<0.000000e+00> : vector<1000x128xf32>
    %dot_general3A_101 = tpu.matmul %get3A_1, %add3A_99, %dot_general3A_100 {dimension_numbers = #tpu.dot_dimension_numbers<[1], [0], [0], [1], [0, 0, 1, 1], [], []>, transpose_lhs_hint = false} : vector<1000x4xf32>, vector<4x128xf32>, vector<1000x128xf32> -> vector<1000x128xf32>
    %swap3A_102 = arith.constant 2 : index
    %swap3A_103 = arith.constant 0 : index
    %swap3A_104 = arith.constant 0 : index
    %swap3A_105 = vector.load %arg4[%swap3A_102, %swap3A_103, %swap3A_104] : memref<4x1000x128xf32, #tpu.memory_space<vmem>>, vector<1x1000x128xf32>
    %swap3A_106 = vector.shape_cast %swap3A_105 : vector<1x1000x128xf32> to vector<1000x128xf32>
    %swap3A_107 = vector.shape_cast %dot_general3A_101 : vector<1000x128xf32> to vector<1x1000x128xf32>
    tpu.vector_store %arg4[%swap3A_102, %swap3A_103, %swap3A_104], %swap3A_107 {strides = array<i32>} : memref<4x1000x128xf32, #tpu.memory_space<vmem>>, vector<1x1000x128xf32>,
    %slice3A_108 = vector.extract_strided_slice %get3A_8 {offsets = [3, 0], sizes = [1, 1], strides = [1, 1]} : vector<4x4xf32> to vector<1x1xf32>
    %squeeze3A_109 = vector.extract %slice3A_108[0, 0] : f32 from vector<1x1xf32>
    %slice3A_110 = vector.extract_strided_slice %get3A_5 {offsets = [0, 0, 0], sizes = [1, 4, 128], strides = [1, 1, 1]} : vector<4x4x128xf32> to vector<1x4x128xf32>
    %squeeze3A_111 = vector.shape_cast %slice3A_110 : vector<1x4x128xf32> to vector<4x128xf32>
    %mul3A_112 = vector.broadcast %squeeze3A_109 : f32 to vector<4x128xf32>
    %mul3A_113 = arith.mulf %mul3A_112, %squeeze3A_111 : vector<4x128xf32>
    %slice3A_114 = vector.extract_strided_slice %get3A_8 {offsets = [3, 1], sizes = [1, 1], strides = [1, 1]} : vector<4x4xf32> to vector<1x1xf32>
    %squeeze3A_115 = vector.extract %slice3A_114[0, 0] : f32 from vector<1x1xf32>
    %slice3A_116 = vector.extract_strided_slice %get3A_5 {offsets = [1, 0, 0], sizes = [1, 4, 128], strides = [1, 1, 1]} : vector<4x4x128xf32> to vector<1x4x128xf32>
    %squeeze3A_117 = vector.shape_cast %slice3A_116 : vector<1x4x128xf32> to vector<4x128xf32>
    %mul3A_118 = vector.broadcast %squeeze3A_115 : f32 to vector<4x128xf32>
    %mul3A_119 = arith.mulf %mul3A_118, %squeeze3A_117 : vector<4x128xf32>
    %add3A_120 = arith.addf %mul3A_113, %mul3A_119 : vector<4x128xf32>
    %slice3A_121 = vector.extract_strided_slice %get3A_8 {offsets = [3, 2], sizes = [1, 1], strides = [1, 1]} : vector<4x4xf32> to vector<1x1xf32>
    %squeeze3A_122 = vector.extract %slice3A_121[0, 0] : f32 from vector<1x1xf32>
    %slice3A_123 = vector.extract_strided_slice %get3A_5 {offsets = [2, 0, 0], sizes = [1, 4, 128], strides = [1, 1, 1]} : vector<4x4x128xf32> to vector<1x4x128xf32>
    %squeeze3A_124 = vector.shape_cast %slice3A_123 : vector<1x4x128xf32> to vector<4x128xf32>
    %mul3A_125 = vector.broadcast %squeeze3A_122 : f32 to vector<4x128xf32>
    %mul3A_126 = arith.mulf %mul3A_125, %squeeze3A_124 : vector<4x128xf32>
    %add3A_127 = arith.addf %add3A_120, %mul3A_126 : vector<4x128xf32>
    %slice3A_128 = vector.extract_strided_slice %get3A_8 {offsets = [3, 3], sizes = [1, 1], strides = [1, 1]} : vector<4x4xf32> to vector<1x1xf32>
    %squeeze3A_129 = vector.extract %slice3A_128[0, 0] : f32 from vector<1x1xf32>
    %slice3A_130 = vector.extract_strided_slice %get3A_5 {offsets = [3, 0, 0], sizes = [1, 4, 128], strides = [1, 1, 1]} : vector<4x4x128xf32> to vector<1x4x128xf32>
    %squeeze3A_131 = vector.shape_cast %slice3A_130 : vector<1x4x128xf32> to vector<4x128xf32>
    %mul3A_132 = vector.broadcast %squeeze3A_129 : f32 to vector<4x128xf32>
    %mul3A_133 = arith.mulf %mul3A_132, %squeeze3A_131 : vector<4x128xf32>
    %add3A_134 = arith.addf %add3A_127, %mul3A_133 : vector<4x128xf32>
    %dot_general3A_135 = arith.constant dense<0.000000e+00> : vector<1000x128xf32>
    %dot_general3A_136 = tpu.matmul %get3A_1, %add3A_134, %dot_general3A_135 {dimension_numbers = #tpu.dot_dimension_numbers<[1], [0], [0], [1], [0, 0, 1, 1], [], []>, transpose_lhs_hint = false} : vector<1000x4xf32>, vector<4x128xf32>, vector<1000x128xf32> -> vector<1000x128xf32>
    %swap3A_137 = arith.constant 3 : index
    %swap3A_138 = arith.constant 0 : index
    %swap3A_139 = arith.constant 0 : index
    %swap3A_140 = vector.load %arg4[%swap3A_137, %swap3A_138, %swap3A_139] : memref<4x1000x128xf32, #tpu.memory_space<vmem>>, vector<1x1000x128xf32>
    %swap3A_141 = vector.shape_cast %swap3A_140 : vector<1x1000x128xf32> to vector<1000x128xf32>
    %swap3A_142 = vector.shape_cast %dot_general3A_136 : vector<1000x128xf32> to vector<1x1000x128xf32>
    tpu.vector_store %arg4[%swap3A_137, %swap3A_138, %swap3A_139], %swap3A_142 {strides = array<i32>} : memref<4x1000x128xf32, #tpu.memory_space<vmem>>, vector<1x1000x128xf32>,
    return
  }
  func.func @transform_0(%arg0: i32) -> (i32, i32) {
    %c0_i32 = arith.constant 0 : i32
    %c0_i32_0 = arith.constant 0 : i32
    return %arg0, %c0_i32 : i32, i32
  }
  func.func @transform_1(%arg0: i32) -> (i32, i32, i32) {
    %c0_i32 = arith.constant 0 : i32
    %c0_i32_0 = arith.constant 0 : i32
    %c0_i32_1 = arith.constant 0 : i32
    %c0_i32_2 = arith.constant 0 : i32
    return %c0_i32, %c0_i32_0, %c0_i32_1 : i32, i32, i32
  }
  func.func @transform_2(%arg0: i32) -> (i32, i32) {
    %c0_i32 = arith.constant 0 : i32
    %c0_i32_0 = arith.constant 0 : i32
    %c0_i32_1 = arith.constant 0 : i32
    return %c0_i32, %c0_i32_0 : i32, i32
  }
  func.func @transform_3(%arg0: i32) -> (i32, i32, i32) {
    %c0_i32 = arith.constant 0 : i32
    %c0_i32_0 = arith.constant 0 : i32
    %c0_i32_1 = arith.constant 0 : i32
    return %c0_i32, %arg0, %c0_i32_0 : i32, i32, i32
  }
}

module attributes {stable_mosaic.version = 14 : i64} {
  func.func @_layer2_body(%arg0: i32, %arg1: memref<2x1000x128xf32, #tpu.memory_space<vmem>>, %arg2: memref<1000x4xf32, #tpu.memory_space<vmem>>, %arg3: memref<4x128xf32, #tpu.memory_space<vmem>>, %arg4: memref<1x128xf32, #tpu.memory_space<vmem>>, %arg5: memref<1x128xf32, #tpu.memory_space<vmem>>, %arg6: memref<1x128xf32, #tpu.memory_space<vmem>>, %arg7: memref<4x128x256xf32, #tpu.memory_space<vmem>>, %arg8: memref<4x4xf32, #tpu.memory_space<vmem>>, %arg9: memref<128x256xf32, #tpu.memory_space<vmem>>, %arg10: memref<1x256xf32, #tpu.memory_space<vmem>>, %arg11: memref<2x4x1000x128xf32, #tpu.memory_space<vmem>>, %arg12: memref<1000x256xf32, #tpu.memory_space<vmem>>) attributes {dimension_semantics = [#tpu.dimension_semantics<arbitrary>], iteration_bounds = array<i64: 10>, scalar_prefetch = 0 : i64, scratch_operands = 0 : i64, tpu.core_type = #tpu.core_type<tc>, window_params = [{transform_indices = @transform_0, window_bounds = array<i64: 2, 1000, 128>}, {transform_indices = @transform_1, window_bounds = array<i64: 1000, 4>}, {pipeline_mode = #tpu.pipeline_mode<synchronous>, transform_indices = @transform_2, window_bounds = array<i64: 4, 128>}, {pipeline_mode = #tpu.pipeline_mode<synchronous>, transform_indices = @transform_3, window_bounds = array<i64: 1, 128>}, {pipeline_mode = #tpu.pipeline_mode<synchronous>, transform_indices = @transform_4, window_bounds = array<i64: 1, 128>}, {pipeline_mode = #tpu.pipeline_mode<synchronous>, transform_indices = @transform_5, window_bounds = array<i64: 1, 128>}, {pipeline_mode = #tpu.pipeline_mode<synchronous>, transform_indices = @transform_6, window_bounds = array<i64: 4, 128, 256>}, {pipeline_mode = #tpu.pipeline_mode<synchronous>, transform_indices = @transform_7, window_bounds = array<i64: 4, 4>}, {pipeline_mode = #tpu.pipeline_mode<synchronous>, transform_indices = @transform_8, window_bounds = array<i64: 128, 256>}, {pipeline_mode = #tpu.pipeline_mode<synchronous>, transform_indices = @transform_9, window_bounds = array<i64: 1, 256>}, {transform_indices = @transform_10, window_bounds = array<i64: 2, 4, 1000, 128>}, {transform_indices = @transform_11, window_bounds = array<i64: 1000, 256>}]} {
    %get3A = arith.constant 0 : index
    %get3A_0 = arith.constant 0 : index
    %get3A_1 = arith.constant 0 : index
    %get3A_2 = vector.load %arg1[%get3A, %get3A_0, %get3A_1] : memref<2x1000x128xf32, #tpu.memory_space<vmem>>, vector<1x1000x128xf32>
    %get3A_3 = vector.shape_cast %get3A_2 : vector<1x1000x128xf32> to vector<1000x128xf32>
    %get3A_4 = arith.constant 1 : index
    %get3A_5 = arith.constant 0 : index
    %get3A_6 = arith.constant 0 : index
    %get3A_7 = vector.load %arg1[%get3A_4, %get3A_5, %get3A_6] : memref<2x1000x128xf32, #tpu.memory_space<vmem>>, vector<1x1000x128xf32>
    %get3A_8 = vector.shape_cast %get3A_7 : vector<1x1000x128xf32> to vector<1000x128xf32>
    %add3A = arith.addf %get3A_3, %get3A_8 : vector<1000x128xf32>
    %get3A_9 = arith.constant 0 : index
    %get3A_10 = arith.constant 0 : index
    %get3A_11 = vector.load %arg2[%get3A_9, %get3A_10] : memref<1000x4xf32, #tpu.memory_space<vmem>>, vector<1000x4xf32>
    %get3A_12 = arith.constant 0 : index
    %get3A_13 = arith.constant 0 : index
    %get3A_14 = vector.load %arg3[%get3A_12, %get3A_13] : memref<4x128xf32, #tpu.memory_space<vmem>>, vector<4x128xf32>
    %dot_general3A = arith.constant dense<0.000000e+00> : vector<1000x128xf32>
    %dot_general3A_15 = tpu.matmul %get3A_11, %get3A_14, %dot_general3A {dimension_numbers = #tpu.dot_dimension_numbers<[1], [0], [0], [1], [0, 0, 1, 1], [], []>, transpose_lhs_hint = false} : vector<1000x4xf32>, vector<4x128xf32>, vector<1000x128xf32> -> vector<1000x128xf32>
    %add3A_16 = arith.addf %add3A, %dot_general3A_15 : vector<1000x128xf32>
    %get3A_17 = arith.constant 0 : index
    %get3A_18 = arith.constant 0 : index
    %get3A_19 = vector.load %arg4[%get3A_17, %get3A_18] : memref<1x128xf32, #tpu.memory_space<vmem>>, vector<1x128xf32>
    %add3A_20 = vector.broadcast %get3A_19 : vector<1x128xf32> to vector<1000x128xf32>
    %add3A_21 = arith.addf %add3A_16, %add3A_20 : vector<1000x128xf32>
    %gt3A = arith.constant 0.000000e+00 : f32
    %gt3A_22 = vector.broadcast %gt3A : f32 to vector<1000x128xf32>
    %gt3A_23 = arith.cmpf ogt, %add3A_21, %gt3A_22 : vector<1000x128xf32>
    %mul3A = arith.constant 1.000000e-01 : f32
    %mul3A_24 = vector.broadcast %mul3A : f32 to vector<1000x128xf32>
    %mul3A_25 = arith.mulf %mul3A_24, %add3A_21 : vector<1000x128xf32>
    %select_n3A = arith.select %gt3A_23, %add3A_21, %mul3A_25 : vector<1000x128xi1>, vector<1000x128xf32>
    %get3A_26 = arith.constant 0 : index
    %get3A_27 = arith.constant 0 : index
    %get3A_28 = vector.load %arg5[%get3A_26, %get3A_27] : memref<1x128xf32, #tpu.memory_space<vmem>>, vector<1x128xf32>
    %get3A_29 = arith.constant 0 : index
    %get3A_30 = arith.constant 0 : index
    %get3A_31 = vector.load %arg6[%get3A_29, %get3A_30] : memref<1x128xf32, #tpu.memory_space<vmem>>, vector<1x128xf32>
    %reduce_sum3A = arith.constant dense<0.000000e+00> : vector<1000xf32>
    %reduce_sum3A_32 = vector.multi_reduction <add>, %select_n3A, %reduce_sum3A [1] : vector<1000x128xf32> to vector<1000xf32>
    %broadcast_in_dim3A = vector.shape_cast %reduce_sum3A_32 : vector<1000xf32> to vector<1000x1xf32>
    %div3A = arith.constant 1.280000e+02 : f32
    %div3A_33 = vector.broadcast %div3A : f32 to vector<1000x1xf32>
    %div3A_34 = arith.divf %broadcast_in_dim3A, %div3A_33 : vector<1000x1xf32>
    %jit3A = arith.constant 0 : i32
    %reduce_sum3A_35 = arith.constant dense<0.000000e+00> : vector<1000xf32>
    %reduce_sum3A_36 = vector.multi_reduction <add>, %select_n3A, %reduce_sum3A_35 [1] : vector<1000x128xf32> to vector<1000xf32>
    %broadcast_in_dim3A_37 = vector.shape_cast %reduce_sum3A_36 : vector<1000xf32> to vector<1000x1xf32>
    %div3A_38 = arith.constant 1.280000e+02 : f32
    %div3A_39 = vector.broadcast %div3A_38 : f32 to vector<1000x1xf32>
    %div3A_40 = arith.divf %broadcast_in_dim3A_37, %div3A_39 : vector<1000x1xf32>
    %sub3A = vector.broadcast %div3A_40 : vector<1000x1xf32> to vector<1000x128xf32>
    %sub3A_41 = arith.subf %select_n3A, %sub3A : vector<1000x128xf32>
    %square3A = arith.mulf %sub3A_41, %sub3A_41 : vector<1000x128xf32>
    %convert_element_type3A = arith.sitofp %jit3A : i32 to f32
    %sub3A_42 = arith.constant 1.280000e+02 : f32
    %sub3A_43 = arith.subf %sub3A_42, %convert_element_type3A : f32
    %reduce_sum3A_44 = arith.constant dense<0.000000e+00> : vector<1000xf32>
    %reduce_sum3A_45 = vector.multi_reduction <add>, %square3A, %reduce_sum3A_44 [1] : vector<1000x128xf32> to vector<1000xf32>
    %broadcast_in_dim3A_46 = vector.shape_cast %reduce_sum3A_45 : vector<1000xf32> to vector<1000x1xf32>
    %div3A_47 = vector.broadcast %sub3A_43 : f32 to vector<1000x1xf32>
    %div3A_48 = arith.divf %broadcast_in_dim3A_46, %div3A_47 : vector<1000x1xf32>
    %gt3A_49 = arith.constant 0.000000e+00 : f32
    %gt3A_50 = arith.cmpf ogt, %sub3A_43, %gt3A_49 : f32
    %jit3A_51 = arith.constant 0x7FC00000 : f32
    %broadcast_in_dim3A_52 = vector.broadcast %jit3A_51 : f32 to vector<1000x1xf32>
    %select_n3A_53 = arith.select %gt3A_50, %div3A_48, %broadcast_in_dim3A_52 : vector<1000x1xf32>
    %sub3A_54 = vector.broadcast %div3A_34 : vector<1000x1xf32> to vector<1000x128xf32>
    %sub3A_55 = arith.subf %select_n3A, %sub3A_54 : vector<1000x128xf32>
    %add3A_56 = arith.constant 9.99999974E-6 : f32
    %add3A_57 = vector.broadcast %add3A_56 : f32 to vector<1000x1xf32>
    %add3A_58 = arith.addf %select_n3A_53, %add3A_57 : vector<1000x1xf32>
    %sqrt3A = math.sqrt %add3A_58 : vector<1000x1xf32>
    %div3A_59 = vector.broadcast %sqrt3A : vector<1000x1xf32> to vector<1000x128xf32>
    %div3A_60 = arith.divf %sub3A_55, %div3A_59 : vector<1000x128xf32>
    %mul3A_61 = vector.broadcast %get3A_28 : vector<1x128xf32> to vector<1000x128xf32>
    %mul3A_62 = arith.mulf %div3A_60, %mul3A_61 : vector<1000x128xf32>
    %add3A_63 = vector.broadcast %get3A_31 : vector<1x128xf32> to vector<1000x128xf32>
    %add3A_64 = arith.addf %mul3A_62, %add3A_63 : vector<1000x128xf32>
    %get3A_65 = arith.constant 0 : index
    %get3A_66 = arith.constant 0 : index
    %get3A_67 = vector.load %arg8[%get3A_65, %get3A_66] : memref<4x4xf32, #tpu.memory_space<vmem>>, vector<4x4xf32>
    %get3A_68 = arith.constant 0 : index
    %get3A_69 = arith.constant 0 : index
    %get3A_70 = arith.constant 0 : index
    %get3A_71 = vector.load %arg7[%get3A_68, %get3A_69, %get3A_70] : memref<4x128x256xf32, #tpu.memory_space<vmem>>, vector<4x128x256xf32>
    %slice3A = vector.extract_strided_slice %get3A_67 {offsets = [0, 0], sizes = [1, 1], strides = [1, 1]} : vector<4x4xf32> to vector<1x1xf32>
    %squeeze3A = vector.extract %slice3A[0, 0] : f32 from vector<1x1xf32>
    %slice3A_72 = vector.extract_strided_slice %get3A_71 {offsets = [0, 0, 0], sizes = [1, 128, 256], strides = [1, 1, 1]} : vector<4x128x256xf32> to vector<1x128x256xf32>
    %squeeze3A_73 = vector.shape_cast %slice3A_72 : vector<1x128x256xf32> to vector<128x256xf32>
    %mul3A_74 = vector.broadcast %squeeze3A : f32 to vector<128x256xf32>
    %mul3A_75 = arith.mulf %mul3A_74, %squeeze3A_73 : vector<128x256xf32>
    %slice3A_76 = vector.extract_strided_slice %get3A_67 {offsets = [0, 1], sizes = [1, 1], strides = [1, 1]} : vector<4x4xf32> to vector<1x1xf32>
    %squeeze3A_77 = vector.extract %slice3A_76[0, 0] : f32 from vector<1x1xf32>
    %slice3A_78 = vector.extract_strided_slice %get3A_71 {offsets = [1, 0, 0], sizes = [1, 128, 256], strides = [1, 1, 1]} : vector<4x128x256xf32> to vector<1x128x256xf32>
    %squeeze3A_79 = vector.shape_cast %slice3A_78 : vector<1x128x256xf32> to vector<128x256xf32>
    %mul3A_80 = vector.broadcast %squeeze3A_77 : f32 to vector<128x256xf32>
    %mul3A_81 = arith.mulf %mul3A_80, %squeeze3A_79 : vector<128x256xf32>
    %add3A_82 = arith.addf %mul3A_75, %mul3A_81 : vector<128x256xf32>
    %slice3A_83 = vector.extract_strided_slice %get3A_67 {offsets = [0, 2], sizes = [1, 1], strides = [1, 1]} : vector<4x4xf32> to vector<1x1xf32>
    %squeeze3A_84 = vector.extract %slice3A_83[0, 0] : f32 from vector<1x1xf32>
    %slice3A_85 = vector.extract_strided_slice %get3A_71 {offsets = [2, 0, 0], sizes = [1, 128, 256], strides = [1, 1, 1]} : vector<4x128x256xf32> to vector<1x128x256xf32>
    %squeeze3A_86 = vector.shape_cast %slice3A_85 : vector<1x128x256xf32> to vector<128x256xf32>
    %mul3A_87 = vector.broadcast %squeeze3A_84 : f32 to vector<128x256xf32>
    %mul3A_88 = arith.mulf %mul3A_87, %squeeze3A_86 : vector<128x256xf32>
    %add3A_89 = arith.addf %add3A_82, %mul3A_88 : vector<128x256xf32>
    %slice3A_90 = vector.extract_strided_slice %get3A_67 {offsets = [0, 3], sizes = [1, 1], strides = [1, 1]} : vector<4x4xf32> to vector<1x1xf32>
    %squeeze3A_91 = vector.extract %slice3A_90[0, 0] : f32 from vector<1x1xf32>
    %slice3A_92 = vector.extract_strided_slice %get3A_71 {offsets = [3, 0, 0], sizes = [1, 128, 256], strides = [1, 1, 1]} : vector<4x128x256xf32> to vector<1x128x256xf32>
    %squeeze3A_93 = vector.shape_cast %slice3A_92 : vector<1x128x256xf32> to vector<128x256xf32>
    %mul3A_94 = vector.broadcast %squeeze3A_91 : f32 to vector<128x256xf32>
    %mul3A_95 = arith.mulf %mul3A_94, %squeeze3A_93 : vector<128x256xf32>
    %add3A_96 = arith.addf %add3A_89, %mul3A_95 : vector<128x256xf32>
    %dot_general3A_97 = arith.constant dense<0.000000e+00> : vector<1000x256xf32>
    %dot_general3A_98 = tpu.matmul %add3A_64, %add3A_96, %dot_general3A_97 {dimension_numbers = #tpu.dot_dimension_numbers<[1], [0], [0], [1], [0, 0, 1, 1], [], []>, transpose_lhs_hint = false} : vector<1000x128xf32>, vector<128x256xf32>, vector<1000x256xf32> -> vector<1000x256xf32>
    %slice3A_99 = vector.extract_strided_slice %dot_general3A_98 {offsets = [0, 0], sizes = [1000, 128], strides = [1, 1]} : vector<1000x256xf32> to vector<1000x128xf32>
    %swap3A = arith.constant 0 : index
    %swap3A_100 = arith.constant 0 : index
    %swap3A_101 = arith.constant 0 : index
    %swap3A_102 = arith.constant 0 : index
    %swap3A_103 = vector.load %arg11[%swap3A, %swap3A_100, %swap3A_101, %swap3A_102] : memref<2x4x1000x128xf32, #tpu.memory_space<vmem>>, vector<1x1x1000x128xf32>
    %swap3A_104 = vector.shape_cast %swap3A_103 : vector<1x1x1000x128xf32> to vector<1000x128xf32>
    %swap3A_105 = vector.shape_cast %slice3A_99 : vector<1000x128xf32> to vector<1x1x1000x128xf32>
    tpu.vector_store %arg11[%swap3A, %swap3A_100, %swap3A_101, %swap3A_102], %swap3A_105 {strides = array<i32>} : memref<2x4x1000x128xf32, #tpu.memory_space<vmem>>, vector<1x1x1000x128xf32>,
    %slice3A_106 = vector.extract_strided_slice %dot_general3A_98 {offsets = [0, 128], sizes = [1000, 128], strides = [1, 1]} : vector<1000x256xf32> to vector<1000x128xf32>
    %swap3A_107 = arith.constant 1 : index
    %swap3A_108 = arith.constant 0 : index
    %swap3A_109 = arith.constant 0 : index
    %swap3A_110 = arith.constant 0 : index
    %swap3A_111 = vector.load %arg11[%swap3A_107, %swap3A_108, %swap3A_109, %swap3A_110] : memref<2x4x1000x128xf32, #tpu.memory_space<vmem>>, vector<1x1x1000x128xf32>
    %swap3A_112 = vector.shape_cast %swap3A_111 : vector<1x1x1000x128xf32> to vector<1000x128xf32>
    %swap3A_113 = vector.shape_cast %slice3A_106 : vector<1000x128xf32> to vector<1x1x1000x128xf32>
    tpu.vector_store %arg11[%swap3A_107, %swap3A_108, %swap3A_109, %swap3A_110], %swap3A_113 {strides = array<i32>} : memref<2x4x1000x128xf32, #tpu.memory_space<vmem>>, vector<1x1x1000x128xf32>,
    %slice3A_114 = vector.extract_strided_slice %get3A_67 {offsets = [1, 0], sizes = [1, 1], strides = [1, 1]} : vector<4x4xf32> to vector<1x1xf32>
    %squeeze3A_115 = vector.extract %slice3A_114[0, 0] : f32 from vector<1x1xf32>
    %slice3A_116 = vector.extract_strided_slice %get3A_71 {offsets = [0, 0, 0], sizes = [1, 128, 256], strides = [1, 1, 1]} : vector<4x128x256xf32> to vector<1x128x256xf32>
    %squeeze3A_117 = vector.shape_cast %slice3A_116 : vector<1x128x256xf32> to vector<128x256xf32>
    %mul3A_118 = vector.broadcast %squeeze3A_115 : f32 to vector<128x256xf32>
    %mul3A_119 = arith.mulf %mul3A_118, %squeeze3A_117 : vector<128x256xf32>
    %slice3A_120 = vector.extract_strided_slice %get3A_67 {offsets = [1, 1], sizes = [1, 1], strides = [1, 1]} : vector<4x4xf32> to vector<1x1xf32>
    %squeeze3A_121 = vector.extract %slice3A_120[0, 0] : f32 from vector<1x1xf32>
    %slice3A_122 = vector.extract_strided_slice %get3A_71 {offsets = [1, 0, 0], sizes = [1, 128, 256], strides = [1, 1, 1]} : vector<4x128x256xf32> to vector<1x128x256xf32>
    %squeeze3A_123 = vector.shape_cast %slice3A_122 : vector<1x128x256xf32> to vector<128x256xf32>
    %mul3A_124 = vector.broadcast %squeeze3A_121 : f32 to vector<128x256xf32>
    %mul3A_125 = arith.mulf %mul3A_124, %squeeze3A_123 : vector<128x256xf32>
    %add3A_126 = arith.addf %mul3A_119, %mul3A_125 : vector<128x256xf32>
    %slice3A_127 = vector.extract_strided_slice %get3A_67 {offsets = [1, 2], sizes = [1, 1], strides = [1, 1]} : vector<4x4xf32> to vector<1x1xf32>
    %squeeze3A_128 = vector.extract %slice3A_127[0, 0] : f32 from vector<1x1xf32>
    %slice3A_129 = vector.extract_strided_slice %get3A_71 {offsets = [2, 0, 0], sizes = [1, 128, 256], strides = [1, 1, 1]} : vector<4x128x256xf32> to vector<1x128x256xf32>
    %squeeze3A_130 = vector.shape_cast %slice3A_129 : vector<1x128x256xf32> to vector<128x256xf32>
    %mul3A_131 = vector.broadcast %squeeze3A_128 : f32 to vector<128x256xf32>
    %mul3A_132 = arith.mulf %mul3A_131, %squeeze3A_130 : vector<128x256xf32>
    %add3A_133 = arith.addf %add3A_126, %mul3A_132 : vector<128x256xf32>
    %slice3A_134 = vector.extract_strided_slice %get3A_67 {offsets = [1, 3], sizes = [1, 1], strides = [1, 1]} : vector<4x4xf32> to vector<1x1xf32>
    %squeeze3A_135 = vector.extract %slice3A_134[0, 0] : f32 from vector<1x1xf32>
    %slice3A_136 = vector.extract_strided_slice %get3A_71 {offsets = [3, 0, 0], sizes = [1, 128, 256], strides = [1, 1, 1]} : vector<4x128x256xf32> to vector<1x128x256xf32>
    %squeeze3A_137 = vector.shape_cast %slice3A_136 : vector<1x128x256xf32> to vector<128x256xf32>
    %mul3A_138 = vector.broadcast %squeeze3A_135 : f32 to vector<128x256xf32>
    %mul3A_139 = arith.mulf %mul3A_138, %squeeze3A_137 : vector<128x256xf32>
    %add3A_140 = arith.addf %add3A_133, %mul3A_139 : vector<128x256xf32>
    %dot_general3A_141 = arith.constant dense<0.000000e+00> : vector<1000x256xf32>
    %dot_general3A_142 = tpu.matmul %add3A_64, %add3A_140, %dot_general3A_141 {dimension_numbers = #tpu.dot_dimension_numbers<[1], [0], [0], [1], [0, 0, 1, 1], [], []>, transpose_lhs_hint = false} : vector<1000x128xf32>, vector<128x256xf32>, vector<1000x256xf32> -> vector<1000x256xf32>
    %slice3A_143 = vector.extract_strided_slice %dot_general3A_142 {offsets = [0, 0], sizes = [1000, 128], strides = [1, 1]} : vector<1000x256xf32> to vector<1000x128xf32>
    %swap3A_144 = arith.constant 0 : index
    %swap3A_145 = arith.constant 1 : index
    %swap3A_146 = arith.constant 0 : index
    %swap3A_147 = arith.constant 0 : index
    %swap3A_148 = vector.load %arg11[%swap3A_144, %swap3A_145, %swap3A_146, %swap3A_147] : memref<2x4x1000x128xf32, #tpu.memory_space<vmem>>, vector<1x1x1000x128xf32>
    %swap3A_149 = vector.shape_cast %swap3A_148 : vector<1x1x1000x128xf32> to vector<1000x128xf32>
    %swap3A_150 = vector.shape_cast %slice3A_143 : vector<1000x128xf32> to vector<1x1x1000x128xf32>
    tpu.vector_store %arg11[%swap3A_144, %swap3A_145, %swap3A_146, %swap3A_147], %swap3A_150 {strides = array<i32>} : memref<2x4x1000x128xf32, #tpu.memory_space<vmem>>, vector<1x1x1000x128xf32>,
    %slice3A_151 = vector.extract_strided_slice %dot_general3A_142 {offsets = [0, 128], sizes = [1000, 128], strides = [1, 1]} : vector<1000x256xf32> to vector<1000x128xf32>
    %swap3A_152 = arith.constant 1 : index
    %swap3A_153 = arith.constant 1 : index
    %swap3A_154 = arith.constant 0 : index
    %swap3A_155 = arith.constant 0 : index
    %swap3A_156 = vector.load %arg11[%swap3A_152, %swap3A_153, %swap3A_154, %swap3A_155] : memref<2x4x1000x128xf32, #tpu.memory_space<vmem>>, vector<1x1x1000x128xf32>
    %swap3A_157 = vector.shape_cast %swap3A_156 : vector<1x1x1000x128xf32> to vector<1000x128xf32>
    %swap3A_158 = vector.shape_cast %slice3A_151 : vector<1000x128xf32> to vector<1x1x1000x128xf32>
    tpu.vector_store %arg11[%swap3A_152, %swap3A_153, %swap3A_154, %swap3A_155], %swap3A_158 {strides = array<i32>} : memref<2x4x1000x128xf32, #tpu.memory_space<vmem>>, vector<1x1x1000x128xf32>,
    %slice3A_159 = vector.extract_strided_slice %get3A_67 {offsets = [2, 0], sizes = [1, 1], strides = [1, 1]} : vector<4x4xf32> to vector<1x1xf32>
    %squeeze3A_160 = vector.extract %slice3A_159[0, 0] : f32 from vector<1x1xf32>
    %slice3A_161 = vector.extract_strided_slice %get3A_71 {offsets = [0, 0, 0], sizes = [1, 128, 256], strides = [1, 1, 1]} : vector<4x128x256xf32> to vector<1x128x256xf32>
    %squeeze3A_162 = vector.shape_cast %slice3A_161 : vector<1x128x256xf32> to vector<128x256xf32>
    %mul3A_163 = vector.broadcast %squeeze3A_160 : f32 to vector<128x256xf32>
    %mul3A_164 = arith.mulf %mul3A_163, %squeeze3A_162 : vector<128x256xf32>
    %slice3A_165 = vector.extract_strided_slice %get3A_67 {offsets = [2, 1], sizes = [1, 1], strides = [1, 1]} : vector<4x4xf32> to vector<1x1xf32>
    %squeeze3A_166 = vector.extract %slice3A_165[0, 0] : f32 from vector<1x1xf32>
    %slice3A_167 = vector.extract_strided_slice %get3A_71 {offsets = [1, 0, 0], sizes = [1, 128, 256], strides = [1, 1, 1]} : vector<4x128x256xf32> to vector<1x128x256xf32>
    %squeeze3A_168 = vector.shape_cast %slice3A_167 : vector<1x128x256xf32> to vector<128x256xf32>
    %mul3A_169 = vector.broadcast %squeeze3A_166 : f32 to vector<128x256xf32>
    %mul3A_170 = arith.mulf %mul3A_169, %squeeze3A_168 : vector<128x256xf32>
    %add3A_171 = arith.addf %mul3A_164, %mul3A_170 : vector<128x256xf32>
    %slice3A_172 = vector.extract_strided_slice %get3A_67 {offsets = [2, 2], sizes = [1, 1], strides = [1, 1]} : vector<4x4xf32> to vector<1x1xf32>
    %squeeze3A_173 = vector.extract %slice3A_172[0, 0] : f32 from vector<1x1xf32>
    %slice3A_174 = vector.extract_strided_slice %get3A_71 {offsets = [2, 0, 0], sizes = [1, 128, 256], strides = [1, 1, 1]} : vector<4x128x256xf32> to vector<1x128x256xf32>
    %squeeze3A_175 = vector.shape_cast %slice3A_174 : vector<1x128x256xf32> to vector<128x256xf32>
    %mul3A_176 = vector.broadcast %squeeze3A_173 : f32 to vector<128x256xf32>
    %mul3A_177 = arith.mulf %mul3A_176, %squeeze3A_175 : vector<128x256xf32>
    %add3A_178 = arith.addf %add3A_171, %mul3A_177 : vector<128x256xf32>
    %slice3A_179 = vector.extract_strided_slice %get3A_67 {offsets = [2, 3], sizes = [1, 1], strides = [1, 1]} : vector<4x4xf32> to vector<1x1xf32>
    %squeeze3A_180 = vector.extract %slice3A_179[0, 0] : f32 from vector<1x1xf32>
    %slice3A_181 = vector.extract_strided_slice %get3A_71 {offsets = [3, 0, 0], sizes = [1, 128, 256], strides = [1, 1, 1]} : vector<4x128x256xf32> to vector<1x128x256xf32>
    %squeeze3A_182 = vector.shape_cast %slice3A_181 : vector<1x128x256xf32> to vector<128x256xf32>
    %mul3A_183 = vector.broadcast %squeeze3A_180 : f32 to vector<128x256xf32>
    %mul3A_184 = arith.mulf %mul3A_183, %squeeze3A_182 : vector<128x256xf32>
    %add3A_185 = arith.addf %add3A_178, %mul3A_184 : vector<128x256xf32>
    %dot_general3A_186 = arith.constant dense<0.000000e+00> : vector<1000x256xf32>
    %dot_general3A_187 = tpu.matmul %add3A_64, %add3A_185, %dot_general3A_186 {dimension_numbers = #tpu.dot_dimension_numbers<[1], [0], [0], [1], [0, 0, 1, 1], [], []>, transpose_lhs_hint = false} : vector<1000x128xf32>, vector<128x256xf32>, vector<1000x256xf32> -> vector<1000x256xf32>
    %slice3A_188 = vector.extract_strided_slice %dot_general3A_187 {offsets = [0, 0], sizes = [1000, 128], strides = [1, 1]} : vector<1000x256xf32> to vector<1000x128xf32>
    %swap3A_189 = arith.constant 0 : index
    %swap3A_190 = arith.constant 2 : index
    %swap3A_191 = arith.constant 0 : index
    %swap3A_192 = arith.constant 0 : index
    %swap3A_193 = vector.load %arg11[%swap3A_189, %swap3A_190, %swap3A_191, %swap3A_192] : memref<2x4x1000x128xf32, #tpu.memory_space<vmem>>, vector<1x1x1000x128xf32>
    %swap3A_194 = vector.shape_cast %swap3A_193 : vector<1x1x1000x128xf32> to vector<1000x128xf32>
    %swap3A_195 = vector.shape_cast %slice3A_188 : vector<1000x128xf32> to vector<1x1x1000x128xf32>
    tpu.vector_store %arg11[%swap3A_189, %swap3A_190, %swap3A_191, %swap3A_192], %swap3A_195 {strides = array<i32>} : memref<2x4x1000x128xf32, #tpu.memory_space<vmem>>, vector<1x1x1000x128xf32>,
    %slice3A_196 = vector.extract_strided_slice %dot_general3A_187 {offsets = [0, 128], sizes = [1000, 128], strides = [1, 1]} : vector<1000x256xf32> to vector<1000x128xf32>
    %swap3A_197 = arith.constant 1 : index
    %swap3A_198 = arith.constant 2 : index
    %swap3A_199 = arith.constant 0 : index
    %swap3A_200 = arith.constant 0 : index
    %swap3A_201 = vector.load %arg11[%swap3A_197, %swap3A_198, %swap3A_199, %swap3A_200] : memref<2x4x1000x128xf32, #tpu.memory_space<vmem>>, vector<1x1x1000x128xf32>
    %swap3A_202 = vector.shape_cast %swap3A_201 : vector<1x1x1000x128xf32> to vector<1000x128xf32>
    %swap3A_203 = vector.shape_cast %slice3A_196 : vector<1000x128xf32> to vector<1x1x1000x128xf32>
    tpu.vector_store %arg11[%swap3A_197, %swap3A_198, %swap3A_199, %swap3A_200], %swap3A_203 {strides = array<i32>} : memref<2x4x1000x128xf32, #tpu.memory_space<vmem>>, vector<1x1x1000x128xf32>,
    %slice3A_204 = vector.extract_strided_slice %get3A_67 {offsets = [3, 0], sizes = [1, 1], strides = [1, 1]} : vector<4x4xf32> to vector<1x1xf32>
    %squeeze3A_205 = vector.extract %slice3A_204[0, 0] : f32 from vector<1x1xf32>
    %slice3A_206 = vector.extract_strided_slice %get3A_71 {offsets = [0, 0, 0], sizes = [1, 128, 256], strides = [1, 1, 1]} : vector<4x128x256xf32> to vector<1x128x256xf32>
    %squeeze3A_207 = vector.shape_cast %slice3A_206 : vector<1x128x256xf32> to vector<128x256xf32>
    %mul3A_208 = vector.broadcast %squeeze3A_205 : f32 to vector<128x256xf32>
    %mul3A_209 = arith.mulf %mul3A_208, %squeeze3A_207 : vector<128x256xf32>
    %slice3A_210 = vector.extract_strided_slice %get3A_67 {offsets = [3, 1], sizes = [1, 1], strides = [1, 1]} : vector<4x4xf32> to vector<1x1xf32>
    %squeeze3A_211 = vector.extract %slice3A_210[0, 0] : f32 from vector<1x1xf32>
    %slice3A_212 = vector.extract_strided_slice %get3A_71 {offsets = [1, 0, 0], sizes = [1, 128, 256], strides = [1, 1, 1]} : vector<4x128x256xf32> to vector<1x128x256xf32>
    %squeeze3A_213 = vector.shape_cast %slice3A_212 : vector<1x128x256xf32> to vector<128x256xf32>
    %mul3A_214 = vector.broadcast %squeeze3A_211 : f32 to vector<128x256xf32>
    %mul3A_215 = arith.mulf %mul3A_214, %squeeze3A_213 : vector<128x256xf32>
    %add3A_216 = arith.addf %mul3A_209, %mul3A_215 : vector<128x256xf32>
    %slice3A_217 = vector.extract_strided_slice %get3A_67 {offsets = [3, 2], sizes = [1, 1], strides = [1, 1]} : vector<4x4xf32> to vector<1x1xf32>
    %squeeze3A_218 = vector.extract %slice3A_217[0, 0] : f32 from vector<1x1xf32>
    %slice3A_219 = vector.extract_strided_slice %get3A_71 {offsets = [2, 0, 0], sizes = [1, 128, 256], strides = [1, 1, 1]} : vector<4x128x256xf32> to vector<1x128x256xf32>
    %squeeze3A_220 = vector.shape_cast %slice3A_219 : vector<1x128x256xf32> to vector<128x256xf32>
    %mul3A_221 = vector.broadcast %squeeze3A_218 : f32 to vector<128x256xf32>
    %mul3A_222 = arith.mulf %mul3A_221, %squeeze3A_220 : vector<128x256xf32>
    %add3A_223 = arith.addf %add3A_216, %mul3A_222 : vector<128x256xf32>
    %slice3A_224 = vector.extract_strided_slice %get3A_67 {offsets = [3, 3], sizes = [1, 1], strides = [1, 1]} : vector<4x4xf32> to vector<1x1xf32>
    %squeeze3A_225 = vector.extract %slice3A_224[0, 0] : f32 from vector<1x1xf32>
    %slice3A_226 = vector.extract_strided_slice %get3A_71 {offsets = [3, 0, 0], sizes = [1, 128, 256], strides = [1, 1, 1]} : vector<4x128x256xf32> to vector<1x128x256xf32>
    %squeeze3A_227 = vector.shape_cast %slice3A_226 : vector<1x128x256xf32> to vector<128x256xf32>
    %mul3A_228 = vector.broadcast %squeeze3A_225 : f32 to vector<128x256xf32>
    %mul3A_229 = arith.mulf %mul3A_228, %squeeze3A_227 : vector<128x256xf32>
    %add3A_230 = arith.addf %add3A_223, %mul3A_229 : vector<128x256xf32>
    %dot_general3A_231 = arith.constant dense<0.000000e+00> : vector<1000x256xf32>
    %dot_general3A_232 = tpu.matmul %add3A_64, %add3A_230, %dot_general3A_231 {dimension_numbers = #tpu.dot_dimension_numbers<[1], [0], [0], [1], [0, 0, 1, 1], [], []>, transpose_lhs_hint = false} : vector<1000x128xf32>, vector<128x256xf32>, vector<1000x256xf32> -> vector<1000x256xf32>
    %slice3A_233 = vector.extract_strided_slice %dot_general3A_232 {offsets = [0, 0], sizes = [1000, 128], strides = [1, 1]} : vector<1000x256xf32> to vector<1000x128xf32>
    %swap3A_234 = arith.constant 0 : index
    %swap3A_235 = arith.constant 3 : index
    %swap3A_236 = arith.constant 0 : index
    %swap3A_237 = arith.constant 0 : index
    %swap3A_238 = vector.load %arg11[%swap3A_234, %swap3A_235, %swap3A_236, %swap3A_237] : memref<2x4x1000x128xf32, #tpu.memory_space<vmem>>, vector<1x1x1000x128xf32>
    %swap3A_239 = vector.shape_cast %swap3A_238 : vector<1x1x1000x128xf32> to vector<1000x128xf32>
    %swap3A_240 = vector.shape_cast %slice3A_233 : vector<1000x128xf32> to vector<1x1x1000x128xf32>
    tpu.vector_store %arg11[%swap3A_234, %swap3A_235, %swap3A_236, %swap3A_237], %swap3A_240 {strides = array<i32>} : memref<2x4x1000x128xf32, #tpu.memory_space<vmem>>, vector<1x1x1000x128xf32>,
    %slice3A_241 = vector.extract_strided_slice %dot_general3A_232 {offsets = [0, 128], sizes = [1000, 128], strides = [1, 1]} : vector<1000x256xf32> to vector<1000x128xf32>
    %swap3A_242 = arith.constant 1 : index
    %swap3A_243 = arith.constant 3 : index
    %swap3A_244 = arith.constant 0 : index
    %swap3A_245 = arith.constant 0 : index
    %swap3A_246 = vector.load %arg11[%swap3A_242, %swap3A_243, %swap3A_244, %swap3A_245] : memref<2x4x1000x128xf32, #tpu.memory_space<vmem>>, vector<1x1x1000x128xf32>
    %swap3A_247 = vector.shape_cast %swap3A_246 : vector<1x1x1000x128xf32> to vector<1000x128xf32>
    %swap3A_248 = vector.shape_cast %slice3A_241 : vector<1000x128xf32> to vector<1x1x1000x128xf32>
    tpu.vector_store %arg11[%swap3A_242, %swap3A_243, %swap3A_244, %swap3A_245], %swap3A_248 {strides = array<i32>} : memref<2x4x1000x128xf32, #tpu.memory_space<vmem>>, vector<1x1x1000x128xf32>,
    %get3A_249 = arith.constant 0 : index
    %get3A_250 = arith.constant 0 : index
    %get3A_251 = vector.load %arg9[%get3A_249, %get3A_250] : memref<128x256xf32, #tpu.memory_space<vmem>>, vector<128x256xf32>
    %dot_general3A_252 = arith.constant dense<0.000000e+00> : vector<1000x256xf32>
    %dot_general3A_253 = tpu.matmul %add3A_64, %get3A_251, %dot_general3A_252 {dimension_numbers = #tpu.dot_dimension_numbers<[1], [0], [0], [1], [0, 0, 1, 1], [], []>, transpose_lhs_hint = false} : vector<1000x128xf32>, vector<128x256xf32>, vector<1000x256xf32> -> vector<1000x256xf32>
    %get3A_254 = arith.constant 0 : index
    %get3A_255 = arith.constant 0 : index
    %get3A_256 = vector.load %arg10[%get3A_254, %get3A_255] : memref<1x256xf32, #tpu.memory_space<vmem>>, vector<1x256xf32>
    %add3A_257 = vector.broadcast %get3A_256 : vector<1x256xf32> to vector<1000x256xf32>
    %add3A_258 = arith.addf %dot_general3A_253, %add3A_257 : vector<1000x256xf32>
    %swap3A_259 = arith.constant 0 : index
    %swap3A_260 = arith.constant 0 : index
    %swap3A_261 = vector.load %arg12[%swap3A_259, %swap3A_260] : memref<1000x256xf32, #tpu.memory_space<vmem>>, vector<1000x256xf32>
    tpu.vector_store %arg12[%swap3A_259, %swap3A_260], %add3A_258 {strides = array<i32>} : memref<1000x256xf32, #tpu.memory_space<vmem>>, vector<1000x256xf32>,
    return
  }
  func.func @transform_0(%arg0: i32) -> (i32, i32, i32) {
    %c0_i32 = arith.constant 0 : i32
    %c0_i32_0 = arith.constant 0 : i32
    %c0_i32_1 = arith.constant 0 : i32
    return %c0_i32, %arg0, %c0_i32_0 : i32, i32, i32
  }
  func.func @transform_1(%arg0: i32) -> (i32, i32) {
    %c0_i32 = arith.constant 0 : i32
    %c0_i32_0 = arith.constant 0 : i32
    return %arg0, %c0_i32 : i32, i32
  }
  func.func @transform_2(%arg0: i32) -> (i32, i32) {
    %c0_i32 = arith.constant 0 : i32
    %c0_i32_0 = arith.constant 0 : i32
    %c0_i32_1 = arith.constant 0 : i32
    return %c0_i32, %c0_i32_0 : i32, i32
  }
  func.func @transform_3(%arg0: i32) -> (i32, i32) {
    %c0_i32 = arith.constant 0 : i32
    %c0_i32_0 = arith.constant 0 : i32
    %c0_i32_1 = arith.constant 0 : i32
    return %c0_i32, %c0_i32_0 : i32, i32
  }
  func.func @transform_4(%arg0: i32) -> (i32, i32) {
    %c0_i32 = arith.constant 0 : i32
    %c0_i32_0 = arith.constant 0 : i32
    %c0_i32_1 = arith.constant 0 : i32
    return %c0_i32, %c0_i32_0 : i32, i32
  }
  func.func @transform_5(%arg0: i32) -> (i32, i32) {
    %c0_i32 = arith.constant 0 : i32
    %c0_i32_0 = arith.constant 0 : i32
    %c0_i32_1 = arith.constant 0 : i32
    return %c0_i32, %c0_i32_0 : i32, i32
  }
  func.func @transform_6(%arg0: i32) -> (i32, i32, i32) {
    %c0_i32 = arith.constant 0 : i32
    %c0_i32_0 = arith.constant 0 : i32
    %c0_i32_1 = arith.constant 0 : i32
    %c0_i32_2 = arith.constant 0 : i32
    return %c0_i32, %c0_i32_0, %c0_i32_1 : i32, i32, i32
  }
  func.func @transform_7(%arg0: i32) -> (i32, i32) {
    %c0_i32 = arith.constant 0 : i32
    %c0_i32_0 = arith.constant 0 : i32
    %c0_i32_1 = arith.constant 0 : i32
    return %c0_i32, %c0_i32_0 : i32, i32
  }
  func.func @transform_8(%arg0: i32) -> (i32, i32) {
    %c0_i32 = arith.constant 0 : i32
    %c0_i32_0 = arith.constant 0 : i32
    %c0_i32_1 = arith.constant 0 : i32
    return %c0_i32, %c0_i32_0 : i32, i32
  }
  func.func @transform_9(%arg0: i32) -> (i32, i32) {
    %c0_i32 = arith.constant 0 : i32
    %c0_i32_0 = arith.constant 0 : i32
    %c0_i32_1 = arith.constant 0 : i32
    return %c0_i32, %c0_i32_0 : i32, i32
  }
  func.func @transform_10(%arg0: i32) -> (i32, i32, i32, i32) {
    %c0_i32 = arith.constant 0 : i32
    %c0_i32_0 = arith.constant 0 : i32
    %c0_i32_1 = arith.constant 0 : i32
    %c0_i32_2 = arith.constant 0 : i32
    return %c0_i32, %c0_i32_0, %arg0, %c0_i32_1 : i32, i32, i32, i32
  }
  func.func @transform_11(%arg0: i32) -> (i32, i32) {
    %c0_i32 = arith.constant 0 : i32
    %c0_i32_0 = arith.constant 0 : i32
    return %arg0, %c0_i32 : i32, i32
  }
}

module attributes {stable_mosaic.version = 14 : i64} {
  func.func @_pool_body(%arg0: i32, %arg1: memref<2x2x1000x128xf32, #tpu.memory_space<vmem>>, %arg2: memref<1000x256xf32, #tpu.memory_space<vmem>>, %arg3: memref<1000x1xi32, #tpu.memory_space<vmem>>, %arg4: memref<1x256xf32, #tpu.memory_space<vmem>>, %arg5: memref<1x256xf32, #tpu.memory_space<vmem>>, %arg6: memref<256x128xf32, #tpu.memory_space<vmem>>, %arg7: memref<1x128xf32, #tpu.memory_space<vmem>>, %arg8: memref<128x1xf32, #tpu.memory_space<vmem>>, %arg9: memref<1x1xf32, #tpu.memory_space<vmem>>, %arg10: memref<64x64xf32, #tpu.memory_space<vmem>>, %arg11: memref<256x64xf32, #tpu.memory_space<vmem>>, %arg12: memref<1x64xf32, #tpu.memory_space<vmem>>, %arg13: memref<256x64xf32, #tpu.memory_space<vmem>>, %arg14: memref<1x64xf32, #tpu.memory_space<vmem>>, %arg15: memref<64x256xf32, #tpu.memory_space<vmem>>, %arg16: memref<1x256xf32, #tpu.memory_space<vmem>>, %arg17: memref<64x128xf32, #tpu.memory_space<vmem>>, %arg18: memref<1x128xf32, #tpu.memory_space<vmem>>, %arg19: memref<128x2xf32, #tpu.memory_space<vmem>>, %arg20: memref<1x2xf32, #tpu.memory_space<vmem>>, %arg21: memref<64x128xf32, #tpu.memory_space<vmem>>, %arg22: memref<1x128xf32, #tpu.memory_space<vmem>>, %arg23: memref<128x9xf32, #tpu.memory_space<vmem>>, %arg24: memref<1x9xf32, #tpu.memory_space<vmem>>, %arg25: memref<256x128xf32, #tpu.memory_space<vmem>>, %arg26: memref<256x128xf32, #tpu.memory_space<vmem>>, %arg27: memref<1x128xf32, #tpu.memory_space<vmem>>, %arg28: memref<128x8xf32, #tpu.memory_space<vmem>>, %arg29: memref<8x1xf32, #tpu.memory_space<vmem>>, %arg30: memref<1000x256xf32, #tpu.memory_space<vmem>>, %arg31: memref<64x64xf32, #tpu.memory_space<vmem>>, %arg32: memref<64x64xf32, #tpu.memory_space<vmem>>, %arg33: memref<64x64xf32, #tpu.memory_space<vmem>>, %arg34: memref<64x2xf32, #tpu.memory_space<vmem>>, %arg35: memref<64x9xf32, #tpu.memory_space<vmem>>, %arg36: memref<64x256xf32, #tpu.memory_space<vmem>>, %arg37: memref<8x4096xf32, #tpu.memory_space<vmem>>, %arg38: memref<1x64xf32, #tpu.memory_space<vmem>>, %arg39: memref<64x1xf32, #tpu.memory_space<vmem>>, %arg40: memref<64x256xf32, #tpu.memory_space<vmem>>) attributes {dimension_semantics = [#tpu.dimension_semantics<arbitrary>], iteration_bounds = array<i64: 10>, scalar_prefetch = 0 : i64, scratch_operands = 3 : i64, tpu.core_type = #tpu.core_type<tc>, window_params = [{transform_indices = @transform_0, window_bounds = array<i64: 2, 2, 1000, 128>}, {transform_indices = @transform_1, window_bounds = array<i64: 1000, 256>}, {transform_indices = @transform_2, window_bounds = array<i64: 1000, 1>}, {pipeline_mode = #tpu.pipeline_mode<synchronous>, transform_indices = @transform_3, window_bounds = array<i64: 1, 256>}, {pipeline_mode = #tpu.pipeline_mode<synchronous>, transform_indices = @transform_4, window_bounds = array<i64: 1, 256>}, {pipeline_mode = #tpu.pipeline_mode<synchronous>, transform_indices = @transform_5, window_bounds = array<i64: 256, 128>}, {pipeline_mode = #tpu.pipeline_mode<synchronous>, transform_indices = @transform_6, window_bounds = array<i64: 1, 128>}, {pipeline_mode = #tpu.pipeline_mode<synchronous>, transform_indices = @transform_7, window_bounds = array<i64: 128, 1>}, {pipeline_mode = #tpu.pipeline_mode<synchronous>, transform_indices = @transform_8, window_bounds = array<i64: 1, 1>}, {pipeline_mode = #tpu.pipeline_mode<synchronous>, transform_indices = @transform_9, window_bounds = array<i64: 64, 64>}, {pipeline_mode = #tpu.pipeline_mode<synchronous>, transform_indices = @transform_10, window_bounds = array<i64: 256, 64>}, {pipeline_mode = #tpu.pipeline_mode<synchronous>, transform_indices = @transform_11, window_bounds = array<i64: 1, 64>}, {pipeline_mode = #tpu.pipeline_mode<synchronous>, transform_indices = @transform_12, window_bounds = array<i64: 256, 64>}, {pipeline_mode = #tpu.pipeline_mode<synchronous>, transform_indices = @transform_13, window_bounds = array<i64: 1, 64>}, {pipeline_mode = #tpu.pipeline_mode<synchronous>, transform_indices = @transform_14, window_bounds = array<i64: 64, 256>}, {pipeline_mode = #tpu.pipeline_mode<synchronous>, transform_indices = @transform_15, window_bounds = array<i64: 1, 256>}, {pipeline_mode = #tpu.pipeline_mode<synchronous>, transform_indices = @transform_16, window_bounds = array<i64: 64, 128>}, {pipeline_mode = #tpu.pipeline_mode<synchronous>, transform_indices = @transform_17, window_bounds = array<i64: 1, 128>}, {pipeline_mode = #tpu.pipeline_mode<synchronous>, transform_indices = @transform_18, window_bounds = array<i64: 128, 2>}, {pipeline_mode = #tpu.pipeline_mode<synchronous>, transform_indices = @transform_19, window_bounds = array<i64: 1, 2>}, {pipeline_mode = #tpu.pipeline_mode<synchronous>, transform_indices = @transform_20, window_bounds = array<i64: 64, 128>}, {pipeline_mode = #tpu.pipeline_mode<synchronous>, transform_indices = @transform_21, window_bounds = array<i64: 1, 128>}, {pipeline_mode = #tpu.pipeline_mode<synchronous>, transform_indices = @transform_22, window_bounds = array<i64: 128, 9>}, {pipeline_mode = #tpu.pipeline_mode<synchronous>, transform_indices = @transform_23, window_bounds = array<i64: 1, 9>}, {pipeline_mode = #tpu.pipeline_mode<synchronous>, transform_indices = @transform_24, window_bounds = array<i64: 256, 128>}, {pipeline_mode = #tpu.pipeline_mode<synchronous>, transform_indices = @transform_25, window_bounds = array<i64: 256, 128>}, {pipeline_mode = #tpu.pipeline_mode<synchronous>, transform_indices = @transform_26, window_bounds = array<i64: 1, 128>}, {pipeline_mode = #tpu.pipeline_mode<synchronous>, transform_indices = @transform_27, window_bounds = array<i64: 128, 8>}, {pipeline_mode = #tpu.pipeline_mode<synchronous>, transform_indices = @transform_28, window_bounds = array<i64: 8, 1>}, {transform_indices = @transform_29, window_bounds = array<i64: 1000, 256>}, {pipeline_mode = #tpu.pipeline_mode<synchronous>, transform_indices = @transform_30, window_bounds = array<i64: 64, 64>}, {pipeline_mode = #tpu.pipeline_mode<synchronous>, transform_indices = @transform_31, window_bounds = array<i64: 64, 64>}, {pipeline_mode = #tpu.pipeline_mode<synchronous>, transform_indices = @transform_32, window_bounds = array<i64: 64, 64>}, {pipeline_mode = #tpu.pipeline_mode<synchronous>, transform_indices = @transform_33, window_bounds = array<i64: 64, 2>}, {pipeline_mode = #tpu.pipeline_mode<synchronous>, transform_indices = @transform_34, window_bounds = array<i64: 64, 9>}, {pipeline_mode = #tpu.pipeline_mode<synchronous>, transform_indices = @transform_35, window_bounds = array<i64: 64, 256>}, {pipeline_mode = #tpu.pipeline_mode<synchronous>, transform_indices = @transform_36, window_bounds = array<i64: 8, 4096>}]} {
    %get3A = arith.constant 0 : index
    %get3A_0 = arith.constant 0 : index
    %get3A_1 = arith.constant 0 : index
    %get3A_2 = arith.constant 0 : index
    %get3A_3 = vector.load %arg1[%get3A, %get3A_0, %get3A_1, %get3A_2] : memref<2x2x1000x128xf32, #tpu.memory_space<vmem>>, vector<1x1x1000x128xf32>
    %get3A_4 = vector.shape_cast %get3A_3 : vector<1x1x1000x128xf32> to vector<1000x128xf32>
    %get3A_5 = arith.constant 0 : index
    %get3A_6 = arith.constant 1 : index
    %get3A_7 = arith.constant 0 : index
    %get3A_8 = arith.constant 0 : index
    %get3A_9 = vector.load %arg1[%get3A_5, %get3A_6, %get3A_7, %get3A_8] : memref<2x2x1000x128xf32, #tpu.memory_space<vmem>>, vector<1x1x1000x128xf32>
    %get3A_10 = vector.shape_cast %get3A_9 : vector<1x1x1000x128xf32> to vector<1000x128xf32>
    %add3A = arith.addf %get3A_4, %get3A_10 : vector<1000x128xf32>
    %get3A_11 = arith.constant 1 : index
    %get3A_12 = arith.constant 0 : index
    %get3A_13 = arith.constant 0 : index
    %get3A_14 = arith.constant 0 : index
    %get3A_15 = vector.load %arg1[%get3A_11, %get3A_12, %get3A_13, %get3A_14] : memref<2x2x1000x128xf32, #tpu.memory_space<vmem>>, vector<1x1x1000x128xf32>
    %get3A_16 = vector.shape_cast %get3A_15 : vector<1x1x1000x128xf32> to vector<1000x128xf32>
    %get3A_17 = arith.constant 1 : index
    %get3A_18 = arith.constant 1 : index
    %get3A_19 = arith.constant 0 : index
    %get3A_20 = arith.constant 0 : index
    %get3A_21 = vector.load %arg1[%get3A_17, %get3A_18, %get3A_19, %get3A_20] : memref<2x2x1000x128xf32, #tpu.memory_space<vmem>>, vector<1x1x1000x128xf32>
    %get3A_22 = vector.shape_cast %get3A_21 : vector<1x1x1000x128xf32> to vector<1000x128xf32>
    %add3A_23 = arith.addf %get3A_16, %get3A_22 : vector<1000x128xf32>
    %concatenate3A = tpu.concatenate %add3A, %add3A_23 in 1 : vector<1000x128xf32>, vector<1000x128xf32> -> vector<1000x256xf32>
    %get3A_24 = arith.constant 0 : index
    %get3A_25 = arith.constant 0 : index
    %get3A_26 = vector.load %arg2[%get3A_24, %get3A_25] : memref<1000x256xf32, #tpu.memory_space<vmem>>, vector<1000x256xf32>
    %add3A_27 = arith.addf %concatenate3A, %get3A_26 : vector<1000x256xf32>
    %gt3A = arith.constant 0.000000e+00 : f32
    %gt3A_28 = vector.broadcast %gt3A : f32 to vector<1000x256xf32>
    %gt3A_29 = arith.cmpf ogt, %add3A_27, %gt3A_28 : vector<1000x256xf32>
    %mul3A = arith.constant 1.000000e-01 : f32
    %mul3A_30 = vector.broadcast %mul3A : f32 to vector<1000x256xf32>
    %mul3A_31 = arith.mulf %mul3A_30, %add3A_27 : vector<1000x256xf32>
    %select_n3A = arith.select %gt3A_29, %add3A_27, %mul3A_31 : vector<1000x256xi1>, vector<1000x256xf32>
    %get3A_32 = arith.constant 0 : index
    %get3A_33 = arith.constant 0 : index
    %get3A_34 = vector.load %arg4[%get3A_32, %get3A_33] : memref<1x256xf32, #tpu.memory_space<vmem>>, vector<1x256xf32>
    %get3A_35 = arith.constant 0 : index
    %get3A_36 = arith.constant 0 : index
    %get3A_37 = vector.load %arg5[%get3A_35, %get3A_36] : memref<1x256xf32, #tpu.memory_space<vmem>>, vector<1x256xf32>
    %reduce_sum3A = arith.constant dense<0.000000e+00> : vector<1000xf32>
    %reduce_sum3A_38 = vector.multi_reduction <add>, %select_n3A, %reduce_sum3A [1] : vector<1000x256xf32> to vector<1000xf32>
    %broadcast_in_dim3A = vector.shape_cast %reduce_sum3A_38 : vector<1000xf32> to vector<1000x1xf32>
    %div3A = arith.constant 2.560000e+02 : f32
    %div3A_39 = vector.broadcast %div3A : f32 to vector<1000x1xf32>
    %div3A_40 = arith.divf %broadcast_in_dim3A, %div3A_39 : vector<1000x1xf32>
    %jit3A = arith.constant 0 : i32
    %reduce_sum3A_41 = arith.constant dense<0.000000e+00> : vector<1000xf32>
    %reduce_sum3A_42 = vector.multi_reduction <add>, %select_n3A, %reduce_sum3A_41 [1] : vector<1000x256xf32> to vector<1000xf32>
    %broadcast_in_dim3A_43 = vector.shape_cast %reduce_sum3A_42 : vector<1000xf32> to vector<1000x1xf32>
    %div3A_44 = arith.constant 2.560000e+02 : f32
    %div3A_45 = vector.broadcast %div3A_44 : f32 to vector<1000x1xf32>
    %div3A_46 = arith.divf %broadcast_in_dim3A_43, %div3A_45 : vector<1000x1xf32>
    %sub3A = vector.broadcast %div3A_46 : vector<1000x1xf32> to vector<1000x256xf32>
    %sub3A_47 = arith.subf %select_n3A, %sub3A : vector<1000x256xf32>
    %square3A = arith.mulf %sub3A_47, %sub3A_47 : vector<1000x256xf32>
    %convert_element_type3A = arith.sitofp %jit3A : i32 to f32
    %sub3A_48 = arith.constant 2.560000e+02 : f32
    %sub3A_49 = arith.subf %sub3A_48, %convert_element_type3A : f32
    %reduce_sum3A_50 = arith.constant dense<0.000000e+00> : vector<1000xf32>
    %reduce_sum3A_51 = vector.multi_reduction <add>, %square3A, %reduce_sum3A_50 [1] : vector<1000x256xf32> to vector<1000xf32>
    %broadcast_in_dim3A_52 = vector.shape_cast %reduce_sum3A_51 : vector<1000xf32> to vector<1000x1xf32>
    %div3A_53 = vector.broadcast %sub3A_49 : f32 to vector<1000x1xf32>
    %div3A_54 = arith.divf %broadcast_in_dim3A_52, %div3A_53 : vector<1000x1xf32>
    %gt3A_55 = arith.constant 0.000000e+00 : f32
    %gt3A_56 = arith.cmpf ogt, %sub3A_49, %gt3A_55 : f32
    %jit3A_57 = arith.constant 0x7FC00000 : f32
    %broadcast_in_dim3A_58 = vector.broadcast %jit3A_57 : f32 to vector<1000x1xf32>
    %select_n3A_59 = arith.select %gt3A_56, %div3A_54, %broadcast_in_dim3A_58 : vector<1000x1xf32>
    %sub3A_60 = vector.broadcast %div3A_40 : vector<1000x1xf32> to vector<1000x256xf32>
    %sub3A_61 = arith.subf %select_n3A, %sub3A_60 : vector<1000x256xf32>
    %add3A_62 = arith.constant 9.99999974E-6 : f32
    %add3A_63 = vector.broadcast %add3A_62 : f32 to vector<1000x1xf32>
    %add3A_64 = arith.addf %select_n3A_59, %add3A_63 : vector<1000x1xf32>
    %sqrt3A = math.sqrt %add3A_64 : vector<1000x1xf32>
    %div3A_65 = vector.broadcast %sqrt3A : vector<1000x1xf32> to vector<1000x256xf32>
    %div3A_66 = arith.divf %sub3A_61, %div3A_65 : vector<1000x256xf32>
    %mul3A_67 = vector.broadcast %get3A_34 : vector<1x256xf32> to vector<1000x256xf32>
    %mul3A_68 = arith.mulf %div3A_66, %mul3A_67 : vector<1000x256xf32>
    %add3A_69 = vector.broadcast %get3A_37 : vector<1x256xf32> to vector<1000x256xf32>
    %add3A_70 = arith.addf %mul3A_68, %add3A_69 : vector<1000x256xf32>
    %swap3A = arith.constant 0 : index
    %swap3A_71 = arith.constant 0 : index
    %swap3A_72 = vector.load %arg30[%swap3A, %swap3A_71] : memref<1000x256xf32, #tpu.memory_space<vmem>>, vector<1000x256xf32>
    tpu.vector_store %arg30[%swap3A, %swap3A_71], %add3A_70 {strides = array<i32>} : memref<1000x256xf32, #tpu.memory_space<vmem>>, vector<1000x256xf32>,
    %get3A_73 = arith.constant 0 : index
    %get3A_74 = arith.constant 0 : index
    %get3A_75 = vector.load %arg6[%get3A_73, %get3A_74] : memref<256x128xf32, #tpu.memory_space<vmem>>, vector<256x128xf32>
    %dot_general3A = arith.constant dense<0.000000e+00> : vector<1000x128xf32>
    %dot_general3A_76 = tpu.matmul %add3A_70, %get3A_75, %dot_general3A {dimension_numbers = #tpu.dot_dimension_numbers<[1], [0], [0], [1], [0, 0, 1, 1], [], []>, transpose_lhs_hint = false} : vector<1000x256xf32>, vector<256x128xf32>, vector<1000x128xf32> -> vector<1000x128xf32>
    %get3A_77 = arith.constant 0 : index
    %get3A_78 = arith.constant 0 : index
    %get3A_79 = vector.load %arg7[%get3A_77, %get3A_78] : memref<1x128xf32, #tpu.memory_space<vmem>>, vector<1x128xf32>
    %add3A_80 = vector.broadcast %get3A_79 : vector<1x128xf32> to vector<1000x128xf32>
    %add3A_81 = arith.addf %dot_general3A_76, %add3A_80 : vector<1000x128xf32>
    %max3A = arith.constant 0.000000e+00 : f32
    %max3A_82 = vector.broadcast %max3A : f32 to vector<1000x128xf32>
    %max3A_83 = arith.maximumf %add3A_81, %max3A_82 : vector<1000x128xf32>
    %get3A_84 = arith.constant 0 : index
    %get3A_85 = arith.constant 0 : index
    %get3A_86 = vector.load %arg8[%get3A_84, %get3A_85] : memref<128x1xf32, #tpu.memory_space<vmem>>, vector<128x1xf32>
    %dot_general3A_87 = arith.constant dense<0.000000e+00> : vector<1000x1xf32>
    %dot_general3A_88 = tpu.matmul %max3A_83, %get3A_86, %dot_general3A_87 {dimension_numbers = #tpu.dot_dimension_numbers<[1], [0], [0], [1], [0, 0, 1, 1], [], []>, transpose_lhs_hint = false} : vector<1000x128xf32>, vector<128x1xf32>, vector<1000x1xf32> -> vector<1000x1xf32>
    %get3A_89 = arith.constant 0 : index
    %get3A_90 = arith.constant 0 : index
    %get3A_91 = vector.load %arg9[%get3A_89, %get3A_90] : memref<1x1xf32, #tpu.memory_space<vmem>>, vector<1x1xf32>
    %add3A_92 = vector.broadcast %get3A_91 : vector<1x1xf32> to vector<1000x1xf32>
    %add3A_93 = arith.addf %dot_general3A_88, %add3A_92 : vector<1000x1xf32>
    %iota3A = tpu.iota {dimensions = array<i32: 1>} : vector<1000x64xi32>
    %get3A_94 = arith.constant 0 : index
    %get3A_95 = arith.constant 0 : index
    %get3A_96 = vector.load %arg3[%get3A_94, %get3A_95] : memref<1000x1xi32, #tpu.memory_space<vmem>>, vector<1000x1xi32>
    %eq3A = vector.broadcast %get3A_96 : vector<1000x1xi32> to vector<1000x64xi32>
    %eq3A_97 = arith.cmpi eq, %iota3A, %eq3A : vector<1000x64xi32>
    %convert_element_type3A_98 = arith.extui %eq3A_97 : vector<1000x64xi1> to vector<1000x64xi32>
    %convert_element_type3A_99 = arith.sitofp %convert_element_type3A_98 : vector<1000x64xi32> to vector<1000x64xf32>
    %jit3A_100 = arith.constant 0xFF800000 : f32
    %broadcast_in_dim3A_101 = vector.shape_cast %add3A_93 : vector<1000x1xf32> to vector<1000x1xf32>
    %broadcast_in_dim3A_102 = vector.broadcast %broadcast_in_dim3A_101 : vector<1000x1xf32> to vector<1000x64xf32>
    %broadcast_in_dim3A_103 = vector.broadcast %jit3A_100 : f32 to vector<1000x64xf32>
    %select_n3A_104 = arith.select %eq3A_97, %broadcast_in_dim3A_102, %broadcast_in_dim3A_103 : vector<1000x64xi1>, vector<1000x64xf32>
    %reduce_max3A = arith.constant dense<0xFF800000> : vector<64xf32>
    %reduce_max3A_105 = vector.multi_reduction <maximumf>, %select_n3A_104, %reduce_max3A [0] : vector<1000x64xf32> to vector<64xf32>
    %broadcast_in_dim3A_106 = vector.shape_cast %reduce_max3A_105 : vector<64xf32> to vector<1x64xf32>
    %eq3A_107 = arith.constant 0 : i32
    %eq3A_108 = arith.cmpi eq, %arg0, %eq3A_107 : i32
    %convert_element_type3A_109 = arith.extui %eq3A_108 : i1 to i32
    %cond3A = arith.constant 0 : i32
    %cond3A_110 = arith.cmpi ne, %convert_element_type3A_109, %cond3A : i32
    scf.if %cond3A_110 {
      %broadcast_in_dim3A_175 = arith.constant 0xFF800000 : f32
      %broadcast_in_dim3A_176 = vector.broadcast %broadcast_in_dim3A_175 : f32 to vector<1x64xf32>
      %swap3A_177 = arith.constant 0 : index
      %swap3A_178 = arith.constant 0 : index
      %swap3A_179 = vector.load %arg38[%swap3A_177, %swap3A_178] : memref<1x64xf32, #tpu.memory_space<vmem>>, vector<1x64xf32>
      tpu.vector_store %arg38[%swap3A_177, %swap3A_178], %broadcast_in_dim3A_176 {strides = array<i32>} : memref<1x64xf32, #tpu.memory_space<vmem>>, vector<1x64xf32>,
      %broadcast_in_dim3A_180 = arith.constant 0.000000e+00 : f32
      %broadcast_in_dim3A_181 = vector.broadcast %broadcast_in_dim3A_180 : f32 to vector<64x1xf32>
      %swap3A_182 = arith.constant 0 : index
      %swap3A_183 = arith.constant 0 : index
      %swap3A_184 = vector.load %arg39[%swap3A_182, %swap3A_183] : memref<64x1xf32, #tpu.memory_space<vmem>>, vector<64x1xf32>
      tpu.vector_store %arg39[%swap3A_182, %swap3A_183], %broadcast_in_dim3A_181 {strides = array<i32>} : memref<64x1xf32, #tpu.memory_space<vmem>>, vector<64x1xf32>,
      %broadcast_in_dim3A_185 = arith.constant 0.000000e+00 : f32
      %broadcast_in_dim3A_186 = vector.broadcast %broadcast_in_dim3A_185 : f32 to vector<64x256xf32>
      %swap3A_187 = arith.constant 0 : index
      %swap3A_188 = arith.constant 0 : index
      %swap3A_189 = vector.load %arg40[%swap3A_187, %swap3A_188] : memref<64x256xf32, #tpu.memory_space<vmem>>, vector<64x256xf32>
      tpu.vector_store %arg40[%swap3A_187, %swap3A_188], %broadcast_in_dim3A_186 {strides = array<i32>} : memref<64x256xf32, #tpu.memory_space<vmem>>, vector<64x256xf32>,
    } else {
    }
    %get3A_111 = arith.constant 0 : index
    %get3A_112 = arith.constant 0 : index
    %get3A_113 = vector.load %arg38[%get3A_111, %get3A_112] : memref<1x64xf32, #tpu.memory_space<vmem>>, vector<1x64xf32>
    %max3A_114 = arith.maximumf %get3A_113, %broadcast_in_dim3A_106 : vector<1x64xf32>
    %swap3A_115 = arith.constant 0 : index
    %swap3A_116 = arith.constant 0 : index
    %swap3A_117 = vector.load %arg38[%swap3A_115, %swap3A_116] : memref<1x64xf32, #tpu.memory_space<vmem>>, vector<1x64xf32>
    tpu.vector_store %arg38[%swap3A_115, %swap3A_116], %max3A_114 {strides = array<i32>} : memref<1x64xf32, #tpu.memory_space<vmem>>, vector<1x64xf32>,
    %is_finite3A = tpu.weird %get3A_113 : vector<1x64xf32> -> vector<1x64xi1>
    %is_finite3A_118 = arith.constant dense<true> : vector<1x64xi1>
    %is_finite3A_119 = arith.xori %is_finite3A, %is_finite3A_118 : vector<1x64xi1>
    %sub3A_120 = arith.subf %get3A_113, %max3A_114 : vector<1x64xf32>
    %exp3A = math.exp %sub3A_120 : vector<1x64xf32>
    %jit3A_121 = arith.constant 0.000000e+00 : f32
    %broadcast_in_dim3A_122 = vector.broadcast %jit3A_121 : f32 to vector<1x64xf32>
    %select_n3A_123 = arith.select %is_finite3A_119, %exp3A, %broadcast_in_dim3A_122 : vector<1x64xi1>, vector<1x64xf32>
    %iota3A_124 = tpu.iota {dimensions = array<i32: 0>} : vector<64x64xi32>
    %iota3A_125 = tpu.iota {dimensions = array<i32: 1>} : vector<64x64xi32>
    %eq3A_126 = arith.cmpi eq, %iota3A_124, %iota3A_125 : vector<64x64xi32>
    %broadcast_in_dim3A_127 = vector.shape_cast %select_n3A_123 : vector<1x64xf32> to vector<1x64xf32>
    %broadcast_in_dim3A_128 = vector.broadcast %broadcast_in_dim3A_127 : vector<1x64xf32> to vector<64x64xf32>
    %jit3A_129 = arith.constant 0xFF800000 : f32
    %broadcast_in_dim3A_130 = vector.broadcast %jit3A_129 : f32 to vector<64x64xf32>
    %select_n3A_131 = arith.select %eq3A_126, %broadcast_in_dim3A_128, %broadcast_in_dim3A_130 : vector<64x64xi1>, vector<64x64xf32>
    %reduce_max3A_132 = arith.constant dense<0xFF800000> : vector<64xf32>
    %reduce_max3A_133 = vector.multi_reduction <maximumf>, %select_n3A_131, %reduce_max3A_132 [1] : vector<64x64xf32> to vector<64xf32>
    %broadcast_in_dim3A_134 = vector.shape_cast %reduce_max3A_133 : vector<64xf32> to vector<64x1xf32>
    %broadcast_in_dim3A_135 = vector.shape_cast %max3A_114 : vector<1x64xf32> to vector<1x64xf32>
    %broadcast_in_dim3A_136 = vector.broadcast %broadcast_in_dim3A_135 : vector<1x64xf32> to vector<1000x64xf32>
    %jit3A_137 = arith.constant 0.000000e+00 : f32
    %broadcast_in_dim3A_138 = vector.broadcast %jit3A_137 : f32 to vector<1000x64xf32>
    %select_n3A_139 = arith.select %eq3A_97, %broadcast_in_dim3A_136, %broadcast_in_dim3A_138 : vector<1000x64xi1>, vector<1000x64xf32>
    %reduce_sum3A_140 = arith.constant dense<0.000000e+00> : vector<1000xf32>
    %reduce_sum3A_141 = vector.multi_reduction <add>, %select_n3A_139, %reduce_sum3A_140 [1] : vector<1000x64xf32> to vector<1000xf32>
    %broadcast_in_dim3A_142 = vector.shape_cast %reduce_sum3A_141 : vector<1000xf32> to vector<1000x1xf32>
    %sub3A_143 = arith.subf %add3A_93, %broadcast_in_dim3A_142 : vector<1000x1xf32>
    %exp3A_144 = math.exp %sub3A_143 : vector<1000x1xf32>
    %mul3A_145 = vector.broadcast %exp3A_144 : vector<1000x1xf32> to vector<1000x64xf32>
    %mul3A_146 = arith.mulf %convert_element_type3A_99, %mul3A_145 : vector<1000x64xf32>
    %broadcast_in_dim3A_147 = arith.constant 1.000000e+00 : f32
    %broadcast_in_dim3A_148 = vector.broadcast %broadcast_in_dim3A_147 : f32 to vector<1000x1xf32>
    %dot_general3A_149 = arith.constant dense<0.000000e+00> : vector<64x1xf32>
    %dot_general3A_150 = tpu.matmul %mul3A_146, %broadcast_in_dim3A_148, %dot_general3A_149 {dimension_numbers = #tpu.dot_dimension_numbers<[0], [0], [1], [1], [0, 1, 1, 1], [], []>, transpose_lhs_hint = false} : vector<1000x64xf32>, vector<1000x1xf32>, vector<64x1xf32> -> vector<64x1xf32>
    %dot_general3A_151 = arith.constant dense<0.000000e+00> : vector<64x256xf32>
    %dot_general3A_152 = tpu.matmul %mul3A_146, %add3A_70, %dot_general3A_151 {dimension_numbers = #tpu.dot_dimension_numbers<[0], [0], [1], [1], [0, 1, 1, 1], [], []>, transpose_lhs_hint = false} : vector<1000x64xf32>, vector<1000x256xf32>, vector<64x256xf32> -> vector<64x256xf32>
    %get3A_153 = arith.constant 0 : index
    %get3A_154 = arith.constant 0 : index
    %get3A_155 = vector.load %arg39[%get3A_153, %get3A_154] : memref<64x1xf32, #tpu.memory_space<vmem>>, vector<64x1xf32>
    %mul3A_156 = arith.mulf %get3A_155, %broadcast_in_dim3A_134 : vector<64x1xf32>
    %add3A_157 = arith.addf %mul3A_156, %dot_general3A_150 : vector<64x1xf32>
    %get3A_158 = arith.constant 0 : index
    %get3A_159 = arith.constant 0 : index
    %get3A_160 = vector.load %arg40[%get3A_158, %get3A_159] : memref<64x256xf32, #tpu.memory_space<vmem>>, vector<64x256xf32>
    %mul3A_161 = vector.broadcast %broadcast_in_dim3A_134 : vector<64x1xf32> to vector<64x256xf32>
    %mul3A_162 = arith.mulf %get3A_160, %mul3A_161 : vector<64x256xf32>
    %add3A_163 = arith.addf %mul3A_162, %dot_general3A_152 : vector<64x256xf32>
    %swap3A_164 = arith.constant 0 : index
    %swap3A_165 = arith.constant 0 : index
    %swap3A_166 = vector.load %arg39[%swap3A_164, %swap3A_165] : memref<64x1xf32, #tpu.memory_space<vmem>>, vector<64x1xf32>
    tpu.vector_store %arg39[%swap3A_164, %swap3A_165], %add3A_157 {strides = array<i32>} : memref<64x1xf32, #tpu.memory_space<vmem>>, vector<64x1xf32>,
    %swap3A_167 = arith.constant 0 : index
    %swap3A_168 = arith.constant 0 : index
    %swap3A_169 = vector.load %arg40[%swap3A_167, %swap3A_168] : memref<64x256xf32, #tpu.memory_space<vmem>>, vector<64x256xf32>
    tpu.vector_store %arg40[%swap3A_167, %swap3A_168], %add3A_163 {strides = array<i32>} : memref<64x256xf32, #tpu.memory_space<vmem>>, vector<64x256xf32>,
    %eq3A_170 = arith.constant 9 : i32
    %eq3A_171 = arith.cmpi eq, %arg0, %eq3A_170 : i32
    %convert_element_type3A_172 = arith.extui %eq3A_171 : i1 to i32
    %cond3A_173 = arith.constant 0 : i32
    %cond3A_174 = arith.cmpi ne, %convert_element_type3A_172, %cond3A_173 : i32
    scf.if %cond3A_174 {
      %add3A_175 = arith.constant 9.99999996E-13 : f32
      %add3A_176 = vector.broadcast %add3A_175 : f32 to vector<64x1xf32>
      %add3A_177 = arith.addf %add3A_157, %add3A_176 : vector<64x1xf32>
      %div3A_178 = vector.broadcast %add3A_177 : vector<64x1xf32> to vector<64x256xf32>
      %div3A_179 = arith.divf %add3A_163, %div3A_178 : vector<64x256xf32>
      %get3A_180 = arith.constant 0 : index
      %get3A_181 = arith.constant 0 : index
      %get3A_182 = vector.load %arg11[%get3A_180, %get3A_181] : memref<256x64xf32, #tpu.memory_space<vmem>>, vector<256x64xf32>
      %dot_general3A_183 = arith.constant dense<0.000000e+00> : vector<64x64xf32>
      %dot_general3A_184 = tpu.matmul %div3A_179, %get3A_182, %dot_general3A_183 {dimension_numbers = #tpu.dot_dimension_numbers<[1], [0], [0], [1], [0, 0, 1, 1], [], []>, transpose_lhs_hint = false} : vector<64x256xf32>, vector<256x64xf32>, vector<64x64xf32> -> vector<64x64xf32>
      %get3A_185 = arith.constant 0 : index
      %get3A_186 = arith.constant 0 : index
      %get3A_187 = vector.load %arg12[%get3A_185, %get3A_186] : memref<1x64xf32, #tpu.memory_space<vmem>>, vector<1x64xf32>
      %add3A_188 = vector.broadcast %get3A_187 : vector<1x64xf32> to vector<64x64xf32>
      %add3A_189 = arith.addf %dot_general3A_184, %add3A_188 : vector<64x64xf32>
      %jit3A_190 = arith.constant -5.000000e+00 : f32
      %jit3A_191 = arith.constant 5.000000e+00 : f32
      %max3A_192 = vector.broadcast %jit3A_190 : f32 to vector<64x64xf32>
      %max3A_193 = arith.maximumf %max3A_192, %add3A_189 : vector<64x64xf32>
      %min3A = vector.broadcast %jit3A_191 : f32 to vector<64x64xf32>
      %min3A_194 = arith.minimumf %min3A, %max3A_193 : vector<64x64xf32>
      %get3A_195 = arith.constant 0 : index
      %get3A_196 = arith.constant 0 : index
      %get3A_197 = vector.load %arg13[%get3A_195, %get3A_196] : memref<256x64xf32, #tpu.memory_space<vmem>>, vector<256x64xf32>
      %dot_general3A_198 = arith.constant dense<0.000000e+00> : vector<64x64xf32>
      %dot_general3A_199 = tpu.matmul %div3A_179, %get3A_197, %dot_general3A_198 {dimension_numbers = #tpu.dot_dimension_numbers<[1], [0], [0], [1], [0, 0, 1, 1], [], []>, transpose_lhs_hint = false} : vector<64x256xf32>, vector<256x64xf32>, vector<64x64xf32> -> vector<64x64xf32>
      %get3A_200 = arith.constant 0 : index
      %get3A_201 = arith.constant 0 : index
      %get3A_202 = vector.load %arg14[%get3A_200, %get3A_201] : memref<1x64xf32, #tpu.memory_space<vmem>>, vector<1x64xf32>
      %add3A_203 = vector.broadcast %get3A_202 : vector<1x64xf32> to vector<64x64xf32>
      %add3A_204 = arith.addf %dot_general3A_199, %add3A_203 : vector<64x64xf32>
      %jit3A_205 = arith.constant -1.000000e+01 : f32
      %jit3A_206 = arith.constant 1.000000e+01 : f32
      %max3A_207 = vector.broadcast %jit3A_205 : f32 to vector<64x64xf32>
      %max3A_208 = arith.maximumf %max3A_207, %add3A_204 : vector<64x64xf32>
      %min3A_209 = vector.broadcast %jit3A_206 : f32 to vector<64x64xf32>
      %min3A_210 = arith.minimumf %min3A_209, %max3A_208 : vector<64x64xf32>
      %mul3A_211 = arith.constant 5.000000e-01 : f32
      %mul3A_212 = vector.broadcast %mul3A_211 : f32 to vector<64x64xf32>
      %mul3A_213 = arith.mulf %mul3A_212, %min3A_210 : vector<64x64xf32>
      %exp3A_214 = math.exp %mul3A_213 : vector<64x64xf32>
      %jit3A_215 = arith.constant 9.99999997E-7 : f32
      %jit3A_216 = arith.constant 1.000000e+06 : f32
      %max3A_217 = vector.broadcast %jit3A_215 : f32 to vector<64x64xf32>
      %max3A_218 = arith.maximumf %max3A_217, %exp3A_214 : vector<64x64xf32>
      %min3A_219 = vector.broadcast %jit3A_216 : f32 to vector<64x64xf32>
      %min3A_220 = arith.minimumf %min3A_219, %max3A_218 : vector<64x64xf32>
      %get3A_221 = arith.constant 0 : index
      %get3A_222 = arith.constant 0 : index
      %get3A_223 = vector.load %arg10[%get3A_221, %get3A_222] : memref<64x64xf32, #tpu.memory_space<vmem>>, vector<64x64xf32>
      %mul3A_224 = arith.mulf %get3A_223, %min3A_220 : vector<64x64xf32>
      %add3A_225 = arith.addf %min3A_194, %mul3A_224 : vector<64x64xf32>
      %swap3A_226 = arith.constant 0 : index
      %swap3A_227 = arith.constant 0 : index
      %swap3A_228 = vector.load %arg31[%swap3A_226, %swap3A_227] : memref<64x64xf32, #tpu.memory_space<vmem>>, vector<64x64xf32>
      tpu.vector_store %arg31[%swap3A_226, %swap3A_227], %min3A_194 {strides = array<i32>} : memref<64x64xf32, #tpu.memory_space<vmem>>, vector<64x64xf32>,
      %swap3A_229 = arith.constant 0 : index
      %swap3A_230 = arith.constant 0 : index
      %swap3A_231 = vector.load %arg32[%swap3A_229, %swap3A_230] : memref<64x64xf32, #tpu.memory_space<vmem>>, vector<64x64xf32>
      tpu.vector_store %arg32[%swap3A_229, %swap3A_230], %min3A_210 {strides = array<i32>} : memref<64x64xf32, #tpu.memory_space<vmem>>, vector<64x64xf32>,
      %swap3A_232 = arith.constant 0 : index
      %swap3A_233 = arith.constant 0 : index
      %swap3A_234 = vector.load %arg33[%swap3A_232, %swap3A_233] : memref<64x64xf32, #tpu.memory_space<vmem>>, vector<64x64xf32>
      tpu.vector_store %arg33[%swap3A_232, %swap3A_233], %add3A_225 {strides = array<i32>} : memref<64x64xf32, #tpu.memory_space<vmem>>, vector<64x64xf32>,
      %get3A_235 = arith.constant 0 : index
      %get3A_236 = arith.constant 0 : index
      %get3A_237 = vector.load %arg15[%get3A_235, %get3A_236] : memref<64x256xf32, #tpu.memory_space<vmem>>, vector<64x256xf32>
      %dot_general3A_238 = arith.constant dense<0.000000e+00> : vector<64x256xf32>
      %dot_general3A_239 = tpu.matmul %add3A_225, %get3A_237, %dot_general3A_238 {dimension_numbers = #tpu.dot_dimension_numbers<[1], [0], [0], [1], [0, 0, 1, 1], [], []>, transpose_lhs_hint = false} : vector<64x64xf32>, vector<64x256xf32>, vector<64x256xf32> -> vector<64x256xf32>
      %get3A_240 = arith.constant 0 : index
      %get3A_241 = arith.constant 0 : index
      %get3A_242 = vector.load %arg16[%get3A_240, %get3A_241] : memref<1x256xf32, #tpu.memory_space<vmem>>, vector<1x256xf32>
      %add3A_243 = vector.broadcast %get3A_242 : vector<1x256xf32> to vector<64x256xf32>
      %add3A_244 = arith.addf %dot_general3A_239, %add3A_243 : vector<64x256xf32>
      %max3A_245 = arith.constant 0.000000e+00 : f32
      %max3A_246 = vector.broadcast %max3A_245 : f32 to vector<64x256xf32>
      %max3A_247 = arith.maximumf %add3A_244, %max3A_246 : vector<64x256xf32>
      %swap3A_248 = arith.constant 0 : index
      %swap3A_249 = arith.constant 0 : index
      %swap3A_250 = vector.load %arg36[%swap3A_248, %swap3A_249] : memref<64x256xf32, #tpu.memory_space<vmem>>, vector<64x256xf32>
      tpu.vector_store %arg36[%swap3A_248, %swap3A_249], %max3A_247 {strides = array<i32>} : memref<64x256xf32, #tpu.memory_space<vmem>>, vector<64x256xf32>,
      %get3A_251 = arith.constant 0 : index
      %get3A_252 = arith.constant 0 : index
      %get3A_253 = vector.load %arg17[%get3A_251, %get3A_252] : memref<64x128xf32, #tpu.memory_space<vmem>>, vector<64x128xf32>
      %dot_general3A_254 = arith.constant dense<0.000000e+00> : vector<64x128xf32>
      %dot_general3A_255 = tpu.matmul %add3A_225, %get3A_253, %dot_general3A_254 {dimension_numbers = #tpu.dot_dimension_numbers<[1], [0], [0], [1], [0, 0, 1, 1], [], []>, transpose_lhs_hint = false} : vector<64x64xf32>, vector<64x128xf32>, vector<64x128xf32> -> vector<64x128xf32>
      %get3A_256 = arith.constant 0 : index
      %get3A_257 = arith.constant 0 : index
      %get3A_258 = vector.load %arg18[%get3A_256, %get3A_257] : memref<1x128xf32, #tpu.memory_space<vmem>>, vector<1x128xf32>
      %add3A_259 = vector.broadcast %get3A_258 : vector<1x128xf32> to vector<64x128xf32>
      %add3A_260 = arith.addf %dot_general3A_255, %add3A_259 : vector<64x128xf32>
      %max3A_261 = arith.constant 0.000000e+00 : f32
      %max3A_262 = vector.broadcast %max3A_261 : f32 to vector<64x128xf32>
      %max3A_263 = arith.maximumf %add3A_260, %max3A_262 : vector<64x128xf32>
      %get3A_264 = arith.constant 0 : index
      %get3A_265 = arith.constant 0 : index
      %get3A_266 = vector.load %arg19[%get3A_264, %get3A_265] : memref<128x2xf32, #tpu.memory_space<vmem>>, vector<128x2xf32>
      %dot_general3A_267 = arith.constant dense<0.000000e+00> : vector<64x2xf32>
      %dot_general3A_268 = tpu.matmul %max3A_263, %get3A_266, %dot_general3A_267 {dimension_numbers = #tpu.dot_dimension_numbers<[1], [0], [0], [1], [0, 0, 1, 1], [], []>, transpose_lhs_hint = false} : vector<64x128xf32>, vector<128x2xf32>, vector<64x2xf32> -> vector<64x2xf32>
      %get3A_269 = arith.constant 0 : index
      %get3A_270 = arith.constant 0 : index
      %get3A_271 = vector.load %arg20[%get3A_269, %get3A_270] : memref<1x2xf32, #tpu.memory_space<vmem>>, vector<1x2xf32>
      %add3A_272 = vector.broadcast %get3A_271 : vector<1x2xf32> to vector<64x2xf32>
      %add3A_273 = arith.addf %dot_general3A_268, %add3A_272 : vector<64x2xf32>
      %swap3A_274 = arith.constant 0 : index
      %swap3A_275 = arith.constant 0 : index
      %swap3A_276 = vector.load %arg34[%swap3A_274, %swap3A_275] : memref<64x2xf32, #tpu.memory_space<vmem>>, vector<64x2xf32>
      tpu.vector_store %arg34[%swap3A_274, %swap3A_275], %add3A_273 {strides = array<i32>} : memref<64x2xf32, #tpu.memory_space<vmem>>, vector<64x2xf32>,
      %get3A_277 = arith.constant 0 : index
      %get3A_278 = arith.constant 0 : index
      %get3A_279 = vector.load %arg21[%get3A_277, %get3A_278] : memref<64x128xf32, #tpu.memory_space<vmem>>, vector<64x128xf32>
      %dot_general3A_280 = arith.constant dense<0.000000e+00> : vector<64x128xf32>
      %dot_general3A_281 = tpu.matmul %add3A_225, %get3A_279, %dot_general3A_280 {dimension_numbers = #tpu.dot_dimension_numbers<[1], [0], [0], [1], [0, 0, 1, 1], [], []>, transpose_lhs_hint = false} : vector<64x64xf32>, vector<64x128xf32>, vector<64x128xf32> -> vector<64x128xf32>
      %get3A_282 = arith.constant 0 : index
      %get3A_283 = arith.constant 0 : index
      %get3A_284 = vector.load %arg22[%get3A_282, %get3A_283] : memref<1x128xf32, #tpu.memory_space<vmem>>, vector<1x128xf32>
      %add3A_285 = vector.broadcast %get3A_284 : vector<1x128xf32> to vector<64x128xf32>
      %add3A_286 = arith.addf %dot_general3A_281, %add3A_285 : vector<64x128xf32>
      %max3A_287 = arith.constant 0.000000e+00 : f32
      %max3A_288 = vector.broadcast %max3A_287 : f32 to vector<64x128xf32>
      %max3A_289 = arith.maximumf %add3A_286, %max3A_288 : vector<64x128xf32>
      %get3A_290 = arith.constant 0 : index
      %get3A_291 = arith.constant 0 : index
      %get3A_292 = vector.load %arg23[%get3A_290, %get3A_291] : memref<128x9xf32, #tpu.memory_space<vmem>>, vector<128x9xf32>
      %dot_general3A_293 = arith.constant dense<0.000000e+00> : vector<64x9xf32>
      %dot_general3A_294 = tpu.matmul %max3A_289, %get3A_292, %dot_general3A_293 {dimension_numbers = #tpu.dot_dimension_numbers<[1], [0], [0], [1], [0, 0, 1, 1], [], []>, transpose_lhs_hint = false} : vector<64x128xf32>, vector<128x9xf32>, vector<64x9xf32> -> vector<64x9xf32>
      %get3A_295 = arith.constant 0 : index
      %get3A_296 = arith.constant 0 : index
      %get3A_297 = vector.load %arg24[%get3A_295, %get3A_296] : memref<1x9xf32, #tpu.memory_space<vmem>>, vector<1x9xf32>
      %add3A_298 = vector.broadcast %get3A_297 : vector<1x9xf32> to vector<64x9xf32>
      %add3A_299 = arith.addf %dot_general3A_294, %add3A_298 : vector<64x9xf32>
      %swap3A_300 = arith.constant 0 : index
      %swap3A_301 = arith.constant 0 : index
      %swap3A_302 = vector.load %arg35[%swap3A_300, %swap3A_301] : memref<64x9xf32, #tpu.memory_space<vmem>>, vector<64x9xf32>
      tpu.vector_store %arg35[%swap3A_300, %swap3A_301], %add3A_299 {strides = array<i32>} : memref<64x9xf32, #tpu.memory_space<vmem>>, vector<64x9xf32>,
      %broadcast_in_dim3A_303 = vector.shape_cast %max3A_247 : vector<64x256xf32> to vector<64x1x256xf32>
      %broadcast_in_dim3A_304 = vector.shape_cast %broadcast_in_dim3A_303 : vector<64x1x256xf32> to vector<64x1x256xf32>
      %broadcast_in_dim3A_305 = vector.broadcast %broadcast_in_dim3A_304 : vector<64x1x256xf32> to vector<64x64x256xf32>
      %reshape3A = vector.shape_cast %broadcast_in_dim3A_305 : vector<64x64x256xf32> to vector<4096x256xf32>
      %broadcast_in_dim3A_306 = vector.shape_cast %max3A_247 : vector<64x256xf32> to vector<1x64x256xf32>
      %broadcast_in_dim3A_307 = vector.shape_cast %broadcast_in_dim3A_306 : vector<1x64x256xf32> to vector<1x64x256xf32>
      %broadcast_in_dim3A_308 = vector.broadcast %broadcast_in_dim3A_307 : vector<1x64x256xf32> to vector<64x64x256xf32>
      %reshape3A_309 = vector.shape_cast %broadcast_in_dim3A_308 : vector<64x64x256xf32> to vector<4096x256xf32>
      %get3A_310 = arith.constant 0 : index
      %get3A_311 = arith.constant 0 : index
      %get3A_312 = vector.load %arg25[%get3A_310, %get3A_311] : memref<256x128xf32, #tpu.memory_space<vmem>>, vector<256x128xf32>
      %dot_general3A_313 = arith.constant dense<0.000000e+00> : vector<4096x128xf32>
      %dot_general3A_314 = tpu.matmul %reshape3A, %get3A_312, %dot_general3A_313 {dimension_numbers = #tpu.dot_dimension_numbers<[1], [0], [0], [1], [0, 0, 1, 1], [], []>, transpose_lhs_hint = false} : vector<4096x256xf32>, vector<256x128xf32>, vector<4096x128xf32> -> vector<4096x128xf32>
      %get3A_315 = arith.constant 0 : index
      %get3A_316 = arith.constant 0 : index
      %get3A_317 = vector.load %arg26[%get3A_315, %get3A_316] : memref<256x128xf32, #tpu.memory_space<vmem>>, vector<256x128xf32>
      %dot_general3A_318 = arith.constant dense<0.000000e+00> : vector<4096x128xf32>
      %dot_general3A_319 = tpu.matmul %reshape3A_309, %get3A_317, %dot_general3A_318 {dimension_numbers = #tpu.dot_dimension_numbers<[1], [0], [0], [1], [0, 0, 1, 1], [], []>, transpose_lhs_hint = false} : vector<4096x256xf32>, vector<256x128xf32>, vector<4096x128xf32> -> vector<4096x128xf32>
      %add3A_320 = arith.addf %dot_general3A_314, %dot_general3A_319 : vector<4096x128xf32>
      %get3A_321 = arith.constant 0 : index
      %get3A_322 = arith.constant 0 : index
      %get3A_323 = vector.load %arg27[%get3A_321, %get3A_322] : memref<1x128xf32, #tpu.memory_space<vmem>>, vector<1x128xf32>
      %add3A_324 = vector.broadcast %get3A_323 : vector<1x128xf32> to vector<4096x128xf32>
      %add3A_325 = arith.addf %add3A_320, %add3A_324 : vector<4096x128xf32>
      %max3A_326 = arith.constant 0.000000e+00 : f32
      %max3A_327 = vector.broadcast %max3A_326 : f32 to vector<4096x128xf32>
      %max3A_328 = arith.maximumf %add3A_325, %max3A_327 : vector<4096x128xf32>
      %get3A_329 = arith.constant 0 : index
      %get3A_330 = arith.constant 0 : index
      %get3A_331 = vector.load %arg28[%get3A_329, %get3A_330] : memref<128x8xf32, #tpu.memory_space<vmem>>, vector<128x8xf32>
      %dot_general3A_332 = arith.constant dense<0.000000e+00> : vector<8x4096xf32>
      %dot_general3A_333 = tpu.matmul %get3A_331, %max3A_328, %dot_general3A_332 {dimension_numbers = #tpu.dot_dimension_numbers<[0], [1], [1], [0], [0, 1, 1, 0], [], []>, transpose_lhs_hint = false} : vector<128x8xf32>, vector<4096x128xf32>, vector<8x4096xf32> -> vector<8x4096xf32>
      %get3A_334 = arith.constant 0 : index
      %get3A_335 = arith.constant 0 : index
      %get3A_336 = vector.load %arg29[%get3A_334, %get3A_335] : memref<8x1xf32, #tpu.memory_space<vmem>>, vector<8x1xf32>
      %add3A_337 = vector.broadcast %get3A_336 : vector<8x1xf32> to vector<8x4096xf32>
      %add3A_338 = arith.addf %dot_general3A_333, %add3A_337 : vector<8x4096xf32>
      %swap3A_339 = arith.constant 0 : index
      %swap3A_340 = arith.constant 0 : index
      %swap3A_341 = vector.load %arg37[%swap3A_339, %swap3A_340] : memref<8x4096xf32, #tpu.memory_space<vmem>>, vector<8x4096xf32>
      tpu.vector_store %arg37[%swap3A_339, %swap3A_340], %add3A_338 {strides = array<i32>} : memref<8x4096xf32, #tpu.memory_space<vmem>>, vector<8x4096xf32>,
    } else {
    }
    return
  }
  func.func @transform_0(%arg0: i32) -> (i32, i32, i32, i32) {
    %c0_i32 = arith.constant 0 : i32
    %c0_i32_0 = arith.constant 0 : i32
    %c0_i32_1 = arith.constant 0 : i32
    %c0_i32_2 = arith.constant 0 : i32
    return %c0_i32, %c0_i32_0, %arg0, %c0_i32_1 : i32, i32, i32, i32
  }
  func.func @transform_1(%arg0: i32) -> (i32, i32) {
    %c0_i32 = arith.constant 0 : i32
    %c0_i32_0 = arith.constant 0 : i32
    return %arg0, %c0_i32 : i32, i32
  }
  func.func @transform_2(%arg0: i32) -> (i32, i32) {
    %c0_i32 = arith.constant 0 : i32
    %c0_i32_0 = arith.constant 0 : i32
    return %arg0, %c0_i32 : i32, i32
  }
  func.func @transform_3(%arg0: i32) -> (i32, i32) {
    %c0_i32 = arith.constant 0 : i32
    %c0_i32_0 = arith.constant 0 : i32
    %c0_i32_1 = arith.constant 0 : i32
    return %c0_i32, %c0_i32_0 : i32, i32
  }
  func.func @transform_4(%arg0: i32) -> (i32, i32) {
    %c0_i32 = arith.constant 0 : i32
    %c0_i32_0 = arith.constant 0 : i32
    %c0_i32_1 = arith.constant 0 : i32
    return %c0_i32, %c0_i32_0 : i32, i32
  }
  func.func @transform_5(%arg0: i32) -> (i32, i32) {
    %c0_i32 = arith.constant 0 : i32
    %c0_i32_0 = arith.constant 0 : i32
    %c0_i32_1 = arith.constant 0 : i32
    return %c0_i32, %c0_i32_0 : i32, i32
  }
  func.func @transform_6(%arg0: i32) -> (i32, i32) {
    %c0_i32 = arith.constant 0 : i32
    %c0_i32_0 = arith.constant 0 : i32
    %c0_i32_1 = arith.constant 0 : i32
    return %c0_i32, %c0_i32_0 : i32, i32
  }
  func.func @transform_7(%arg0: i32) -> (i32, i32) {
    %c0_i32 = arith.constant 0 : i32
    %c0_i32_0 = arith.constant 0 : i32
    %c0_i32_1 = arith.constant 0 : i32
    return %c0_i32, %c0_i32_0 : i32, i32
  }
  func.func @transform_8(%arg0: i32) -> (i32, i32) {
    %c0_i32 = arith.constant 0 : i32
    %c0_i32_0 = arith.constant 0 : i32
    %c0_i32_1 = arith.constant 0 : i32
    return %c0_i32, %c0_i32_0 : i32, i32
  }
  func.func @transform_9(%arg0: i32) -> (i32, i32) {
    %c0_i32 = arith.constant 0 : i32
    %c0_i32_0 = arith.constant 0 : i32
    %c0_i32_1 = arith.constant 0 : i32
    return %c0_i32, %c0_i32_0 : i32, i32
  }
  func.func @transform_10(%arg0: i32) -> (i32, i32) {
    %c0_i32 = arith.constant 0 : i32
    %c0_i32_0 = arith.constant 0 : i32
    %c0_i32_1 = arith.constant 0 : i32
    return %c0_i32, %c0_i32_0 : i32, i32
  }
  func.func @transform_11(%arg0: i32) -> (i32, i32) {
    %c0_i32 = arith.constant 0 : i32
    %c0_i32_0 = arith.constant 0 : i32
    %c0_i32_1 = arith.constant 0 : i32
    return %c0_i32, %c0_i32_0 : i32, i32
  }
  func.func @transform_12(%arg0: i32) -> (i32, i32) {
    %c0_i32 = arith.constant 0 : i32
    %c0_i32_0 = arith.constant 0 : i32
    %c0_i32_1 = arith.constant 0 : i32
    return %c0_i32, %c0_i32_0 : i32, i32
  }
  func.func @transform_13(%arg0: i32) -> (i32, i32) {
    %c0_i32 = arith.constant 0 : i32
    %c0_i32_0 = arith.constant 0 : i32
    %c0_i32_1 = arith.constant 0 : i32
    return %c0_i32, %c0_i32_0 : i32, i32
  }
  func.func @transform_14(%arg0: i32) -> (i32, i32) {
    %c0_i32 = arith.constant 0 : i32
    %c0_i32_0 = arith.constant 0 : i32
    %c0_i32_1 = arith.constant 0 : i32
    return %c0_i32, %c0_i32_0 : i32, i32
  }
  func.func @transform_15(%arg0: i32) -> (i32, i32) {
    %c0_i32 = arith.constant 0 : i32
    %c0_i32_0 = arith.constant 0 : i32
    %c0_i32_1 = arith.constant 0 : i32
    return %c0_i32, %c0_i32_0 : i32, i32
  }
  func.func @transform_16(%arg0: i32) -> (i32, i32) {
    %c0_i32 = arith.constant 0 : i32
    %c0_i32_0 = arith.constant 0 : i32
    %c0_i32_1 = arith.constant 0 : i32
    return %c0_i32, %c0_i32_0 : i32, i32
  }
  func.func @transform_17(%arg0: i32) -> (i32, i32) {
    %c0_i32 = arith.constant 0 : i32
    %c0_i32_0 = arith.constant 0 : i32
    %c0_i32_1 = arith.constant 0 : i32
    return %c0_i32, %c0_i32_0 : i32, i32
  }
  func.func @transform_18(%arg0: i32) -> (i32, i32) {
    %c0_i32 = arith.constant 0 : i32
    %c0_i32_0 = arith.constant 0 : i32
    %c0_i32_1 = arith.constant 0 : i32
    return %c0_i32, %c0_i32_0 : i32, i32
  }
  func.func @transform_19(%arg0: i32) -> (i32, i32) {
    %c0_i32 = arith.constant 0 : i32
    %c0_i32_0 = arith.constant 0 : i32
    %c0_i32_1 = arith.constant 0 : i32
    return %c0_i32, %c0_i32_0 : i32, i32
  }
  func.func @transform_20(%arg0: i32) -> (i32, i32) {
    %c0_i32 = arith.constant 0 : i32
    %c0_i32_0 = arith.constant 0 : i32
    %c0_i32_1 = arith.constant 0 : i32
    return %c0_i32, %c0_i32_0 : i32, i32
  }
  func.func @transform_21(%arg0: i32) -> (i32, i32) {
    %c0_i32 = arith.constant 0 : i32
    %c0_i32_0 = arith.constant 0 : i32
    %c0_i32_1 = arith.constant 0 : i32
    return %c0_i32, %c0_i32_0 : i32, i32
  }
  func.func @transform_22(%arg0: i32) -> (i32, i32) {
    %c0_i32 = arith.constant 0 : i32
    %c0_i32_0 = arith.constant 0 : i32
    %c0_i32_1 = arith.constant 0 : i32
    return %c0_i32, %c0_i32_0 : i32, i32
  }
  func.func @transform_23(%arg0: i32) -> (i32, i32) {
    %c0_i32 = arith.constant 0 : i32
    %c0_i32_0 = arith.constant 0 : i32
    %c0_i32_1 = arith.constant 0 : i32
    return %c0_i32, %c0_i32_0 : i32, i32
  }
  func.func @transform_24(%arg0: i32) -> (i32, i32) {
    %c0_i32 = arith.constant 0 : i32
    %c0_i32_0 = arith.constant 0 : i32
    %c0_i32_1 = arith.constant 0 : i32
    return %c0_i32, %c0_i32_0 : i32, i32
  }
  func.func @transform_25(%arg0: i32) -> (i32, i32) {
    %c0_i32 = arith.constant 0 : i32
    %c0_i32_0 = arith.constant 0 : i32
    %c0_i32_1 = arith.constant 0 : i32
    return %c0_i32, %c0_i32_0 : i32, i32
  }
  func.func @transform_26(%arg0: i32) -> (i32, i32) {
    %c0_i32 = arith.constant 0 : i32
    %c0_i32_0 = arith.constant 0 : i32
    %c0_i32_1 = arith.constant 0 : i32
    return %c0_i32, %c0_i32_0 : i32, i32
  }
  func.func @transform_27(%arg0: i32) -> (i32, i32) {
    %c0_i32 = arith.constant 0 : i32
    %c0_i32_0 = arith.constant 0 : i32
    %c0_i32_1 = arith.constant 0 : i32
    return %c0_i32, %c0_i32_0 : i32, i32
  }
  func.func @transform_28(%arg0: i32) -> (i32, i32) {
    %c0_i32 = arith.constant 0 : i32
    %c0_i32_0 = arith.constant 0 : i32
    %c0_i32_1 = arith.constant 0 : i32
    return %c0_i32, %c0_i32_0 : i32, i32
  }
  func.func @transform_29(%arg0: i32) -> (i32, i32) {
    %c0_i32 = arith.constant 0 : i32
    %c0_i32_0 = arith.constant 0 : i32
    return %arg0, %c0_i32 : i32, i32
  }
  func.func @transform_30(%arg0: i32) -> (i32, i32) {
    %c0_i32 = arith.constant 0 : i32
    %c0_i32_0 = arith.constant 0 : i32
    %c0_i32_1 = arith.constant 0 : i32
    return %c0_i32, %c0_i32_0 : i32, i32
  }
  func.func @transform_31(%arg0: i32) -> (i32, i32) {
    %c0_i32 = arith.constant 0 : i32
    %c0_i32_0 = arith.constant 0 : i32
    %c0_i32_1 = arith.constant 0 : i32
    return %c0_i32, %c0_i32_0 : i32, i32
  }
  func.func @transform_32(%arg0: i32) -> (i32, i32) {
    %c0_i32 = arith.constant 0 : i32
    %c0_i32_0 = arith.constant 0 : i32
    %c0_i32_1 = arith.constant 0 : i32
    return %c0_i32, %c0_i32_0 : i32, i32
  }
  func.func @transform_33(%arg0: i32) -> (i32, i32) {
    %c0_i32 = arith.constant 0 : i32
    %c0_i32_0 = arith.constant 0 : i32
    %c0_i32_1 = arith.constant 0 : i32
    return %c0_i32, %c0_i32_0 : i32, i32
  }
  func.func @transform_34(%arg0: i32) -> (i32, i32) {
    %c0_i32 = arith.constant 0 : i32
    %c0_i32_0 = arith.constant 0 : i32
    %c0_i32_1 = arith.constant 0 : i32
    return %c0_i32, %c0_i32_0 : i32, i32
  }
  func.func @transform_35(%arg0: i32) -> (i32, i32) {
    %c0_i32 = arith.constant 0 : i32
    %c0_i32_0 = arith.constant 0 : i32
    %c0_i32_1 = arith.constant 0 : i32
    return %c0_i32, %c0_i32_0 : i32, i32
  }
  func.func @transform_36(%arg0: i32) -> (i32, i32) {
    %c0_i32 = arith.constant 0 : i32
    %c0_i32_0 = arith.constant 0 : i32
    %c0_i32_1 = arith.constant 0 : i32
    return %c0_i32, %c0_i32_0 : i32, i32
  }
}

module attributes {stable_mosaic.version = 14 : i64} {
  func.func @_node_body(%arg0: i32, %arg1: memref<1000x256xf32, #tpu.memory_space<vmem>>, %arg2: memref<1000x1xi32, #tpu.memory_space<vmem>>, %arg3: memref<64x256xf32, #tpu.memory_space<vmem>>, %arg4: memref<256x256xf32, #tpu.memory_space<vmem>>, %arg5: memref<1x256xf32, #tpu.memory_space<vmem>>, %arg6: memref<256x128xf32, #tpu.memory_space<vmem>>, %arg7: memref<1x128xf32, #tpu.memory_space<vmem>>, %arg8: memref<128x4xf32, #tpu.memory_space<vmem>>, %arg9: memref<1x4xf32, #tpu.memory_space<vmem>>, %arg10: memref<1000x4xf32, #tpu.memory_space<vmem>>) attributes {dimension_semantics = [#tpu.dimension_semantics<arbitrary>], iteration_bounds = array<i64: 10>, scalar_prefetch = 0 : i64, scratch_operands = 0 : i64, tpu.core_type = #tpu.core_type<tc>, window_params = [{transform_indices = @transform_0, window_bounds = array<i64: 1000, 256>}, {transform_indices = @transform_1, window_bounds = array<i64: 1000, 1>}, {pipeline_mode = #tpu.pipeline_mode<synchronous>, transform_indices = @transform_2, window_bounds = array<i64: 64, 256>}, {pipeline_mode = #tpu.pipeline_mode<synchronous>, transform_indices = @transform_3, window_bounds = array<i64: 256, 256>}, {pipeline_mode = #tpu.pipeline_mode<synchronous>, transform_indices = @transform_4, window_bounds = array<i64: 1, 256>}, {pipeline_mode = #tpu.pipeline_mode<synchronous>, transform_indices = @transform_5, window_bounds = array<i64: 256, 128>}, {pipeline_mode = #tpu.pipeline_mode<synchronous>, transform_indices = @transform_6, window_bounds = array<i64: 1, 128>}, {pipeline_mode = #tpu.pipeline_mode<synchronous>, transform_indices = @transform_7, window_bounds = array<i64: 128, 4>}, {pipeline_mode = #tpu.pipeline_mode<synchronous>, transform_indices = @transform_8, window_bounds = array<i64: 1, 4>}, {transform_indices = @transform_9, window_bounds = array<i64: 1000, 4>}]} {
    %iota3A = tpu.iota {dimensions = array<i32: 1>} : vector<1000x64xi32>
    %get3A = arith.constant 0 : index
    %get3A_0 = arith.constant 0 : index
    %get3A_1 = vector.load %arg2[%get3A, %get3A_0] : memref<1000x1xi32, #tpu.memory_space<vmem>>, vector<1000x1xi32>
    %eq3A = vector.broadcast %get3A_1 : vector<1000x1xi32> to vector<1000x64xi32>
    %eq3A_2 = arith.cmpi eq, %iota3A, %eq3A : vector<1000x64xi32>
    %convert_element_type3A = arith.extui %eq3A_2 : vector<1000x64xi1> to vector<1000x64xi32>
    %convert_element_type3A_3 = arith.sitofp %convert_element_type3A : vector<1000x64xi32> to vector<1000x64xf32>
    %get3A_4 = arith.constant 0 : index
    %get3A_5 = arith.constant 0 : index
    %get3A_6 = vector.load %arg3[%get3A_4, %get3A_5] : memref<64x256xf32, #tpu.memory_space<vmem>>, vector<64x256xf32>
    %dot_general3A = arith.constant dense<0.000000e+00> : vector<1000x256xf32>
    %dot_general3A_7 = tpu.matmul %convert_element_type3A_3, %get3A_6, %dot_general3A {dimension_numbers = #tpu.dot_dimension_numbers<[1], [0], [0], [1], [0, 0, 1, 1], [], []>, transpose_lhs_hint = false} : vector<1000x64xf32>, vector<64x256xf32>, vector<1000x256xf32> -> vector<1000x256xf32>
    %get3A_8 = arith.constant 0 : index
    %get3A_9 = arith.constant 0 : index
    %get3A_10 = vector.load %arg1[%get3A_8, %get3A_9] : memref<1000x256xf32, #tpu.memory_space<vmem>>, vector<1000x256xf32>
    %get3A_11 = arith.constant 0 : index
    %get3A_12 = arith.constant 0 : index
    %get3A_13 = vector.load %arg4[%get3A_11, %get3A_12] : memref<256x256xf32, #tpu.memory_space<vmem>>, vector<256x256xf32>
    %dot_general3A_14 = arith.constant dense<0.000000e+00> : vector<1000x256xf32>
    %dot_general3A_15 = tpu.matmul %get3A_10, %get3A_13, %dot_general3A_14 {dimension_numbers = #tpu.dot_dimension_numbers<[1], [0], [0], [1], [0, 0, 1, 1], [], []>, transpose_lhs_hint = false} : vector<1000x256xf32>, vector<256x256xf32>, vector<1000x256xf32> -> vector<1000x256xf32>
    %get3A_16 = arith.constant 0 : index
    %get3A_17 = arith.constant 0 : index
    %get3A_18 = vector.load %arg5[%get3A_16, %get3A_17] : memref<1x256xf32, #tpu.memory_space<vmem>>, vector<1x256xf32>
    %add3A = vector.broadcast %get3A_18 : vector<1x256xf32> to vector<1000x256xf32>
    %add3A_19 = arith.addf %dot_general3A_15, %add3A : vector<1000x256xf32>
    %max3A = arith.constant 0.000000e+00 : f32
    %max3A_20 = vector.broadcast %max3A : f32 to vector<1000x256xf32>
    %max3A_21 = arith.maximumf %add3A_19, %max3A_20 : vector<1000x256xf32>
    %add3A_22 = arith.addf %dot_general3A_7, %max3A_21 : vector<1000x256xf32>
    %get3A_23 = arith.constant 0 : index
    %get3A_24 = arith.constant 0 : index
    %get3A_25 = vector.load %arg6[%get3A_23, %get3A_24] : memref<256x128xf32, #tpu.memory_space<vmem>>, vector<256x128xf32>
    %dot_general3A_26 = arith.constant dense<0.000000e+00> : vector<1000x128xf32>
    %dot_general3A_27 = tpu.matmul %add3A_22, %get3A_25, %dot_general3A_26 {dimension_numbers = #tpu.dot_dimension_numbers<[1], [0], [0], [1], [0, 0, 1, 1], [], []>, transpose_lhs_hint = false} : vector<1000x256xf32>, vector<256x128xf32>, vector<1000x128xf32> -> vector<1000x128xf32>
    %get3A_28 = arith.constant 0 : index
    %get3A_29 = arith.constant 0 : index
    %get3A_30 = vector.load %arg7[%get3A_28, %get3A_29] : memref<1x128xf32, #tpu.memory_space<vmem>>, vector<1x128xf32>
    %add3A_31 = vector.broadcast %get3A_30 : vector<1x128xf32> to vector<1000x128xf32>
    %add3A_32 = arith.addf %dot_general3A_27, %add3A_31 : vector<1000x128xf32>
    %max3A_33 = arith.constant 0.000000e+00 : f32
    %max3A_34 = vector.broadcast %max3A_33 : f32 to vector<1000x128xf32>
    %max3A_35 = arith.maximumf %add3A_32, %max3A_34 : vector<1000x128xf32>
    %get3A_36 = arith.constant 0 : index
    %get3A_37 = arith.constant 0 : index
    %get3A_38 = vector.load %arg8[%get3A_36, %get3A_37] : memref<128x4xf32, #tpu.memory_space<vmem>>, vector<128x4xf32>
    %dot_general3A_39 = arith.constant dense<0.000000e+00> : vector<1000x4xf32>
    %dot_general3A_40 = tpu.matmul %max3A_35, %get3A_38, %dot_general3A_39 {dimension_numbers = #tpu.dot_dimension_numbers<[1], [0], [0], [1], [0, 0, 1, 1], [], []>, transpose_lhs_hint = false} : vector<1000x128xf32>, vector<128x4xf32>, vector<1000x4xf32> -> vector<1000x4xf32>
    %get3A_41 = arith.constant 0 : index
    %get3A_42 = arith.constant 0 : index
    %get3A_43 = vector.load %arg9[%get3A_41, %get3A_42] : memref<1x4xf32, #tpu.memory_space<vmem>>, vector<1x4xf32>
    %add3A_44 = vector.broadcast %get3A_43 : vector<1x4xf32> to vector<1000x4xf32>
    %add3A_45 = arith.addf %dot_general3A_40, %add3A_44 : vector<1000x4xf32>
    %swap3A = arith.constant 0 : index
    %swap3A_46 = arith.constant 0 : index
    %swap3A_47 = vector.load %arg10[%swap3A, %swap3A_46] : memref<1000x4xf32, #tpu.memory_space<vmem>>, vector<1000x4xf32>
    tpu.vector_store %arg10[%swap3A, %swap3A_46], %add3A_45 {strides = array<i32>} : memref<1000x4xf32, #tpu.memory_space<vmem>>, vector<1000x4xf32>,
    return
  }
  func.func @transform_0(%arg0: i32) -> (i32, i32) {
    %c0_i32 = arith.constant 0 : i32
    %c0_i32_0 = arith.constant 0 : i32
    return %arg0, %c0_i32 : i32, i32
  }
  func.func @transform_1(%arg0: i32) -> (i32, i32) {
    %c0_i32 = arith.constant 0 : i32
    %c0_i32_0 = arith.constant 0 : i32
    return %arg0, %c0_i32 : i32, i32
  }
  func.func @transform_2(%arg0: i32) -> (i32, i32) {
    %c0_i32 = arith.constant 0 : i32
    %c0_i32_0 = arith.constant 0 : i32
    %c0_i32_1 = arith.constant 0 : i32
    return %c0_i32, %c0_i32_0 : i32, i32
  }
  func.func @transform_3(%arg0: i32) -> (i32, i32) {
    %c0_i32 = arith.constant 0 : i32
    %c0_i32_0 = arith.constant 0 : i32
    %c0_i32_1 = arith.constant 0 : i32
    return %c0_i32, %c0_i32_0 : i32, i32
  }
  func.func @transform_4(%arg0: i32) -> (i32, i32) {
    %c0_i32 = arith.constant 0 : i32
    %c0_i32_0 = arith.constant 0 : i32
    %c0_i32_1 = arith.constant 0 : i32
    return %c0_i32, %c0_i32_0 : i32, i32
  }
  func.func @transform_5(%arg0: i32) -> (i32, i32) {
    %c0_i32 = arith.constant 0 : i32
    %c0_i32_0 = arith.constant 0 : i32
    %c0_i32_1 = arith.constant 0 : i32
    return %c0_i32, %c0_i32_0 : i32, i32
  }
  func.func @transform_6(%arg0: i32) -> (i32, i32) {
    %c0_i32 = arith.constant 0 : i32
    %c0_i32_0 = arith.constant 0 : i32
    %c0_i32_1 = arith.constant 0 : i32
    return %c0_i32, %c0_i32_0 : i32, i32
  }
  func.func @transform_7(%arg0: i32) -> (i32, i32) {
    %c0_i32 = arith.constant 0 : i32
    %c0_i32_0 = arith.constant 0 : i32
    %c0_i32_1 = arith.constant 0 : i32
    return %c0_i32, %c0_i32_0 : i32, i32
  }
  func.func @transform_8(%arg0: i32) -> (i32, i32) {
    %c0_i32 = arith.constant 0 : i32
    %c0_i32_0 = arith.constant 0 : i32
    %c0_i32_1 = arith.constant 0 : i32
    return %c0_i32, %c0_i32_0 : i32, i32
  }
  func.func @transform_9(%arg0: i32) -> (i32, i32) {
    %c0_i32 = arith.constant 0 : i32
    %c0_i32_0 = arith.constant 0 : i32
    return %arg0, %c0_i32 : i32, i32
  }
}

</mosaic_0001>

<sc_bundles>
// kernel: kernel.10.cloned.1.call-start
scs
__scs_entry_jumppad:
0x0: {  	(pc) =	sbr.rel $0x88, $3  }
0x1: {  	(tag) =	ssettag $0x0;
	lr =	simm.s32 $0x1  }
0x2: {  	[smem:$0x3F75] =	sst lr;
	_ =	strace $0xD0000000  }
0x3: {  	_ = 	snop  }
0x4: {  	_ = 	snop  }
0x5: {  	_ = 	snop  }
0x6: {  	_ = 	snop  }
0x7: {  	_ = 	snop  }
__scs_overlays_trampoline_lowered:
0x8: {  	[smem:$0x3F84] =	sst s0  }
0x9: {  	[smem:$0x3F85] =	sst s1  }
0xa: {  	[smem:$0x3F86] =	sst s2  }
0xb: {  	[smem:$0x3F87] =	sst s3  }
0xc: {  	[smem:$0x3F88] =	sst s4  }
0xd: {  	[smem:$0x3F89] =	sst s5  }
0xe: {  	[smem:$0x3F8A] =	sst s6  }
0xf: {  	[smem:$0x3F8B] =	sst s7  }
0x10: {  	[smem:$0x3F8C] =	sst s8  }
0x11: {  	[smem:$0x3F8D] =	sst s9;
	s0 =	simm.s32 @!p0 $0x0  }
0x12: {  	s1 =	sld [smem:$0x3F73];
	s0 =	simm.s32 @p0 $0x1  }
0x13: {  	[smem:$0x3F8E] =	sst s0;
	s0 =	simm.s32 @!p1 $0x0  }
0x14: {  	s2 =	sld [smem:$0x3F72];
	s0 =	simm.s32 @p1 $0x1  }
0x15: {  	[smem:$0x3F8F] =	sst s0;
	s0 =	simm.s32 @!p2 $0x0  }
0x16: {  	s3 =	sld [smem:$0x3FDB];
	s0 =	simm.s32 @p2 $0x1  }
0x17: {  	s4 =	simm.s32 $0x1BF5;
	[smem:$0x3F91] =	sst s0  }
0x18: {  	s0 =	sld [smem:$0x3F74];
	_ =	swait.ge [sflag:s4], $0x0  }
0x19: {  	s7 =	sld [smem:$0x3F75]  }
0x1a: {  	s8 =	sadd.s32 $0xFFFFE003, lr  }
0x1b: {  	s9 =	sadd.s32 $0xFFFFFEF7, lr;
	s5 =	simm.s32 $0xFFFFFFFF;
	p2 =	slt.u32 s8, $0xFFFFF086  }
0x1c: {  	p1 =	slt.u32 s9, $0xF7A;
	s5 =	simm.s32 @!p2 $0x0  }
0x1d: {  	s5 =	simm.s32 @p1 $0x1;
	p0 =	seq.s32 s7, s2  }
0x1e: {  	s7 =	smul.u32 @!p0 $0xF7A, s2;
	p2 =	seq.s32 @!p0 s5, $0x0  }
0x1f: {  	s9 =	smul.u32 $0xF7A, s1;
	s8 =	simm.s32 @!p0 $0x1BF5;
	p2 =	por !p2, p0  }
0x20: {  	[sflag:s8] =	ssyncset.s32 @!p0 $0xFFFFF086;
	s6 =	sadd.s32 @!p0 s3, s7;
	s7 =	simm.s32 @!p0 $0x108  }
0x21: {  	s3 =	sadd.s32 s3, s9;
	s6 =	sadd.s32 @!p0 $0x88, s6;
	s7 =	simm.s32 @p2 $0x1082  }
0x22: {  	[simem:s7], [sflag:s8] =	dma.local @!p0 [hbm:s6], $0xF7A  }
0x23: {  	s9 =	sor.u32 $0xD0000000, s2;
	s6 =	simm.s32 $0x108;
	_ =	swait.ge @!p0 [sflag:s8], $0x0  }
0x24: {  	s3 =	sadd.s32 $0x88, s3;
	s6 =	simm.s32 @!p1 $0x1082;
	[sflag:s4] =	ssyncset.s32 $0xFFFFF086  }
0x25: {  	[simem:s6], [sflag:s4] =	dma.local [hbm:s3], $0xF7A  }
0x26: {  	[smem:$0x3F75] =	sst s1;
	(tag) =	ssettag s2;
	_ =	strace s9  }
0x27: {  	s1 =	sld [smem:$0x3F85]  }
0x28: {  	s2 =	sld [smem:$0x3F86]  }
0x29: {  	s4 =	sld [smem:$0x3F88]  }
0x2a: {  	p0 =	seq.s32 s5, $0x0;
	s5 =	sld [smem:$0x3F89]  }
0x2b: {  	s6 =	sld [smem:$0x3F8A]  }
0x2c: {  	s7 =	sld [smem:$0x3F8B]  }
0x2d: {  	s3 =	simm.s32 $0x108;
	s8 =	sld [smem:$0x3F8C]  }
0x2e: {  	s3 =	simm.s32 @!p0 $0x1082;
	s9 =	sld [smem:$0x3F8D]  }
0x2f: {  	lr =	sadd.s32 s0, s3;
	s0 =	sld [smem:$0x3F84]  }
0x30: {  	s3 =	sld [smem:$0x3F87]  }
0x31: {  	[smem:$0x3F90] =	sst s10  }
0x32: {  	s10 =	sld [smem:$0x3F8E];
	_ =	sdelay $0x3  }
0x33: {  	p0 =	seq.s32 s10, $0x1;
	s10 =	sld [smem:$0x3F90];
	_ =	sdelay $0x3  }
0x34: {  	[smem:$0x3F90] =	sst s10  }
0x35: {  	s10 =	sld [smem:$0x3F8F];
	_ =	sdelay $0x3  }
0x36: {  	p1 =	seq.s32 s10, $0x1;
	s10 =	sld [smem:$0x3F90];
	_ =	sdelay $0x3  }
0x37: {  	[smem:$0x3F90] =	sst s10  }
0x38: {  	s10 =	sld [smem:$0x3F91]  }
0x39: {  	_ = 	snop;
	(pc) =	sbr.ind lr, $3  }
0x3a: {  	_ = 	snop  }
0x3b: {  	_ = 	snop  }
0x3c: {  	p2 =	seq.s32 s10, $0x1;
	s10 =	sld [smem:$0x3F90]  }
0x3d: {  	_ =	shalt  }
0x3e: {  	_ =	shalt  }
0x3f: {  	_ =	shalt  }
0x40: {  	_ =	shalt  }
0x41: {  	_ =	shalt  }
0x42: {  	_ =	shalt  }
0x43: {  	_ =	shalt  }
0x44: {  	_ =	shalt  }
0x45: {  	_ =	shalt  }
0x46: {  	_ =	shalt  }
0x47: {  	_ =	shalt  }
0x48: {  	_ =	shalt  }
0x49: {  	_ =	shalt  }
0x4a: {  	_ =	shalt  }
0x4b: {  	_ =	shalt  }
0x4c: {  	_ =	shalt  }
0x4d: {  	_ =	shalt  }
0x4e: {  	_ =	shalt  }
0x4f: {  	_ =	shalt  }
0x50: {  	_ =	shalt  }
0x51: {  	_ =	shalt  }
0x52: {  	_ =	shalt  }
0x53: {  	_ =	shalt  }
0x54: {  	_ =	shalt  }
0x55: {  	_ =	shalt  }
0x56: {  	_ =	shalt  }
0x57: {  	_ =	shalt  }
0x58: {  	_ =	shalt  }
0x59: {  	_ =	shalt  }
0x5a: {  	_ =	shalt  }
0x5b: {  	_ =	shalt  }
0x5c: {  	_ =	shalt  }
0x5d: {  	_ =	shalt  }
0x5e: {  	_ =	shalt  }
0x5f: {  	_ =	shalt  }
0x60: {  	_ =	shalt  }
0x61: {  	_ =	shalt  }
0x62: {  	_ =	shalt  }
0x63: {  	_ =	shalt  }
0x64: {  	_ =	shalt  }
0x65: {  	_ =	shalt  }
0x66: {  	_ =	shalt  }
0x67: {  	_ =	shalt  }
0x68: {  	_ =	shalt  }
0x69: {  	_ =	shalt  }
0x6a: {  	_ =	shalt  }
0x6b: {  	_ =	shalt  }
0x6c: {  	_ =	shalt  }
0x6d: {  	_ =	shalt  }
0x6e: {  	_ =	shalt  }
0x6f: {  	_ =	shalt  }
0x70: {  	_ =	shalt  }
0x71: {  	_ =	shalt  }
0x72: {  	_ =	shalt  }
0x73: {  	_ =	shalt  }
0x74: {  	_ =	shalt  }
0x75: {  	_ =	shalt  }
0x76: {  	_ =	shalt  }
0x77: {  	_ =	shalt  }
0x78: {  	_ =	shalt  }
0x79: {  	_ =	shalt  }
0x7a: {  	_ =	shalt  }
0x7b: {  	_ =	shalt  }
0x7c: {  	_ =	shalt  }
0x7d: {  	_ =	shalt  }
0x7e: {  	_ =	shalt  }
0x7f: {  	_ =	shalt  }
0x80: {  	_ =	shalt  }
0x81: {  	_ =	shalt  }
0x82: {  	_ =	shalt  }
0x83: {  	_ =	shalt  }
0x84: {  	_ =	shalt  }
0x85: {  	_ =	shalt  }
0x86: {  	_ =	shalt  }
0x87: {  	_ =	shalt  }
.Lfunc_end0:
.L_simem_size_0:
called_computation_lowered:
.L_overlay_start_0:
0x88: {  	s2 =	sld [smem:$0x3FD9]  }
0x89: {  	s3 =	sld [smem:$0x3FFE];
	_ =	sdelay $0x1  }
0x8a: {  	s1 =	srdreg.scid  }
0x8b: {  	s0 =	sand.u32 $0x1, s1  }
0x8c: {  	s14 =	sshll.u32 s0, $0xA;
	s2 =	sadd.s32 s3, s2  }
0x8d: {  	s2 =	sadd.s32 s2, s14  }
0x8e: {  	[smem:$0x3F9C] =	sst s2  }
0x8f: {  	_ = 	snop  }
0x90: {  	s2 =	sld [smem:$0x3FD0];
	_ =	sdelay $0x1  }
0x91: {  	s15 =	sld [smem:$0x3FC7]  }
0x92: {  	s5 =	simm.s32 $0xA;
	s6 =	simm.s32 $0x10;
	s4 =	sld [smem:$0x3FC6]  }
0x93: {  	[smem:s6], [sflag:s5] =	dma.local [hbm:s2], $0x1  }
0x94: {  	_ =	swait.eq [sflag:s5], $0x1  }
0x95: {  	[sflag:s5] =	ssyncset.done $0x0  }
0x96: {  	[sflag:s5] =	ssyncadd.s32 $0xFFFFFFFF  }
0x97: {  	s16 =	sld [smem:$0x14];
	(tm) =	ssettm $0x1  }
0x98: {  	s17 =	sld [smem:$0x3FFB];
	_ =	sdelay $0x3  }
0x99: {  	_ =	strace s17  }
0x9a: {  	s5 =	sld [smem:$0x3FFC];
	_ =	sdelay $0x3  }
0x9b: {  	_ =	strace s5  }
0x9c: {  	s5 =	sld [smem:$0x3FFD];
	_ =	sdelay $0x3  }
0x9d: {  	_ =	strace s5  }
0x9e: {  	_ =	strace $0x8FFFFFFF  }
0x9f: {  	s18 =	sld [smem:$0x3FDB];
	_ =	sdelay $0x1  }
0xa0: {  	s19 =	simm.s32 $_scs_section_size  }
0xa1: {  	s7 =	simm.s32 $_size__tile_overlayer_lowered;
	s8 =	simm.s32 $_tile_overlayer_lowered  }
0xa2: {  	s22 =	simm.s32 $0x1BFF;
	s21 =	sshll.u32 s8, $0x1;
	s5 =	sadd.s32 s19, s18  }
0xa3: {  	s9 =	simm.s32 $0x0;
	s20 =	sshll.u32 s7, $0x1;
	s7 =	sadd.s32 s21, s5  }
0xa4: {  	[timem:s9], [sflag:s22] =	dma.local [hbm:s7], s20  }
0xa5: {  	_ =	swait.ge [sflag:s22], s20  }
0xa6: {  	s6 =	ssub.s32 $0x0, s20;
	[sflag:s22] =	ssyncset.done $0x0  }
0xa7: {  	[sflag:s22] =	ssyncadd.s32 s6;
	_ =	sdelay $0x1  }
0xa8: {  	s23 =	simm.s32 $0x1B8B  }
0xa9: {  	_ =	swait.ge [sflag:s23], $0x1  }
0xaa: {  	[sflag:s23] =	ssyncset.done $0x0  }
0xab: {  	s25 =	simm.s32 $0x1B8E;
	s24 =	sld [smem:$0x3FFE];
	[sflag:s23] =	ssyncadd.s32 $0xFFFFFFFF  }
0xac: {  	s26 =	simm.s32 $execute0_lowered;
	[smem:$0x3FD2] =	sst s25  }
0xad: {  	s7 =	sshll.u32 s26, $0x1;
	_ =	strace $0x80000046;
	[dreg:$0x1] =	wrdreg $0xFFFFFFFF  }
0xae: {  	s28 =	simm.s32 $_size_execute0_lowered;
	s5 =	sadd.s32 s5, s7;
	[dreg:$0x0] =	wrdreg $0x0  }
0xaf: {  	s7 =	sshll.u32 s28, $0x1;
	[dreg:$0x2] =	wrdreg s5  }
0xb0: {  	[dreg:$0x3] =	wrdreg s7  }
0xb1: {  	[dreg:$0x4] =	wrdreg $0xC0  }
0xb2: {  	_ =	task [dreg:s9], $0x5FFFF  }
0xb3: {  	[dreg:$0x1] =	wrdreg $0xFFFFFFFF  }
0xb4: {  	[dreg:$0x0] =	wrdreg $0x60  }
0xb5: {  	[dreg:$0x2] =	wrdreg s24  }
0xb6: {  	[dreg:$0x3] =	wrdreg s16  }
0xb7: {  	[dreg:$0x4] =	wrdreg s15  }
0xb8: {  	[dreg:$0x5] =	wrdreg s4  }
0xb9: {  	[dreg:$0x6] =	wrdreg $0x9  }
0xba: {  	_ =	task.clear_ibuf [dreg:s9], $0x7FFFF;
	_ =	strace $0x90000046  }
0xbb: {  	s29 =	simm.s32 $0x9;
	_ =	strace $0x80000048  }
0xbc: {  	_ =	swait.ge [sflag:s29], $0x1  }
0xbd: {  	[sflag:s29] =	ssyncadd.s32 $0xFFFFFFFF  }
0xbe: {  	_ =	strace $0x90000048  }
0xbf: {  	_ =	sfence  }
0xc0: {  	s30 =	sld [smem:$0x0];
	_ =	sdelay $0x2  }
0xc1: {  	s31 =	sshll.u32 s1, $0xD;
	s1 =	sshrl.u32 s1, $0x2  }
0xc2: {  	s3 =	sand.u32 $0x4000, s31;
	s1 =	sadd.s32 s1, s30  }
0xc3: {  	s0 =	sor.u32 s3, s0;
	s1 =	sshll.u32 s1, $0x11  }
0xc4: {  	s0 =	sor.u32 s1, s0  }
0xc5: {  	s0 =	sadd.s32 $0x8F2B, s0  }
0xc6: {  	[sflag:s0] =	ssyncadd.remote.s32 $0x1  }
0xc7: {  	_ =	sfence.sel $0xFFFF  }
0xc8: {  	[dreg:$0x0] =	wrdreg $0xFFFFFFFF;
	(pc) =	sbr.abs _section_cstart, $3  }
0xc9: {  	[dreg:$0x1] =	wrdreg $0xFFFFFFFF  }
0xca: {  	_ =	task.clear_ibuf [dreg:s9], $0x2FFFF;
	_ =	strace $0x9FFFFFFF  }
0xcb: {  	(tm) =	ssettm $0x7FFFFFFF  }
tec
execute0_lowered:
.L_overlay_start_1:
0x0: {  	(tag) =	ssettag $0x1  }
0x1: {  	s4 =	rddreg [dreg:$0x0]  }
0x2: {  	s5 =	rddreg [dreg:$0x1]  }
0x3: {  	s1 =	srdreg.scid;
	s7 =	rddreg [dreg:$0x2]  }
0x4: {  	s0 =	stileid.u32;
	s2 =	rddreg [dreg:$0x3];
	s3 =	simm.s32 $0x0  }
0x5: {  	s11 =	simm.s32 $0x61D8;
	s6 =	sand.u32 $0x1, s1;
	s30 =	sshll.u32 s0, $0x1  }
0x6: {  	s12 =	simm.s32 $0x7570;
	s13 =	simm.s32 $0x0;
	s1 =	sor.u32 s6, s30  }
0x7: {  	[smem:$0x7FF] =	sst s3;
	s6 =	ssub.s32 $0x2, s6;
	s8 =	smul.u32 $0x271, s1  }
0x8: {  	v0 =	vlaneseq.u32;
	s1 =	rddreg [dreg:$0x4];
	s31 =	sshrl.u32 s6, $0x1;
	_ =	strace $0x80000047  }
0x9: {  	v0 =	vmul.u32 $0xFFFFFFFF, v0;
	s10 =	ssub.s32 s6, s31;
	s9 =	sadd.s32 s8, s4;
	s5 =	sadd.s32 s5, s8  }
0xa: {  	s6 =	sadd.s32 s7, s8;
	s4 =	sadd.s32 $0x6600, s9;
	s7 =	sadd.s32 $0xB600, s9  }
0xb: {  	v0 =	vadd.s32 $0x1388, v0;
	s8 =	sadd.s32 $0x10600, s9;
	s9 =	smax.u32 s10, $0x1;
	s10 =	simm.s32 $0x1  }
.LBB2_1:
0xc: {  	[tilespmem:s3], [sflag:$0x1] =	stream.linear.gather [hbm4b:s2+s3], $0x2710, $0x38;
	[tilespmem:$0x8908] =	vst v63  }
0xd: {  	_ =	swait.ge [sflag:s10], $0x2710  }
0xe: {  	[sflag:s10] =	ssyncset.done $0x0  }
0xf: {  	s14 =	simm.s32 $0x2710;
	[sflag:s10] =	ssyncadd.s32 $0xFFFFD8F0  }
0x10: {  	[tilespmem:s14], [sflag:$0x1] =	stream.linear.gather [hbm4b:s4+s3], $0x1388, $0x38;
	[tilespmem:$0x8908] =	vst v63  }
0x11: {  	_ =	swait.ge [sflag:s10], $0x1388  }
0x12: {  	[sflag:s10] =	ssyncset.done $0x0  }
0x13: {  	s15 =	simm.s32 $0x4E40;
	[sflag:s10] =	ssyncadd.s32 $0xFFFFEC78  }
0x14: {  	[tilespmem:s15], [sflag:$0x1] =	stream.linear.gather [hbm4b:s5+s3], $0x1388, $0x38;
	[tilespmem:$0x8908] =	vst v63  }
0x15: {  	_ =	swait.ge [sflag:s10], $0x1388  }
0x16: {  	[sflag:s10] =	ssyncset.done $0x0  }
0x17: {  	s16 =	simm.s32 $0x3AA8;
	[sflag:s10] =	ssyncadd.s32 $0xFFFFEC78  }
0x18: {  	[tilespmem:s16], [sflag:$0x1] =	stream.linear.gather [hbm4b:s6+s3], $0x1388, $0x38;
	[tilespmem:$0x8908] =	vst v63  }
0x19: {  	_ =	swait.ge [sflag:s10], $0x1388  }
0x1a: {  	[sflag:s10] =	ssyncset.done $0x0  }
0x1b: {  	[sflag:s10] =	ssyncadd.s32 $0xFFFFEC78  }
0x1c: {  	v1 =	vld [tilespmem:s14+$0x0]  }
0x1d: {  	v2 =	vld [tilespmem:s16+$0x0]  }
0x1e: {  	v3 =	vld [tilespmem:s15+$0x0];
	_ =	sdelay $0x1  }
0x1f: {  	v4 =	vmov s3  }
0x20: {  	vm0 =	vlt.u32 v4, v0  }
0x21: {  	v1 =	vnsel vm0, $0x0, v1;
	v2 =	vmul.u32 $0x2710, v2  }
0x22: {  	v3 =	vnsel vm0, $0x0, v3  }
0x23: {  	v2 =	vnsel vm0, $0x0, v2  }
0x24: {  	v2 =	vadd.s32 v1, v2  }
0x25: {  	[tilespmem:s11+$0x0] =	vst v2  }
0x26: {  	v1 =	vld.idx.msk [tilespmem:v1+s3+$0x0], $0xffff  }
0x27: {  	v2 =	vld.idx.msk [tilespmem:v3+s3+$0x0], $0xffff;
	_ =	sdelay $0x3  }
0x28: {  	v1 =	vshll.u32 v1, $0x6  }
0x29: {  	v1 =	vadd.s32 v2, v1  }
0x2a: {  	s17 =	simm.s32 $0x2720;
	[tilespmem:s12+$0x0] =	vst v1  }
0x2b: {  	s18 =	simm.s32 $0x3AB8;
	s19 =	simm.s32 $0x20;
	s20 =	simm.s32 $0x4E50;
	v1 =	vld [tilespmem:s17+$0x0]  }
0x2c: {  	s16 =	simm.s32 $0x10;
	s15 =	simm.s32 $0x61D8;
	s14 =	simm.s32 $0x7570;
	v2 =	vld [tilespmem:s18+$0x0]  }
.LBB2_2:
0x2d: {  	p0 =	sne.s32 s19, $0x1380;
	v3 =	vld [tilespmem:s20+$0x0];
	_ =	sdelay $0x1  }
0x2e: {  	v4 =	vmov s16;
	s16 =	smov.u32 s19  }
0x2f: {  	vm0 =	vlt.u32 v4, v0  }
0x30: {  	v1 =	vnsel vm0, $0x0, v1;
	v2 =	vmul.u32 $0x2710, v2  }
0x31: {  	v3 =	vnsel vm0, $0x0, v3  }
0x32: {  	v2 =	vnsel vm0, $0x0, v2  }
0x33: {  	s15 =	sadd.s32 $0x10, s15;
	v2 =	vadd.s32 v1, v2  }
0x34: {  	[tilespmem:s15+$0x0] =	vst v2  }
0x35: {  	v1 =	vld.idx.msk [tilespmem:v1+s3+$0x0], $0xffff  }
0x36: {  	v2 =	vld.idx.msk [tilespmem:v3+s3+$0x0], $0xffff;
	_ =	sdelay $0x4  }
.Ltmp0:
0x37: {  	v1 =	vshll.u32 v1, $0x6;
	(pc) =	sbr.rel @p0 .LBB2_2-.Ltmp0, $4  }
0x38: {  	s14 =	sadd.s32 $0x10, s14;
	v1 =	vadd.s32 v2, v1  }
0x39: {  	s17 =	sadd.s32 $0x10, s17;
	[tilespmem:s14+$0x0] =	vst v1  }
0x3a: {  	s18 =	sadd.s32 $0x10, s18;
	v1 =	vld [tilespmem:s17+$0x0]  }
0x3b: {  	s19 =	sadd.s32 $0x10, s19;
	s20 =	sadd.s32 $0x10, s20;
	v2 =	vld [tilespmem:s18+$0x0]  }
0x3c: {  	v3 =	vld [tilespmem:s20+$0x0];
	_ =	sdelay $0x1  }
0x3d: {  	v4 =	vmov s16  }
0x3e: {  	vm0 =	vlt.u32 v4, v0  }
0x3f: {  	v1 =	vnsel vm0, $0x0, v1;
	v2 =	vmul.u32 $0x2710, v2  }
0x40: {  	v3 =	vnsel vm0, $0x0, v3  }
0x41: {  	v2 =	vnsel vm0, $0x0, v2  }
0x42: {  	s15 =	sadd.s32 $0x10, s15;
	v2 =	vadd.s32 v1, v2  }
0x43: {  	[tilespmem:s15+$0x0] =	vst v2  }
0x44: {  	v1 =	vld.idx.msk [tilespmem:v1+s3+$0x0], $0xffff  }
0x45: {  	v2 =	vld.idx.msk [tilespmem:v3+s3+$0x0], $0xffff;
	_ =	sdelay $0x3  }
0x46: {  	v1 =	vshll.u32 v1, $0x6  }
0x47: {  	s14 =	sadd.s32 $0x10, s14;
	v1 =	vadd.s32 v2, v1  }
0x48: {  	[tilespmem:s14+$0x0] =	vst v1  }
0x49: {  	[hbm4b:s7+s3] =	stream.linear.scatter [tilespmem:s11], [sflag:$0x1], $0x1388, $0x38;
	[tilespmem:$0x8908] =	vst v63  }
0x4a: {  	s13 =	sadd.s32 $0x1, s13;
	_ =	swait.ge [sflag:s10], $0x1388  }
0x4b: {  	p0 =	sne.s32 s13, s9;
	[sflag:s10] =	ssyncset.done $0x0  }
.Ltmp1:
0x4c: {  	[sflag:s10] =	ssyncadd.s32 $0xFFFFEC78;
	(pc) =	sbr.rel @p0 .LBB2_1-.Ltmp1, $4  }
0x4d: {  	[hbm4b:s8+s3] =	stream.linear.scatter [tilespmem:s12], [sflag:$0x1], $0x1388, $0x38;
	[tilespmem:$0x8908] =	vst v63  }
0x4e: {  	_ =	swait.ge [sflag:s10], $0x1388  }
0x4f: {  	[sflag:s10] =	ssyncset.done $0x0  }
0x50: {  	[sflag:s10] =	ssyncadd.s32 $0xFFFFEC78  }
0x51: {  	_ =	sfence.sel $0x180000  }
0x52: {  	[bflag:$0x0] =	sbarrier.arrive $0xFFFF  }
0x53: {  	p0 =	sne.s32 s0, $0x0;
	_ =	strace $0x90000047  }
0x54: {  	s0 =	sadd.s32 @!p0 $0x100000, s1;
	[bflag:$0x2] =	sbarrier.arrive $0xFFFF  }
0x55: {  	[sflag:s0] =	ssyncadd.tile.s32 @!p0 $0x1;
	_ =	shalt  }
.Lfunc_end2:
_tile_overlayer_lowered:
.L_overlay_start_2:
0x56: {  	(tag) =	ssettag $0x2  }
0x57: {  	s0 =	rddreg [dreg:$0x0];
	s2 =	stileid.u32  }
0x58: {  	s1 =	rddreg [dreg:$0x1];
	p0 =	sne.s32 s2, $0x0  }
0x59: {  	s3 =	rddreg [dreg:$0x2];
	[bflag:$0x3] =	sbarrier.arrive $0xFFFF;
	s2 =	simm.s32 @!p0 $0x1C01  }
0x5a: {  	[timem:s3], [sflag:s2] =	dma.local @!p0 [hbm:s0], s1  }
0x5b: {  	s0 =	simm.s32 @!p0 $0x1  }
0x5c: {  	_ =	swait.ge @!p0 [sflag:s0], s1  }
0x5d: {  	s1 =	ssub.s32 @!p0 $0x0, s1;
	[sflag:s0] =	ssyncset.done @!p0 $0x0  }
0x5e: {  	[sflag:s0] =	ssyncadd.s32 @!p0 s1  }
0x5f: {  	[bflag:$0x3] =	sbarrier.arrive $0xFFFF  }
0x60: {  	_ =	shalt  }

// kernel: kernel.13.cloned.1.call-start
scs
__scs_entry_jumppad:
0x0: {  	(pc) =	sbr.rel $0x88, $3  }
0x1: {  	(tag) =	ssettag $0x0;
	lr =	simm.s32 $0x1  }
0x2: {  	[smem:$0x3F75] =	sst lr;
	_ =	strace $0xD0000000  }
0x3: {  	_ = 	snop  }
0x4: {  	_ = 	snop  }
0x5: {  	_ = 	snop  }
0x6: {  	_ = 	snop  }
0x7: {  	_ = 	snop  }
__scs_overlays_trampoline_lowered:
0x8: {  	[smem:$0x3F84] =	sst s0  }
0x9: {  	[smem:$0x3F85] =	sst s1  }
0xa: {  	[smem:$0x3F86] =	sst s2  }
0xb: {  	[smem:$0x3F87] =	sst s3  }
0xc: {  	[smem:$0x3F88] =	sst s4  }
0xd: {  	[smem:$0x3F89] =	sst s5  }
0xe: {  	[smem:$0x3F8A] =	sst s6  }
0xf: {  	[smem:$0x3F8B] =	sst s7  }
0x10: {  	[smem:$0x3F8C] =	sst s8  }
0x11: {  	[smem:$0x3F8D] =	sst s9;
	s0 =	simm.s32 @!p0 $0x0  }
0x12: {  	s1 =	sld [smem:$0x3F73];
	s0 =	simm.s32 @p0 $0x1  }
0x13: {  	[smem:$0x3F8E] =	sst s0;
	s0 =	simm.s32 @!p1 $0x0  }
0x14: {  	s2 =	sld [smem:$0x3F72];
	s0 =	simm.s32 @p1 $0x1  }
0x15: {  	[smem:$0x3F8F] =	sst s0;
	s0 =	simm.s32 @!p2 $0x0  }
0x16: {  	s3 =	sld [smem:$0x3FDB];
	s0 =	simm.s32 @p2 $0x1  }
0x17: {  	s4 =	simm.s32 $0x1BF5;
	[smem:$0x3F91] =	sst s0  }
0x18: {  	s0 =	sld [smem:$0x3F74];
	_ =	swait.ge [sflag:s4], $0x0  }
0x19: {  	s7 =	sld [smem:$0x3F75]  }
0x1a: {  	s8 =	sadd.s32 $0xFFFFE003, lr  }
0x1b: {  	s9 =	sadd.s32 $0xFFFFFEF7, lr;
	s5 =	simm.s32 $0xFFFFFFFF;
	p2 =	slt.u32 s8, $0xFFFFF086  }
0x1c: {  	p1 =	slt.u32 s9, $0xF7A;
	s5 =	simm.s32 @!p2 $0x0  }
0x1d: {  	s5 =	simm.s32 @p1 $0x1;
	p0 =	seq.s32 s7, s2  }
0x1e: {  	s7 =	smul.u32 @!p0 $0xF7A, s2;
	p2 =	seq.s32 @!p0 s5, $0x0  }
0x1f: {  	s9 =	smul.u32 $0xF7A, s1;
	s8 =	simm.s32 @!p0 $0x1BF5;
	p2 =	por !p2, p0  }
0x20: {  	[sflag:s8] =	ssyncset.s32 @!p0 $0xFFFFF086;
	s6 =	sadd.s32 @!p0 s3, s7;
	s7 =	simm.s32 @!p0 $0x108  }
0x21: {  	s3 =	sadd.s32 s3, s9;
	s6 =	sadd.s32 @!p0 $0x88, s6;
	s7 =	simm.s32 @p2 $0x1082  }
0x22: {  	[simem:s7], [sflag:s8] =	dma.local @!p0 [hbm:s6], $0xF7A  }
0x23: {  	s9 =	sor.u32 $0xD0000000, s2;
	s6 =	simm.s32 $0x108;
	_ =	swait.ge @!p0 [sflag:s8], $0x0  }
0x24: {  	s3 =	sadd.s32 $0x88, s3;
	s6 =	simm.s32 @!p1 $0x1082;
	[sflag:s4] =	ssyncset.s32 $0xFFFFF086  }
0x25: {  	[simem:s6], [sflag:s4] =	dma.local [hbm:s3], $0xF7A  }
0x26: {  	[smem:$0x3F75] =	sst s1;
	(tag) =	ssettag s2;
	_ =	strace s9  }
0x27: {  	s1 =	sld [smem:$0x3F85]  }
0x28: {  	s2 =	sld [smem:$0x3F86]  }
0x29: {  	s4 =	sld [smem:$0x3F88]  }
0x2a: {  	p0 =	seq.s32 s5, $0x0;
	s5 =	sld [smem:$0x3F89]  }
0x2b: {  	s6 =	sld [smem:$0x3F8A]  }
0x2c: {  	s7 =	sld [smem:$0x3F8B]  }
0x2d: {  	s3 =	simm.s32 $0x108;
	s8 =	sld [smem:$0x3F8C]  }
0x2e: {  	s3 =	simm.s32 @!p0 $0x1082;
	s9 =	sld [smem:$0x3F8D]  }
0x2f: {  	lr =	sadd.s32 s0, s3;
	s0 =	sld [smem:$0x3F84]  }
0x30: {  	s3 =	sld [smem:$0x3F87]  }
0x31: {  	[smem:$0x3F90] =	sst s10  }
0x32: {  	s10 =	sld [smem:$0x3F8E];
	_ =	sdelay $0x3  }
0x33: {  	p0 =	seq.s32 s10, $0x1;
	s10 =	sld [smem:$0x3F90];
	_ =	sdelay $0x3  }
0x34: {  	[smem:$0x3F90] =	sst s10  }
0x35: {  	s10 =	sld [smem:$0x3F8F];
	_ =	sdelay $0x3  }
0x36: {  	p1 =	seq.s32 s10, $0x1;
	s10 =	sld [smem:$0x3F90];
	_ =	sdelay $0x3  }
0x37: {  	[smem:$0x3F90] =	sst s10  }
0x38: {  	s10 =	sld [smem:$0x3F91]  }
0x39: {  	_ = 	snop;
	(pc) =	sbr.ind lr, $3  }
0x3a: {  	_ = 	snop  }
0x3b: {  	_ = 	snop  }
0x3c: {  	p2 =	seq.s32 s10, $0x1;
	s10 =	sld [smem:$0x3F90]  }
0x3d: {  	_ =	shalt  }
0x3e: {  	_ =	shalt  }
0x3f: {  	_ =	shalt  }
0x40: {  	_ =	shalt  }
0x41: {  	_ =	shalt  }
0x42: {  	_ =	shalt  }
0x43: {  	_ =	shalt  }
0x44: {  	_ =	shalt  }
0x45: {  	_ =	shalt  }
0x46: {  	_ =	shalt  }
0x47: {  	_ =	shalt  }
0x48: {  	_ =	shalt  }
0x49: {  	_ =	shalt  }
0x4a: {  	_ =	shalt  }
0x4b: {  	_ =	shalt  }
0x4c: {  	_ =	shalt  }
0x4d: {  	_ =	shalt  }
0x4e: {  	_ =	shalt  }
0x4f: {  	_ =	shalt  }
0x50: {  	_ =	shalt  }
0x51: {  	_ =	shalt  }
0x52: {  	_ =	shalt  }
0x53: {  	_ =	shalt  }
0x54: {  	_ =	shalt  }
0x55: {  	_ =	shalt  }
0x56: {  	_ =	shalt  }
0x57: {  	_ =	shalt  }
0x58: {  	_ =	shalt  }
0x59: {  	_ =	shalt  }
0x5a: {  	_ =	shalt  }
0x5b: {  	_ =	shalt  }
0x5c: {  	_ =	shalt  }
0x5d: {  	_ =	shalt  }
0x5e: {  	_ =	shalt  }
0x5f: {  	_ =	shalt  }
0x60: {  	_ =	shalt  }
0x61: {  	_ =	shalt  }
0x62: {  	_ =	shalt  }
0x63: {  	_ =	shalt  }
0x64: {  	_ =	shalt  }
0x65: {  	_ =	shalt  }
0x66: {  	_ =	shalt  }
0x67: {  	_ =	shalt  }
0x68: {  	_ =	shalt  }
0x69: {  	_ =	shalt  }
0x6a: {  	_ =	shalt  }
0x6b: {  	_ =	shalt  }
0x6c: {  	_ =	shalt  }
0x6d: {  	_ =	shalt  }
0x6e: {  	_ =	shalt  }
0x6f: {  	_ =	shalt  }
0x70: {  	_ =	shalt  }
0x71: {  	_ =	shalt  }
0x72: {  	_ =	shalt  }
0x73: {  	_ =	shalt  }
0x74: {  	_ =	shalt  }
0x75: {  	_ =	shalt  }
0x76: {  	_ =	shalt  }
0x77: {  	_ =	shalt  }
0x78: {  	_ =	shalt  }
0x79: {  	_ =	shalt  }
0x7a: {  	_ =	shalt  }
0x7b: {  	_ =	shalt  }
0x7c: {  	_ =	shalt  }
0x7d: {  	_ =	shalt  }
0x7e: {  	_ =	shalt  }
0x7f: {  	_ =	shalt  }
0x80: {  	_ =	shalt  }
0x81: {  	_ =	shalt  }
0x82: {  	_ =	shalt  }
0x83: {  	_ =	shalt  }
0x84: {  	_ =	shalt  }
0x85: {  	_ =	shalt  }
0x86: {  	_ =	shalt  }
0x87: {  	_ =	shalt  }
.Lfunc_end0:
.L_simem_size_0:
called_computation.1_lowered:
.L_overlay_start_0:
0x88: {  	s2 =	sld [smem:$0x3FD9]  }
0x89: {  	s3 =	sld [smem:$0x3FFE];
	_ =	sdelay $0x1  }
0x8a: {  	s1 =	srdreg.scid  }
0x8b: {  	s0 =	sand.u32 $0x1, s1  }
0x8c: {  	s14 =	sshll.u32 s0, $0xA;
	s2 =	sadd.s32 s3, s2  }
0x8d: {  	s2 =	sadd.s32 s2, s14  }
0x8e: {  	[smem:$0x3F9C] =	sst s2  }
0x8f: {  	_ = 	snop  }
0x90: {  	s2 =	sld [smem:$0x3FD0];
	_ =	sdelay $0x2  }
0x91: {  	s15 =	simm.s32 $0xA;
	s4 =	simm.s32 $0x10  }
0x92: {  	[smem:s4], [sflag:s15] =	dma.local [hbm:s2], $0x1  }
0x93: {  	_ =	swait.eq [sflag:s15], $0x1  }
0x94: {  	[sflag:s15] =	ssyncset.done $0x0  }
0x95: {  	[sflag:s15] =	ssyncadd.s32 $0xFFFFFFFF  }
0x96: {  	s16 =	sld [smem:$0x14];
	(tm) =	ssettm $0x1  }
0x97: {  	s17 =	sld [smem:$0x3FFB];
	_ =	sdelay $0x3  }
0x98: {  	_ =	strace s17  }
0x99: {  	s3 =	sld [smem:$0x3FFC];
	_ =	sdelay $0x3  }
0x9a: {  	_ =	strace s3  }
0x9b: {  	s3 =	sld [smem:$0x3FFD];
	_ =	sdelay $0x3  }
0x9c: {  	_ =	strace s3  }
0x9d: {  	_ =	strace $0x8FFFFFFF  }
0x9e: {  	s18 =	sld [smem:$0x3FDB];
	_ =	sdelay $0x1  }
0x9f: {  	s19 =	simm.s32 $_scs_section_size  }
0xa0: {  	s5 =	simm.s32 $_size__tile_overlayer_lowered;
	s6 =	simm.s32 $_tile_overlayer_lowered  }
0xa1: {  	s22 =	simm.s32 $0x1BFF;
	s21 =	sshll.u32 s6, $0x1;
	s3 =	sadd.s32 s19, s18  }
0xa2: {  	s7 =	simm.s32 $0x0;
	s20 =	sshll.u32 s5, $0x1;
	s5 =	sadd.s32 s21, s3  }
0xa3: {  	[timem:s7], [sflag:s22] =	dma.local [hbm:s5], s20  }
0xa4: {  	_ =	swait.ge [sflag:s22], s20  }
0xa5: {  	s4 =	ssub.s32 $0x0, s20;
	[sflag:s22] =	ssyncset.done $0x0  }
0xa6: {  	[sflag:s22] =	ssyncadd.s32 s4;
	_ =	sdelay $0x1  }
0xa7: {  	s23 =	simm.s32 $0x1B8B  }
0xa8: {  	_ =	swait.ge [sflag:s23], $0x1  }
0xa9: {  	[sflag:s23] =	ssyncset.done $0x0  }
0xaa: {  	s25 =	simm.s32 $0x1B8E;
	s24 =	sld [smem:$0x3FFE];
	[sflag:s23] =	ssyncadd.s32 $0xFFFFFFFF  }
0xab: {  	s26 =	simm.s32 $execute0_lowered;
	[smem:$0x3FD2] =	sst s25  }
0xac: {  	s5 =	sshll.u32 s26, $0x1;
	_ =	strace $0x80000049;
	[dreg:$0x1] =	wrdreg $0xFFFFFFFF  }
0xad: {  	s28 =	simm.s32 $_size_execute0_lowered;
	s3 =	sadd.s32 s3, s5;
	[dreg:$0x0] =	wrdreg $0x0  }
0xae: {  	s5 =	sshll.u32 s28, $0x1;
	[dreg:$0x2] =	wrdreg s3  }
0xaf: {  	[dreg:$0x3] =	wrdreg s5  }
0xb0: {  	[dreg:$0x4] =	wrdreg $0xC0  }
0xb1: {  	_ =	task [dreg:s7], $0x5FFFF  }
0xb2: {  	[dreg:$0x1] =	wrdreg $0xFFFFFFFF  }
0xb3: {  	[dreg:$0x0] =	wrdreg $0x60  }
0xb4: {  	[dreg:$0x2] =	wrdreg s24  }
0xb5: {  	[dreg:$0x3] =	wrdreg s16  }
0xb6: {  	[dreg:$0x4] =	wrdreg $0xA5000  }
0xb7: {  	[dreg:$0x5] =	wrdreg $0x9  }
0xb8: {  	_ =	task.clear_ibuf [dreg:s7], $0x6FFFF;
	_ =	strace $0x90000049  }
0xb9: {  	s29 =	simm.s32 $0x9;
	_ =	strace $0x8000004B  }
0xba: {  	_ =	swait.ge [sflag:s29], $0x1  }
0xbb: {  	[sflag:s29] =	ssyncadd.s32 $0xFFFFFFFF  }
0xbc: {  	_ =	strace $0x9000004B  }
0xbd: {  	_ =	sfence  }
0xbe: {  	s30 =	sld [smem:$0x0];
	_ =	sdelay $0x2  }
0xbf: {  	s31 =	sshll.u32 s1, $0xD;
	s1 =	sshrl.u32 s1, $0x2  }
0xc0: {  	s3 =	sand.u32 $0x4000, s31;
	s1 =	sadd.s32 s1, s30  }
0xc1: {  	s0 =	sor.u32 s3, s0;
	s1 =	sshll.u32 s1, $0x11  }
0xc2: {  	s0 =	sor.u32 s1, s0  }
0xc3: {  	s0 =	sadd.s32 $0x8F2B, s0  }
0xc4: {  	[sflag:s0] =	ssyncadd.remote.s32 $0x1  }
0xc5: {  	_ =	sfence.sel $0xFFFF  }
0xc6: {  	[dreg:$0x0] =	wrdreg $0xFFFFFFFF;
	(pc) =	sbr.abs _section_cstart, $3  }
0xc7: {  	[dreg:$0x1] =	wrdreg $0xFFFFFFFF  }
0xc8: {  	_ =	task.clear_ibuf [dreg:s7], $0x2FFFF;
	_ =	strace $0x9FFFFFFF  }
0xc9: {  	(tm) =	ssettm $0x7FFFFFFF  }
tec
execute0_lowered:
.L_overlay_start_1:
0x0: {  	(tag) =	ssettag $0x1  }
0x1: {  	s5 =	rddreg [dreg:$0x0]  }
0x2: {  	s1 =	srdreg.scid;
	s7 =	rddreg [dreg:$0x1]  }
0x3: {  	s0 =	stileid.u32;
	s2 =	rddreg [dreg:$0x2];
	s3 =	simm.s32 $0x0  }
0x4: {  	s15 =	simm.s32 $0x2800;
	s16 =	simm.s32 $0x6680;
	s17 =	simm.s32 $0x1  }
0x5: {  	s18 =	simm.s32 $0x2;
	s19 =	simm.s32 $0x1380;
	s20 =	simm.s32 $0x2700  }
0x6: {  	s21 =	simm.s32 $0x2780;
	s22 =	simm.s32 $0x0;
	s6 =	sand.u32 $0x1, s1  }
0x7: {  	s29 =	sshll.u32 s0, $0x1;
	s9 =	smul.u32 $0x13880, s0;
	[smem:$0x7FF] =	sst s3  }
0x8: {  	s4 =	sadd.s32 $0x1A600, s5;
	s1 =	sor.u32 s6, s29;
	s10 =	smul.u32 $0x138800, s6  }
0x9: {  	s31 =	sshll.u32 s0, $0x6;
	s6 =	ssub.s32 $0x2, s6;
	s8 =	smul.u32 $0x280, s1  }
0xa: {  	s1 =	rddreg [dreg:$0x3];
	_ =	strace $0x8000004A;
	s12 =	sshrl.u32 s9, $0x3  }
0xb: {  	s30 =	sshrl.u32 s6, $0x1;
	s14 =	sadd.s32 s9, s2;
	s10 =	sadd.s32 s9, s10  }
0xc: {  	s12 =	sadd.s32 s12, s5;
	s13 =	ssub.s32 s6, s30;
	s11 =	sadd.s32 s8, s5  }
0xd: {  	s10 =	sshrl.u32 s10, $0x3;
	s9 =	smax.u32 s13, $0x1;
	s13 =	sshrl.u32 s14, $0x3  }
0xe: {  	s14 =	simm.s32 $0x7D;
	s10 =	sadd.s32 s10, s5;
	s5 =	sadd.s32 s7, s8  }
0xf: {  	s6 =	sadd.s32 $0x15600, s11;
	s7 =	sadd.s32 $0xB6A00, s12;
	s11 =	simm.s32 $0x1400  }
0x10: {  	s12 =	sor.u32 $0x1C03, s31;
	s8 =	sadd.s32 $0xDDC00, s10;
	s10 =	simm.s32 $0x3  }
.LBB2_1:
0x11: {  	[tilespmem:s3], [sflag:$0x3] =	stream.linear.gather [hbm4b:s5+s3], $0x1400, $0x38;
	[tilespmem:$0x1DD80] =	vst v63  }
0x12: {  	_ =	swait.ge [sflag:s10], $0x1400  }
0x13: {  	[sflag:s10] =	ssyncset.done $0x0  }
0x14: {  	[sflag:s10] =	ssyncadd.s32 $0xFFFFEC00  }
0x15: {  	[tilespmem:s11], [sflag:$0x3] =	stream.linear.gather [hbm4b:s6+s3], $0x1400, $0x38;
	[tilespmem:$0x1DD80] =	vst v63  }
0x16: {  	_ =	swait.ge [sflag:s10], $0x1400  }
0x17: {  	[sflag:s10] =	ssyncset.done $0x0  }
0x18: {  	[sflag:s10] =	ssyncadd.s32 $0xFFFFEC00  }
0x19: {  	[spmem:s13], [sflag:s12] =	dma.local [hbm:s7], $0x2710  }
0x1a: {  	_ =	swait.ge [sflag:s10], $0x2710  }
0x1b: {  	[sflag:s10] =	ssyncset.done $0x0  }
0x1c: {  	[sflag:s10] =	ssyncadd.s32 $0xFFFFD8F0  }
0x1d: {  	[bflag:$0x0] =	sbarrier.arrive $0xFFFF  }
0x1e: {  	[tilespmem:s15], [sflag:$0x1] =	stream.indirect.gather [hbm4b:s4+s14], $0x80, s3, s14, $0xb8;
	[tilespmem:$0x1DD80] =	vst v63  }
0x1f: {  	s23 =	simm.s32 $0x80  }
0x20: {  	[tilespmem:s16], [sflag:$0x2] =	stream.indirect.gather [hbm4b:s4+s14], $0x80, s23, s14, $0xb8;
	[tilespmem:$0x1DD80] =	vst v63  }
0x21: {  	_ =	swait.ge [sflag:s17], $0x3E80  }
0x22: {  	[sflag:s17] =	ssyncset.done $0x0  }
0x23: {  	s29 =	simm.s32 $0x1400;
	[sflag:s17] =	ssyncadd.s32 $0xFFFFC180  }
0x24: {  	[spmem:s2] =	stream.indirect.scatter.add.f32 [tilespmem:s15], [sflag:$0x3], $0x80, s29, s14, $0xb8;
	[tilespmem:$0x1DD80] =	vst v63  }
0x25: {  	_ =	swait.ge [sflag:s10], $0x3E80  }
0x26: {  	[sflag:s10] =	ssyncset.done $0x0  }
0x27: {  	s30 =	simm.s32 $0x100;
	[sflag:s10] =	ssyncadd.s32 $0xFFFFC180  }
0x28: {  	[tilespmem:s15], [sflag:$0x1] =	stream.indirect.gather [hbm4b:s4+s14], $0x80, s30, s14, $0xb8;
	[tilespmem:$0x1DD80] =	vst v63  }
0x29: {  	_ =	swait.ge [sflag:s18], $0x3E80  }
0x2a: {  	[sflag:s18] =	ssyncset.done $0x0  }
0x2b: {  	s31 =	simm.s32 $0x1480;
	[sflag:s18] =	ssyncadd.s32 $0xFFFFC180  }
0x2c: {  	[spmem:s2] =	stream.indirect.scatter.add.f32 [tilespmem:s16], [sflag:$0x3], $0x80, s31, s14, $0xb8;
	[tilespmem:$0x1DD80] =	vst v63  }
0x2d: {  	_ =	swait.ge [sflag:s10], $0x3E80  }
0x2e: {  	s24 =	simm.s32 $0x800;
	s23 =	simm.s32 $0x100;
	[sflag:s10] =	ssyncset.done $0x0  }
.LBB2_2:
0x2f: {  	s25 =	sadd.s32 $0x80, s23  }
0x30: {  	[sflag:s10] =	ssyncadd.s32 $0xFFFFC180;
	s26 =	smov.u32 s24;
	s28 =	sadd.s32 $0x400, s24  }
0x31: {  	[tilespmem:s16], [sflag:$0x2] =	stream.indirect.gather [hbm4b:s4+s14], $0x80, s25, s14, $0xb8;
	[tilespmem:$0x1DD80] =	vst v63  }
0x32: {  	p0 =	sne.s32 s24, $0x4800;
	_ =	swait.ge [sflag:s17], $0x3E80  }
0x33: {  	[sflag:s17] =	ssyncset.done $0x0  }
0x34: {  	s24 =	sadd.s32 $0x1400, s23;
	[sflag:s17] =	ssyncadd.s32 $0xFFFFC180  }
0x35: {  	[spmem:s2] =	stream.indirect.scatter.add.f32 [tilespmem:s15], [sflag:$0x3], $0x80, s24, s14, $0xb8;
	[tilespmem:$0x1DD80] =	vst v63  }
0x36: {  	_ =	swait.ge [sflag:s10], $0x3E80  }
0x37: {  	[sflag:s10] =	ssyncset.done $0x0  }
0x38: {  	s24 =	sadd.s32 $0x100, s23;
	[sflag:s10] =	ssyncadd.s32 $0xFFFFC180  }
0x39: {  	[tilespmem:s15], [sflag:$0x1] =	stream.indirect.gather [hbm4b:s4+s14], $0x80, s24, s14, $0xb8;
	[tilespmem:$0x1DD80] =	vst v63  }
0x3a: {  	_ =	swait.ge [sflag:s18], $0x3E80  }
.Ltmp0:
0x3b: {  	[sflag:s18] =	ssyncset.done $0x0;
	(pc) =	sbr.rel @p0 .LBB2_2-.Ltmp0, $4  }
0x3c: {  	s23 =	sadd.s32 $0x1480, s23;
	[sflag:s18] =	ssyncadd.s32 $0xFFFFC180  }
0x3d: {  	[spmem:s2] =	stream.indirect.scatter.add.f32 [tilespmem:s16], [sflag:$0x3], $0x80, s23, s14, $0xb8;
	[tilespmem:$0x1DD80] =	vst v63  }
0x3e: {  	_ =	swait.ge [sflag:s10], $0x3E80  }
0x3f: {  	s24 =	smov.u32 s28;
	s23 =	sshra.s32 s26, $0x2;
	[sflag:s10] =	ssyncset.done $0x0  }
0x40: {  	s24 =	sadd.s32 $0x80, s23;
	[sflag:s10] =	ssyncadd.s32 $0xFFFFC180  }
0x41: {  	[tilespmem:s16], [sflag:$0x2] =	stream.indirect.gather [hbm4b:s4+s14], $0x80, s24, s14, $0xb8;
	[tilespmem:$0x1DD80] =	vst v63  }
0x42: {  	_ =	swait.ge [sflag:s17], $0x3E80  }
0x43: {  	[sflag:s17] =	ssyncset.done $0x0  }
0x44: {  	s29 =	sadd.s32 $0x1400, s23;
	[sflag:s17] =	ssyncadd.s32 $0xFFFFC180  }
0x45: {  	[spmem:s2] =	stream.indirect.scatter.add.f32 [tilespmem:s15], [sflag:$0x3], $0x80, s29, s14, $0xb8;
	[tilespmem:$0x1DD80] =	vst v63  }
0x46: {  	_ =	swait.ge [sflag:s10], $0x3E80  }
0x47: {  	[sflag:s10] =	ssyncset.done $0x0  }
0x48: {  	s30 =	sadd.s32 $0x100, s23;
	[sflag:s10] =	ssyncadd.s32 $0xFFFFC180  }
0x49: {  	[tilespmem:s15], [sflag:$0x1] =	stream.indirect.gather [hbm4b:s4+s14], $0x80, s30, s14, $0xb8;
	[tilespmem:$0x1DD80] =	vst v63  }
0x4a: {  	_ =	swait.ge [sflag:s18], $0x3E80  }
0x4b: {  	[sflag:s18] =	ssyncset.done $0x0  }
0x4c: {  	s31 =	sadd.s32 $0x1480, s23;
	[sflag:s18] =	ssyncadd.s32 $0xFFFFC180  }
0x4d: {  	[spmem:s2] =	stream.indirect.scatter.add.f32 [tilespmem:s16], [sflag:$0x3], $0x80, s31, s14, $0xb8;
	[tilespmem:$0x1DD80] =	vst v63  }
0x4e: {  	_ =	swait.ge [sflag:s10], $0x3E80  }
0x4f: {  	[sflag:s10] =	ssyncset.done $0x0  }
0x50: {  	[sflag:s10] =	ssyncadd.s32 $0xFFFFC180  }
0x51: {  	[tilespmem:s16], [sflag:$0x2] =	stream.indirect.gather [hbm4b:s4+s14], $0x80, s19, s14, $0xb8;
	[tilespmem:$0x1DD80] =	vst v63  }
0x52: {  	_ =	swait.ge [sflag:s17], $0x3E80  }
0x53: {  	[sflag:s17] =	ssyncset.done $0x0  }
0x54: {  	[sflag:s17] =	ssyncadd.s32 $0xFFFFC180  }
0x55: {  	[spmem:s2] =	stream.indirect.scatter.add.f32 [tilespmem:s15], [sflag:$0x3], $0x80, s20, s14, $0xb8;
	[tilespmem:$0x1DD80] =	vst v63  }
0x56: {  	_ =	swait.ge [sflag:s10], $0x3E80  }
0x57: {  	[sflag:s10] =	ssyncset.done $0x0  }
0x58: {  	[sflag:s10] =	ssyncadd.s32 $0xFFFFC180  }
0x59: {  	_ =	swait.ge [sflag:s18], $0x3E80  }
0x5a: {  	[sflag:s18] =	ssyncset.done $0x0  }
0x5b: {  	[sflag:s18] =	ssyncadd.s32 $0xFFFFC180  }
0x5c: {  	[spmem:s2] =	stream.indirect.scatter.add.f32 [tilespmem:s16], [sflag:$0x3], $0x80, s21, s14, $0xb8;
	[tilespmem:$0x1DD80] =	vst v63  }
0x5d: {  	_ =	swait.ge [sflag:s10], $0x3E80  }
0x5e: {  	s22 =	sadd.s32 $0x1, s22;
	[sflag:s10] =	ssyncset.done $0x0  }
0x5f: {  	p0 =	sne.s32 s22, s9;
	[sflag:s10] =	ssyncadd.s32 $0xFFFFC180  }
.Ltmp1:
0x60: {  	[bflag:$0x0] =	sbarrier.arrive $0xFFFF;
	(pc) =	sbr.rel @p0 .LBB2_1-.Ltmp1, $4  }
0x61: {  	[hbm:s8], [sflag:s12] =	dma.local [spmem:s13], $0x2710  }
0x62: {  	_ =	swait.ge [sflag:s10], $0x2710  }
0x63: {  	[sflag:s10] =	ssyncset.done $0x0  }
0x64: {  	[sflag:s10] =	ssyncadd.s32 $0xFFFFD8F0  }
0x65: {  	_ =	sfence.sel $0x180000  }
0x66: {  	[bflag:$0x0] =	sbarrier.arrive $0xFFFF  }
0x67: {  	p0 =	sne.s32 s0, $0x0;
	_ =	strace $0x9000004A  }
0x68: {  	s0 =	sadd.s32 @!p0 $0x100000, s1;
	[bflag:$0x2] =	sbarrier.arrive $0xFFFF  }
0x69: {  	[sflag:s0] =	ssyncadd.tile.s32 @!p0 $0x1;
	_ =	shalt  }
.Lfunc_end2:
_tile_overlayer_lowered:
.L_overlay_start_2:
0x6a: {  	(tag) =	ssettag $0x2  }
0x6b: {  	s0 =	rddreg [dreg:$0x0];
	s2 =	stileid.u32  }
0x6c: {  	s1 =	rddreg [dreg:$0x1];
	p0 =	sne.s32 s2, $0x0  }
0x6d: {  	s3 =	rddreg [dreg:$0x2];
	[bflag:$0x3] =	sbarrier.arrive $0xFFFF;
	s2 =	simm.s32 @!p0 $0x1C03  }
0x6e: {  	[timem:s3], [sflag:s2] =	dma.local @!p0 [hbm:s0], s1  }
0x6f: {  	s0 =	simm.s32 @!p0 $0x3  }
0x70: {  	_ =	swait.ge @!p0 [sflag:s0], s1  }
0x71: {  	s1 =	ssub.s32 @!p0 $0x0, s1;
	[sflag:s0] =	ssyncset.done @!p0 $0x0  }
0x72: {  	[sflag:s0] =	ssyncadd.s32 @!p0 s1  }
0x73: {  	[bflag:$0x3] =	sbarrier.arrive $0xFFFF  }
0x74: {  	_ =	shalt  }

// kernel: kernel.16.cloned.1.call-start
scs
__scs_entry_jumppad:
0x0: {  	(pc) =	sbr.rel $0x88, $3  }
0x1: {  	(tag) =	ssettag $0x0;
	lr =	simm.s32 $0x1  }
0x2: {  	[smem:$0x3F75] =	sst lr;
	_ =	strace $0xD0000000  }
0x3: {  	_ = 	snop  }
0x4: {  	_ = 	snop  }
0x5: {  	_ = 	snop  }
0x6: {  	_ = 	snop  }
0x7: {  	_ = 	snop  }
__scs_overlays_trampoline_lowered:
0x8: {  	[smem:$0x3F84] =	sst s0  }
0x9: {  	[smem:$0x3F85] =	sst s1  }
0xa: {  	[smem:$0x3F86] =	sst s2  }
0xb: {  	[smem:$0x3F87] =	sst s3  }
0xc: {  	[smem:$0x3F88] =	sst s4  }
0xd: {  	[smem:$0x3F89] =	sst s5  }
0xe: {  	[smem:$0x3F8A] =	sst s6  }
0xf: {  	[smem:$0x3F8B] =	sst s7  }
0x10: {  	[smem:$0x3F8C] =	sst s8  }
0x11: {  	[smem:$0x3F8D] =	sst s9;
	s0 =	simm.s32 @!p0 $0x0  }
0x12: {  	s1 =	sld [smem:$0x3F73];
	s0 =	simm.s32 @p0 $0x1  }
0x13: {  	[smem:$0x3F8E] =	sst s0;
	s0 =	simm.s32 @!p1 $0x0  }
0x14: {  	s2 =	sld [smem:$0x3F72];
	s0 =	simm.s32 @p1 $0x1  }
0x15: {  	[smem:$0x3F8F] =	sst s0;
	s0 =	simm.s32 @!p2 $0x0  }
0x16: {  	s3 =	sld [smem:$0x3FDB];
	s0 =	simm.s32 @p2 $0x1  }
0x17: {  	s4 =	simm.s32 $0x1BF5;
	[smem:$0x3F91] =	sst s0  }
0x18: {  	s0 =	sld [smem:$0x3F74];
	_ =	swait.ge [sflag:s4], $0x0  }
0x19: {  	s7 =	sld [smem:$0x3F75]  }
0x1a: {  	s8 =	sadd.s32 $0xFFFFE003, lr  }
0x1b: {  	s9 =	sadd.s32 $0xFFFFFEF7, lr;
	s5 =	simm.s32 $0xFFFFFFFF;
	p2 =	slt.u32 s8, $0xFFFFF086  }
0x1c: {  	p1 =	slt.u32 s9, $0xF7A;
	s5 =	simm.s32 @!p2 $0x0  }
0x1d: {  	s5 =	simm.s32 @p1 $0x1;
	p0 =	seq.s32 s7, s2  }
0x1e: {  	s7 =	smul.u32 @!p0 $0xF7A, s2;
	p2 =	seq.s32 @!p0 s5, $0x0  }
0x1f: {  	s9 =	smul.u32 $0xF7A, s1;
	s8 =	simm.s32 @!p0 $0x1BF5;
	p2 =	por !p2, p0  }
0x20: {  	[sflag:s8] =	ssyncset.s32 @!p0 $0xFFFFF086;
	s6 =	sadd.s32 @!p0 s3, s7;
	s7 =	simm.s32 @!p0 $0x108  }
0x21: {  	s3 =	sadd.s32 s3, s9;
	s6 =	sadd.s32 @!p0 $0x88, s6;
	s7 =	simm.s32 @p2 $0x1082  }
0x22: {  	[simem:s7], [sflag:s8] =	dma.local @!p0 [hbm:s6], $0xF7A  }
0x23: {  	s9 =	sor.u32 $0xD0000000, s2;
	s6 =	simm.s32 $0x108;
	_ =	swait.ge @!p0 [sflag:s8], $0x0  }
0x24: {  	s3 =	sadd.s32 $0x88, s3;
	s6 =	simm.s32 @!p1 $0x1082;
	[sflag:s4] =	ssyncset.s32 $0xFFFFF086  }
0x25: {  	[simem:s6], [sflag:s4] =	dma.local [hbm:s3], $0xF7A  }
0x26: {  	[smem:$0x3F75] =	sst s1;
	(tag) =	ssettag s2;
	_ =	strace s9  }
0x27: {  	s1 =	sld [smem:$0x3F85]  }
0x28: {  	s2 =	sld [smem:$0x3F86]  }
0x29: {  	s4 =	sld [smem:$0x3F88]  }
0x2a: {  	p0 =	seq.s32 s5, $0x0;
	s5 =	sld [smem:$0x3F89]  }
0x2b: {  	s6 =	sld [smem:$0x3F8A]  }
0x2c: {  	s7 =	sld [smem:$0x3F8B]  }
0x2d: {  	s3 =	simm.s32 $0x108;
	s8 =	sld [smem:$0x3F8C]  }
0x2e: {  	s3 =	simm.s32 @!p0 $0x1082;
	s9 =	sld [smem:$0x3F8D]  }
0x2f: {  	lr =	sadd.s32 s0, s3;
	s0 =	sld [smem:$0x3F84]  }
0x30: {  	s3 =	sld [smem:$0x3F87]  }
0x31: {  	[smem:$0x3F90] =	sst s10  }
0x32: {  	s10 =	sld [smem:$0x3F8E];
	_ =	sdelay $0x3  }
0x33: {  	p0 =	seq.s32 s10, $0x1;
	s10 =	sld [smem:$0x3F90];
	_ =	sdelay $0x3  }
0x34: {  	[smem:$0x3F90] =	sst s10  }
0x35: {  	s10 =	sld [smem:$0x3F8F];
	_ =	sdelay $0x3  }
0x36: {  	p1 =	seq.s32 s10, $0x1;
	s10 =	sld [smem:$0x3F90];
	_ =	sdelay $0x3  }
0x37: {  	[smem:$0x3F90] =	sst s10  }
0x38: {  	s10 =	sld [smem:$0x3F91]  }
0x39: {  	_ = 	snop;
	(pc) =	sbr.ind lr, $3  }
0x3a: {  	_ = 	snop  }
0x3b: {  	_ = 	snop  }
0x3c: {  	p2 =	seq.s32 s10, $0x1;
	s10 =	sld [smem:$0x3F90]  }
0x3d: {  	_ =	shalt  }
0x3e: {  	_ =	shalt  }
0x3f: {  	_ =	shalt  }
0x40: {  	_ =	shalt  }
0x41: {  	_ =	shalt  }
0x42: {  	_ =	shalt  }
0x43: {  	_ =	shalt  }
0x44: {  	_ =	shalt  }
0x45: {  	_ =	shalt  }
0x46: {  	_ =	shalt  }
0x47: {  	_ =	shalt  }
0x48: {  	_ =	shalt  }
0x49: {  	_ =	shalt  }
0x4a: {  	_ =	shalt  }
0x4b: {  	_ =	shalt  }
0x4c: {  	_ =	shalt  }
0x4d: {  	_ =	shalt  }
0x4e: {  	_ =	shalt  }
0x4f: {  	_ =	shalt  }
0x50: {  	_ =	shalt  }
0x51: {  	_ =	shalt  }
0x52: {  	_ =	shalt  }
0x53: {  	_ =	shalt  }
0x54: {  	_ =	shalt  }
0x55: {  	_ =	shalt  }
0x56: {  	_ =	shalt  }
0x57: {  	_ =	shalt  }
0x58: {  	_ =	shalt  }
0x59: {  	_ =	shalt  }
0x5a: {  	_ =	shalt  }
0x5b: {  	_ =	shalt  }
0x5c: {  	_ =	shalt  }
0x5d: {  	_ =	shalt  }
0x5e: {  	_ =	shalt  }
0x5f: {  	_ =	shalt  }
0x60: {  	_ =	shalt  }
0x61: {  	_ =	shalt  }
0x62: {  	_ =	shalt  }
0x63: {  	_ =	shalt  }
0x64: {  	_ =	shalt  }
0x65: {  	_ =	shalt  }
0x66: {  	_ =	shalt  }
0x67: {  	_ =	shalt  }
0x68: {  	_ =	shalt  }
0x69: {  	_ =	shalt  }
0x6a: {  	_ =	shalt  }
0x6b: {  	_ =	shalt  }
0x6c: {  	_ =	shalt  }
0x6d: {  	_ =	shalt  }
0x6e: {  	_ =	shalt  }
0x6f: {  	_ =	shalt  }
0x70: {  	_ =	shalt  }
0x71: {  	_ =	shalt  }
0x72: {  	_ =	shalt  }
0x73: {  	_ =	shalt  }
0x74: {  	_ =	shalt  }
0x75: {  	_ =	shalt  }
0x76: {  	_ =	shalt  }
0x77: {  	_ =	shalt  }
0x78: {  	_ =	shalt  }
0x79: {  	_ =	shalt  }
0x7a: {  	_ =	shalt  }
0x7b: {  	_ =	shalt  }
0x7c: {  	_ =	shalt  }
0x7d: {  	_ =	shalt  }
0x7e: {  	_ =	shalt  }
0x7f: {  	_ =	shalt  }
0x80: {  	_ =	shalt  }
0x81: {  	_ =	shalt  }
0x82: {  	_ =	shalt  }
0x83: {  	_ =	shalt  }
0x84: {  	_ =	shalt  }
0x85: {  	_ =	shalt  }
0x86: {  	_ =	shalt  }
0x87: {  	_ =	shalt  }
.Lfunc_end0:
.L_simem_size_0:
called_computation.2_lowered:
.L_overlay_start_0:
0x88: {  	s2 =	sld [smem:$0x3FD9]  }
0x89: {  	s3 =	sld [smem:$0x3FFE];
	_ =	sdelay $0x1  }
0x8a: {  	s1 =	srdreg.scid  }
0x8b: {  	s0 =	sand.u32 $0x1, s1  }
0x8c: {  	s14 =	sshll.u32 s0, $0xA;
	s2 =	sadd.s32 s3, s2  }
0x8d: {  	s2 =	sadd.s32 s2, s14  }
0x8e: {  	[smem:$0x3F9C] =	sst s2  }
0x8f: {  	_ = 	snop  }
0x90: {  	s2 =	sld [smem:$0x3FD0];
	_ =	sdelay $0x2  }
0x91: {  	s15 =	simm.s32 $0xA;
	s4 =	simm.s32 $0x10  }
0x92: {  	[smem:s4], [sflag:s15] =	dma.local [hbm:s2], $0x1  }
0x93: {  	_ =	swait.eq [sflag:s15], $0x1  }
0x94: {  	[sflag:s15] =	ssyncset.done $0x0  }
0x95: {  	[sflag:s15] =	ssyncadd.s32 $0xFFFFFFFF  }
0x96: {  	s16 =	sld [smem:$0x14];
	(tm) =	ssettm $0x1  }
0x97: {  	s17 =	sld [smem:$0x3FFB];
	_ =	sdelay $0x3  }
0x98: {  	_ =	strace s17  }
0x99: {  	s3 =	sld [smem:$0x3FFC];
	_ =	sdelay $0x3  }
0x9a: {  	_ =	strace s3  }
0x9b: {  	s3 =	sld [smem:$0x3FFD];
	_ =	sdelay $0x3  }
0x9c: {  	_ =	strace s3  }
0x9d: {  	_ =	strace $0x8FFFFFFF  }
0x9e: {  	s18 =	sld [smem:$0x3FDB];
	_ =	sdelay $0x1  }
0x9f: {  	s19 =	simm.s32 $_scs_section_size  }
0xa0: {  	s5 =	simm.s32 $_size__tile_overlayer_lowered;
	s6 =	simm.s32 $_tile_overlayer_lowered  }
0xa1: {  	s22 =	simm.s32 $0x1BFF;
	s21 =	sshll.u32 s6, $0x1;
	s3 =	sadd.s32 s19, s18  }
0xa2: {  	s7 =	simm.s32 $0x0;
	s20 =	sshll.u32 s5, $0x1;
	s5 =	sadd.s32 s21, s3  }
0xa3: {  	[timem:s7], [sflag:s22] =	dma.local [hbm:s5], s20  }
0xa4: {  	_ =	swait.ge [sflag:s22], s20  }
0xa5: {  	s4 =	ssub.s32 $0x0, s20;
	[sflag:s22] =	ssyncset.done $0x0  }
0xa6: {  	[sflag:s22] =	ssyncadd.s32 s4;
	_ =	sdelay $0x1  }
0xa7: {  	s23 =	simm.s32 $0x1B8B  }
0xa8: {  	_ =	swait.ge [sflag:s23], $0x1  }
0xa9: {  	[sflag:s23] =	ssyncset.done $0x0  }
0xaa: {  	s25 =	simm.s32 $0x1B8E;
	s24 =	sld [smem:$0x3FFE];
	[sflag:s23] =	ssyncadd.s32 $0xFFFFFFFF  }
0xab: {  	s26 =	simm.s32 $execute0_lowered;
	[smem:$0x3FD2] =	sst s25  }
0xac: {  	s5 =	sshll.u32 s26, $0x1;
	_ =	strace $0x8000004C;
	[dreg:$0x1] =	wrdreg $0xFFFFFFFF  }
0xad: {  	s28 =	simm.s32 $_size_execute0_lowered;
	s3 =	sadd.s32 s3, s5;
	[dreg:$0x0] =	wrdreg $0x0  }
0xae: {  	s5 =	sshll.u32 s28, $0x1;
	[dreg:$0x2] =	wrdreg s3  }
0xaf: {  	[dreg:$0x3] =	wrdreg s5  }
0xb0: {  	[dreg:$0x4] =	wrdreg $0xC0  }
0xb1: {  	_ =	task [dreg:s7], $0x5FFFF  }
0xb2: {  	[dreg:$0x1] =	wrdreg $0xFFFFFFFF  }
0xb3: {  	[dreg:$0x0] =	wrdreg $0x60  }
0xb4: {  	[dreg:$0x2] =	wrdreg s24  }
0xb5: {  	[dreg:$0x3] =	wrdreg s16  }
0xb6: {  	[dreg:$0x4] =	wrdreg $0xA5000  }
0xb7: {  	[dreg:$0x5] =	wrdreg $0x9  }
0xb8: {  	_ =	task.clear_ibuf [dreg:s7], $0x6FFFF;
	_ =	strace $0x9000004C  }
0xb9: {  	s29 =	simm.s32 $0x9;
	_ =	strace $0x8000004E  }
0xba: {  	_ =	swait.ge [sflag:s29], $0x1  }
0xbb: {  	[sflag:s29] =	ssyncadd.s32 $0xFFFFFFFF  }
0xbc: {  	_ =	strace $0x9000004E  }
0xbd: {  	_ =	sfence  }
0xbe: {  	s30 =	sld [smem:$0x0];
	_ =	sdelay $0x2  }
0xbf: {  	s31 =	sshll.u32 s1, $0xD;
	s1 =	sshrl.u32 s1, $0x2  }
0xc0: {  	s3 =	sand.u32 $0x4000, s31;
	s1 =	sadd.s32 s1, s30  }
0xc1: {  	s0 =	sor.u32 s3, s0;
	s1 =	sshll.u32 s1, $0x11  }
0xc2: {  	s0 =	sor.u32 s1, s0  }
0xc3: {  	s0 =	sadd.s32 $0x8F2B, s0  }
0xc4: {  	[sflag:s0] =	ssyncadd.remote.s32 $0x1  }
0xc5: {  	_ =	sfence.sel $0xFFFF  }
0xc6: {  	[dreg:$0x0] =	wrdreg $0xFFFFFFFF;
	(pc) =	sbr.abs _section_cstart, $3  }
0xc7: {  	[dreg:$0x1] =	wrdreg $0xFFFFFFFF  }
0xc8: {  	_ =	task.clear_ibuf [dreg:s7], $0x2FFFF;
	_ =	strace $0x9FFFFFFF  }
0xc9: {  	(tm) =	ssettm $0x7FFFFFFF  }
tec
execute0_lowered:
.L_overlay_start_1:
0x0: {  	(tag) =	ssettag $0x1  }
0x1: {  	s6 =	rddreg [dreg:$0x0]  }
0x2: {  	s1 =	srdreg.scid;
	s7 =	rddreg [dreg:$0x1]  }
0x3: {  	s0 =	stileid.u32;
	s2 =	rddreg [dreg:$0x2]  }
0x4: {  	s3 =	simm.s32 $0x0;
	s16 =	simm.s32 $0x7D;
	s17 =	simm.s32 $0x2800  }
0x5: {  	s18 =	simm.s32 $0x6680;
	s19 =	simm.s32 $0x1;
	s20 =	simm.s32 $0x2  }
0x6: {  	s21 =	simm.s32 $0x1380;
	s22 =	simm.s32 $0x2700;
	s23 =	simm.s32 $0x2780  }
0x7: {  	s24 =	simm.s32 $0x0;
	s8 =	sand.u32 $0x1, s1;
	s1 =	rddreg [dreg:$0x3]  }
0x8: {  	s30 =	sshll.u32 s0, $0x1;
	[smem:$0x7FF] =	sst s3;
	s10 =	smul.u32 $0x13880, s0  }
0x9: {  	s5 =	sadd.s32 $0x1A600, s6;
	s31 =	sshll.u32 s0, $0x6;
	s4 =	sor.u32 s8, s30  }
0xa: {  	_ =	strace $0x8000004D;
	s11 =	smul.u32 $0x138800, s8;
	s8 =	ssub.s32 $0x2, s8  }
0xb: {  	s9 =	smul.u32 $0x280, s4;
	s4 =	sadd.s32 $0x264600, s6;
	s13 =	sshrl.u32 s10, $0x3  }
0xc: {  	s14 =	sshrl.u32 s8, $0x1;
	s15 =	sadd.s32 s10, s2;
	s11 =	sadd.s32 s10, s11  }
0xd: {  	s13 =	sadd.s32 s13, s6;
	s14 =	ssub.s32 s8, s14;
	s15 =	sshrl.u32 s15, $0x3  }
0xe: {  	s12 =	sadd.s32 s9, s6;
	s11 =	sshrl.u32 s11, $0x3;
	s8 =	sadd.s32 $0xB6A00, s13  }
0xf: {  	s13 =	simm.s32 $0x1400;
	s11 =	sadd.s32 s11, s6;
	s6 =	sadd.s32 s7, s9  }
0x10: {  	s7 =	sadd.s32 $0x15600, s12;
	s12 =	simm.s32 $0x3;
	s9 =	sadd.s32 $0x12BE00, s11  }
0x11: {  	s10 =	sadd.s32 $0x17A000, s11;
	s11 =	smax.u32 s14, $0x1;
	s14 =	sor.u32 $0x1C03, s31  }
.LBB2_1:
0x12: {  	[tilespmem:s3], [sflag:$0x3] =	stream.linear.gather [hbm4b:s6+s3], $0x1400, $0x38;
	[tilespmem:$0x1DD80] =	vst v63  }
0x13: {  	_ =	swait.ge [sflag:s12], $0x1400  }
0x14: {  	[sflag:s12] =	ssyncset.done $0x0  }
0x15: {  	[sflag:s12] =	ssyncadd.s32 $0xFFFFEC00  }
0x16: {  	[tilespmem:s13], [sflag:$0x3] =	stream.linear.gather [hbm4b:s7+s3], $0x1400, $0x38;
	[tilespmem:$0x1DD80] =	vst v63  }
0x17: {  	_ =	swait.ge [sflag:s12], $0x1400  }
0x18: {  	[sflag:s12] =	ssyncset.done $0x0  }
0x19: {  	[sflag:s12] =	ssyncadd.s32 $0xFFFFEC00  }
0x1a: {  	[spmem:s15], [sflag:s14] =	dma.local [hbm:s8], $0x2710  }
0x1b: {  	_ =	swait.ge [sflag:s12], $0x2710  }
0x1c: {  	[sflag:s12] =	ssyncset.done $0x0  }
0x1d: {  	[sflag:s12] =	ssyncadd.s32 $0xFFFFD8F0  }
0x1e: {  	[bflag:$0x0] =	sbarrier.arrive $0xFFFF  }
0x1f: {  	[tilespmem:s17], [sflag:$0x1] =	stream.indirect.gather [hbm4b:s4+s16], $0x80, s3, s16, $0xb8;
	[tilespmem:$0x1DD80] =	vst v63  }
0x20: {  	s25 =	simm.s32 $0x80  }
0x21: {  	[tilespmem:s18], [sflag:$0x2] =	stream.indirect.gather [hbm4b:s4+s16], $0x80, s25, s16, $0xb8;
	[tilespmem:$0x1DD80] =	vst v63  }
0x22: {  	_ =	swait.ge [sflag:s19], $0x3E80  }
0x23: {  	[sflag:s19] =	ssyncset.done $0x0  }
0x24: {  	s29 =	simm.s32 $0x1400;
	[sflag:s19] =	ssyncadd.s32 $0xFFFFC180  }
0x25: {  	[spmem:s2] =	stream.indirect.scatter.add.f32 [tilespmem:s17], [sflag:$0x3], $0x80, s29, s16, $0xb8;
	[tilespmem:$0x1DD80] =	vst v63  }
0x26: {  	_ =	swait.ge [sflag:s12], $0x3E80  }
0x27: {  	[sflag:s12] =	ssyncset.done $0x0  }
0x28: {  	s30 =	simm.s32 $0x100;
	[sflag:s12] =	ssyncadd.s32 $0xFFFFC180  }
0x29: {  	[tilespmem:s17], [sflag:$0x1] =	stream.indirect.gather [hbm4b:s4+s16], $0x80, s30, s16, $0xb8;
	[tilespmem:$0x1DD80] =	vst v63  }
0x2a: {  	_ =	swait.ge [sflag:s20], $0x3E80  }
0x2b: {  	[sflag:s20] =	ssyncset.done $0x0  }
0x2c: {  	s31 =	simm.s32 $0x1480;
	[sflag:s20] =	ssyncadd.s32 $0xFFFFC180  }
0x2d: {  	[spmem:s2] =	stream.indirect.scatter.add.f32 [tilespmem:s18], [sflag:$0x3], $0x80, s31, s16, $0xb8;
	[tilespmem:$0x1DD80] =	vst v63  }
0x2e: {  	_ =	swait.ge [sflag:s12], $0x3E80  }
0x2f: {  	s26 =	simm.s32 $0x800;
	s25 =	simm.s32 $0x100;
	[sflag:s12] =	ssyncset.done $0x0  }
.LBB2_2:
0x30: {  	s28 =	sadd.s32 $0x80, s25  }
0x31: {  	[sflag:s12] =	ssyncadd.s32 $0xFFFFC180;
	s29 =	smov.u32 s26;
	s30 =	sadd.s32 $0x400, s26  }
0x32: {  	[tilespmem:s18], [sflag:$0x2] =	stream.indirect.gather [hbm4b:s4+s16], $0x80, s28, s16, $0xb8;
	[tilespmem:$0x1DD80] =	vst v63  }
0x33: {  	p0 =	sne.s32 s26, $0x4800;
	_ =	swait.ge [sflag:s19], $0x3E80  }
0x34: {  	[sflag:s19] =	ssyncset.done $0x0  }
0x35: {  	s26 =	sadd.s32 $0x1400, s25;
	[sflag:s19] =	ssyncadd.s32 $0xFFFFC180  }
0x36: {  	[spmem:s2] =	stream.indirect.scatter.add.f32 [tilespmem:s17], [sflag:$0x3], $0x80, s26, s16, $0xb8;
	[tilespmem:$0x1DD80] =	vst v63  }
0x37: {  	_ =	swait.ge [sflag:s12], $0x3E80  }
0x38: {  	[sflag:s12] =	ssyncset.done $0x0  }
0x39: {  	s26 =	sadd.s32 $0x100, s25;
	[sflag:s12] =	ssyncadd.s32 $0xFFFFC180  }
0x3a: {  	[tilespmem:s17], [sflag:$0x1] =	stream.indirect.gather [hbm4b:s4+s16], $0x80, s26, s16, $0xb8;
	[tilespmem:$0x1DD80] =	vst v63  }
0x3b: {  	_ =	swait.ge [sflag:s20], $0x3E80  }
.Ltmp0:
0x3c: {  	[sflag:s20] =	ssyncset.done $0x0;
	(pc) =	sbr.rel @p0 .LBB2_2-.Ltmp0, $4  }
0x3d: {  	s25 =	sadd.s32 $0x1480, s25;
	[sflag:s20] =	ssyncadd.s32 $0xFFFFC180  }
0x3e: {  	[spmem:s2] =	stream.indirect.scatter.add.f32 [tilespmem:s18], [sflag:$0x3], $0x80, s25, s16, $0xb8;
	[tilespmem:$0x1DD80] =	vst v63  }
0x3f: {  	_ =	swait.ge [sflag:s12], $0x3E80  }
0x40: {  	s26 =	smov.u32 s30;
	s25 =	sshra.s32 s29, $0x2;
	[sflag:s12] =	ssyncset.done $0x0  }
0x41: {  	s26 =	sadd.s32 $0x80, s25;
	[sflag:s12] =	ssyncadd.s32 $0xFFFFC180  }
0x42: {  	[tilespmem:s18], [sflag:$0x2] =	stream.indirect.gather [hbm4b:s4+s16], $0x80, s26, s16, $0xb8;
	[tilespmem:$0x1DD80] =	vst v63  }
0x43: {  	_ =	swait.ge [sflag:s19], $0x3E80  }
0x44: {  	[sflag:s19] =	ssyncset.done $0x0  }
0x45: {  	s29 =	sadd.s32 $0x1400, s25;
	[sflag:s19] =	ssyncadd.s32 $0xFFFFC180  }
0x46: {  	[spmem:s2] =	stream.indirect.scatter.add.f32 [tilespmem:s17], [sflag:$0x3], $0x80, s29, s16, $0xb8;
	[tilespmem:$0x1DD80] =	vst v63  }
0x47: {  	_ =	swait.ge [sflag:s12], $0x3E80  }
0x48: {  	[sflag:s12] =	ssyncset.done $0x0  }
0x49: {  	s30 =	sadd.s32 $0x100, s25;
	[sflag:s12] =	ssyncadd.s32 $0xFFFFC180  }
0x4a: {  	[tilespmem:s17], [sflag:$0x1] =	stream.indirect.gather [hbm4b:s4+s16], $0x80, s30, s16, $0xb8;
	[tilespmem:$0x1DD80] =	vst v63  }
0x4b: {  	_ =	swait.ge [sflag:s20], $0x3E80  }
0x4c: {  	[sflag:s20] =	ssyncset.done $0x0  }
0x4d: {  	s31 =	sadd.s32 $0x1480, s25;
	[sflag:s20] =	ssyncadd.s32 $0xFFFFC180  }
0x4e: {  	[spmem:s2] =	stream.indirect.scatter.add.f32 [tilespmem:s18], [sflag:$0x3], $0x80, s31, s16, $0xb8;
	[tilespmem:$0x1DD80] =	vst v63  }
0x4f: {  	_ =	swait.ge [sflag:s12], $0x3E80  }
0x50: {  	[sflag:s12] =	ssyncset.done $0x0  }
0x51: {  	[sflag:s12] =	ssyncadd.s32 $0xFFFFC180  }
0x52: {  	[tilespmem:s18], [sflag:$0x2] =	stream.indirect.gather [hbm4b:s4+s16], $0x80, s21, s16, $0xb8;
	[tilespmem:$0x1DD80] =	vst v63  }
0x53: {  	_ =	swait.ge [sflag:s19], $0x3E80  }
0x54: {  	[sflag:s19] =	ssyncset.done $0x0  }
0x55: {  	[sflag:s19] =	ssyncadd.s32 $0xFFFFC180  }
0x56: {  	[spmem:s2] =	stream.indirect.scatter.add.f32 [tilespmem:s17], [sflag:$0x3], $0x80, s22, s16, $0xb8;
	[tilespmem:$0x1DD80] =	vst v63  }
0x57: {  	_ =	swait.ge [sflag:s12], $0x3E80  }
0x58: {  	[sflag:s12] =	ssyncset.done $0x0  }
0x59: {  	[sflag:s12] =	ssyncadd.s32 $0xFFFFC180  }
0x5a: {  	_ =	swait.ge [sflag:s20], $0x3E80  }
0x5b: {  	[sflag:s20] =	ssyncset.done $0x0  }
0x5c: {  	[sflag:s20] =	ssyncadd.s32 $0xFFFFC180  }
0x5d: {  	[spmem:s2] =	stream.indirect.scatter.add.f32 [tilespmem:s18], [sflag:$0x3], $0x80, s23, s16, $0xb8;
	[tilespmem:$0x1DD80] =	vst v63  }
0x5e: {  	_ =	swait.ge [sflag:s12], $0x3E80  }
0x5f: {  	[sflag:s12] =	ssyncset.done $0x0  }
0x60: {  	[sflag:s12] =	ssyncadd.s32 $0xFFFFC180  }
0x61: {  	[bflag:$0x0] =	sbarrier.arrive $0xFFFF  }
0x62: {  	[hbm:s9], [sflag:s14] =	dma.local [spmem:s15], $0x2710  }
0x63: {  	_ =	swait.ge [sflag:s12], $0x2710  }
0x64: {  	[sflag:s12] =	ssyncset.done $0x0  }
0x65: {  	[sflag:s12] =	ssyncadd.s32 $0xFFFFD8F0  }
0x66: {  	[spmem:s15], [sflag:s14] =	dma.local [hbm:s8], $0x2710  }
0x67: {  	_ =	swait.ge [sflag:s12], $0x2710  }
0x68: {  	[sflag:s12] =	ssyncset.done $0x0  }
0x69: {  	[sflag:s12] =	ssyncadd.s32 $0xFFFFD8F0  }
0x6a: {  	s26 =	simm.s32 $0x0;
	[bflag:$0x0] =	sbarrier.arrive $0xFFFF  }
0x6b: {  	[tilespmem:s17], [sflag:$0x1] =	stream.indirect.gather [hbm4b:s5+s16], $0x80, s26, s16, $0xb8;
	[tilespmem:$0x1DD80] =	vst v63  }
0x6c: {  	s28 =	simm.s32 $0x80  }
0x6d: {  	[tilespmem:s18], [sflag:$0x2] =	stream.indirect.gather [hbm4b:s5+s16], $0x80, s28, s16, $0xb8;
	[tilespmem:$0x1DD80] =	vst v63  }
0x6e: {  	_ =	swait.ge [sflag:s19], $0x3E80  }
0x6f: {  	[sflag:s19] =	ssyncset.done $0x0  }
0x70: {  	s29 =	simm.s32 $0x1400;
	[sflag:s19] =	ssyncadd.s32 $0xFFFFC180  }
0x71: {  	[spmem:s2] =	stream.indirect.scatter.add.f32 [tilespmem:s17], [sflag:$0x3], $0x80, s29, s16, $0xb8;
	[tilespmem:$0x1DD80] =	vst v63  }
0x72: {  	_ =	swait.ge [sflag:s12], $0x3E80  }
0x73: {  	[sflag:s12] =	ssyncset.done $0x0  }
0x74: {  	s30 =	simm.s32 $0x100;
	[sflag:s12] =	ssyncadd.s32 $0xFFFFC180  }
0x75: {  	[tilespmem:s17], [sflag:$0x1] =	stream.indirect.gather [hbm4b:s5+s16], $0x80, s30, s16, $0xb8;
	[tilespmem:$0x1DD80] =	vst v63  }
0x76: {  	_ =	swait.ge [sflag:s20], $0x3E80  }
0x77: {  	[sflag:s20] =	ssyncset.done $0x0  }
0x78: {  	s31 =	simm.s32 $0x1480;
	[sflag:s20] =	ssyncadd.s32 $0xFFFFC180  }
0x79: {  	[spmem:s2] =	stream.indirect.scatter.add.f32 [tilespmem:s18], [sflag:$0x3], $0x80, s31, s16, $0xb8;
	[tilespmem:$0x1DD80] =	vst v63  }
0x7a: {  	_ =	swait.ge [sflag:s12], $0x3E80  }
0x7b: {  	s25 =	simm.s32 $0x100;
	s26 =	simm.s32 $0x800;
	[sflag:s12] =	ssyncset.done $0x0  }
.LBB2_4:
0x7c: {  	s28 =	sadd.s32 $0x80, s25  }
0x7d: {  	[sflag:s12] =	ssyncadd.s32 $0xFFFFC180;
	s29 =	smov.u32 s26;
	s30 =	sadd.s32 $0x400, s26  }
0x7e: {  	[tilespmem:s18], [sflag:$0x2] =	stream.indirect.gather [hbm4b:s5+s16], $0x80, s28, s16, $0xb8;
	[tilespmem:$0x1DD80] =	vst v63  }
0x7f: {  	p0 =	sne.s32 s26, $0x4800;
	_ =	swait.ge [sflag:s19], $0x3E80  }
0x80: {  	[sflag:s19] =	ssyncset.done $0x0  }
0x81: {  	s26 =	sadd.s32 $0x1400, s25;
	[sflag:s19] =	ssyncadd.s32 $0xFFFFC180  }
0x82: {  	[spmem:s2] =	stream.indirect.scatter.add.f32 [tilespmem:s17], [sflag:$0x3], $0x80, s26, s16, $0xb8;
	[tilespmem:$0x1DD80] =	vst v63  }
0x83: {  	_ =	swait.ge [sflag:s12], $0x3E80  }
0x84: {  	[sflag:s12] =	ssyncset.done $0x0  }
0x85: {  	s26 =	sadd.s32 $0x100, s25;
	[sflag:s12] =	ssyncadd.s32 $0xFFFFC180  }
0x86: {  	[tilespmem:s17], [sflag:$0x1] =	stream.indirect.gather [hbm4b:s5+s16], $0x80, s26, s16, $0xb8;
	[tilespmem:$0x1DD80] =	vst v63  }
0x87: {  	_ =	swait.ge [sflag:s20], $0x3E80  }
.Ltmp1:
0x88: {  	[sflag:s20] =	ssyncset.done $0x0;
	(pc) =	sbr.rel @p0 .LBB2_4-.Ltmp1, $4  }
0x89: {  	s25 =	sadd.s32 $0x1480, s25;
	[sflag:s20] =	ssyncadd.s32 $0xFFFFC180  }
0x8a: {  	[spmem:s2] =	stream.indirect.scatter.add.f32 [tilespmem:s18], [sflag:$0x3], $0x80, s25, s16, $0xb8;
	[tilespmem:$0x1DD80] =	vst v63  }
0x8b: {  	_ =	swait.ge [sflag:s12], $0x3E80  }
0x8c: {  	s26 =	smov.u32 s30;
	s25 =	sshra.s32 s29, $0x2;
	[sflag:s12] =	ssyncset.done $0x0  }
0x8d: {  	s26 =	sadd.s32 $0x80, s25;
	[sflag:s12] =	ssyncadd.s32 $0xFFFFC180  }
0x8e: {  	[tilespmem:s18], [sflag:$0x2] =	stream.indirect.gather [hbm4b:s5+s16], $0x80, s26, s16, $0xb8;
	[tilespmem:$0x1DD80] =	vst v63  }
0x8f: {  	_ =	swait.ge [sflag:s19], $0x3E80  }
0x90: {  	[sflag:s19] =	ssyncset.done $0x0  }
0x91: {  	s29 =	sadd.s32 $0x1400, s25;
	[sflag:s19] =	ssyncadd.s32 $0xFFFFC180  }
0x92: {  	[spmem:s2] =	stream.indirect.scatter.add.f32 [tilespmem:s17], [sflag:$0x3], $0x80, s29, s16, $0xb8;
	[tilespmem:$0x1DD80] =	vst v63  }
0x93: {  	_ =	swait.ge [sflag:s12], $0x3E80  }
0x94: {  	[sflag:s12] =	ssyncset.done $0x0  }
0x95: {  	s30 =	sadd.s32 $0x100, s25;
	[sflag:s12] =	ssyncadd.s32 $0xFFFFC180  }
0x96: {  	[tilespmem:s17], [sflag:$0x1] =	stream.indirect.gather [hbm4b:s5+s16], $0x80, s30, s16, $0xb8;
	[tilespmem:$0x1DD80] =	vst v63  }
0x97: {  	_ =	swait.ge [sflag:s20], $0x3E80  }
0x98: {  	[sflag:s20] =	ssyncset.done $0x0  }
0x99: {  	s31 =	sadd.s32 $0x1480, s25;
	[sflag:s20] =	ssyncadd.s32 $0xFFFFC180  }
0x9a: {  	[spmem:s2] =	stream.indirect.scatter.add.f32 [tilespmem:s18], [sflag:$0x3], $0x80, s31, s16, $0xb8;
	[tilespmem:$0x1DD80] =	vst v63  }
0x9b: {  	_ =	swait.ge [sflag:s12], $0x3E80  }
0x9c: {  	[sflag:s12] =	ssyncset.done $0x0  }
0x9d: {  	[sflag:s12] =	ssyncadd.s32 $0xFFFFC180  }
0x9e: {  	[tilespmem:s18], [sflag:$0x2] =	stream.indirect.gather [hbm4b:s5+s16], $0x80, s21, s16, $0xb8;
	[tilespmem:$0x1DD80] =	vst v63  }
0x9f: {  	_ =	swait.ge [sflag:s19], $0x3E80  }
0xa0: {  	[sflag:s19] =	ssyncset.done $0x0  }
0xa1: {  	[sflag:s19] =	ssyncadd.s32 $0xFFFFC180  }
0xa2: {  	[spmem:s2] =	stream.indirect.scatter.add.f32 [tilespmem:s17], [sflag:$0x3], $0x80, s22, s16, $0xb8;
	[tilespmem:$0x1DD80] =	vst v63  }
0xa3: {  	_ =	swait.ge [sflag:s12], $0x3E80  }
0xa4: {  	[sflag:s12] =	ssyncset.done $0x0  }
0xa5: {  	[sflag:s12] =	ssyncadd.s32 $0xFFFFC180  }
0xa6: {  	_ =	swait.ge [sflag:s20], $0x3E80  }
0xa7: {  	[sflag:s20] =	ssyncset.done $0x0  }
0xa8: {  	[sflag:s20] =	ssyncadd.s32 $0xFFFFC180  }
0xa9: {  	[spmem:s2] =	stream.indirect.scatter.add.f32 [tilespmem:s18], [sflag:$0x3], $0x80, s23, s16, $0xb8;
	[tilespmem:$0x1DD80] =	vst v63  }
0xaa: {  	_ =	swait.ge [sflag:s12], $0x3E80  }
0xab: {  	s24 =	sadd.s32 $0x1, s24;
	[sflag:s12] =	ssyncset.done $0x0  }
0xac: {  	p0 =	sne.s32 s24, s11;
	[sflag:s12] =	ssyncadd.s32 $0xFFFFC180  }
.Ltmp2:
0xad: {  	[bflag:$0x0] =	sbarrier.arrive $0xFFFF;
	(pc) =	sbr.rel @p0 .LBB2_1-.Ltmp2, $4  }
0xae: {  	[hbm:s10], [sflag:s14] =	dma.local [spmem:s15], $0x2710  }
0xaf: {  	_ =	swait.ge [sflag:s12], $0x2710  }
0xb0: {  	[sflag:s12] =	ssyncset.done $0x0  }
0xb1: {  	[sflag:s12] =	ssyncadd.s32 $0xFFFFD8F0  }
0xb2: {  	_ =	sfence.sel $0x180000  }
0xb3: {  	[bflag:$0x0] =	sbarrier.arrive $0xFFFF  }
0xb4: {  	p0 =	sne.s32 s0, $0x0;
	_ =	strace $0x9000004D  }
0xb5: {  	s0 =	sadd.s32 @!p0 $0x100000, s1;
	[bflag:$0x2] =	sbarrier.arrive $0xFFFF  }
0xb6: {  	[sflag:s0] =	ssyncadd.tile.s32 @!p0 $0x1;
	_ =	shalt  }
.Lfunc_end2:
_tile_overlayer_lowered:
.L_overlay_start_2:
0xb7: {  	(tag) =	ssettag $0x2  }
0xb8: {  	s0 =	rddreg [dreg:$0x0];
	s2 =	stileid.u32  }
0xb9: {  	s1 =	rddreg [dreg:$0x1];
	p0 =	sne.s32 s2, $0x0  }
0xba: {  	s3 =	rddreg [dreg:$0x2];
	[bflag:$0x3] =	sbarrier.arrive $0xFFFF;
	s2 =	simm.s32 @!p0 $0x1C03  }
0xbb: {  	[timem:s3], [sflag:s2] =	dma.local @!p0 [hbm:s0], s1  }
0xbc: {  	s0 =	simm.s32 @!p0 $0x3  }
0xbd: {  	_ =	swait.ge @!p0 [sflag:s0], s1  }
0xbe: {  	s1 =	ssub.s32 @!p0 $0x0, s1;
	[sflag:s0] =	ssyncset.done @!p0 $0x0  }
0xbf: {  	[sflag:s0] =	ssyncadd.s32 @!p0 s1  }
0xc0: {  	[bflag:$0x3] =	sbarrier.arrive $0xFFFF  }
0xc1: {  	_ =	shalt  }

// kernel: kernel.19.cloned.1.call-start
scs
__scs_entry_jumppad:
0x0: {  	(pc) =	sbr.rel $0x88, $3  }
0x1: {  	(tag) =	ssettag $0x0;
	lr =	simm.s32 $0x1  }
0x2: {  	[smem:$0x3F75] =	sst lr;
	_ =	strace $0xD0000000  }
0x3: {  	_ = 	snop  }
0x4: {  	_ = 	snop  }
0x5: {  	_ = 	snop  }
0x6: {  	_ = 	snop  }
0x7: {  	_ = 	snop  }
__scs_overlays_trampoline_lowered:
0x8: {  	[smem:$0x3F84] =	sst s0  }
0x9: {  	[smem:$0x3F85] =	sst s1  }
0xa: {  	[smem:$0x3F86] =	sst s2  }
0xb: {  	[smem:$0x3F87] =	sst s3  }
0xc: {  	[smem:$0x3F88] =	sst s4  }
0xd: {  	[smem:$0x3F89] =	sst s5  }
0xe: {  	[smem:$0x3F8A] =	sst s6  }
0xf: {  	[smem:$0x3F8B] =	sst s7  }
0x10: {  	[smem:$0x3F8C] =	sst s8  }
0x11: {  	[smem:$0x3F8D] =	sst s9;
	s0 =	simm.s32 @!p0 $0x0  }
0x12: {  	s1 =	sld [smem:$0x3F73];
	s0 =	simm.s32 @p0 $0x1  }
0x13: {  	[smem:$0x3F8E] =	sst s0;
	s0 =	simm.s32 @!p1 $0x0  }
0x14: {  	s2 =	sld [smem:$0x3F72];
	s0 =	simm.s32 @p1 $0x1  }
0x15: {  	[smem:$0x3F8F] =	sst s0;
	s0 =	simm.s32 @!p2 $0x0  }
0x16: {  	s3 =	sld [smem:$0x3FDB];
	s0 =	simm.s32 @p2 $0x1  }
0x17: {  	s4 =	simm.s32 $0x1BF5;
	[smem:$0x3F91] =	sst s0  }
0x18: {  	s0 =	sld [smem:$0x3F74];
	_ =	swait.ge [sflag:s4], $0x0  }
0x19: {  	s7 =	sld [smem:$0x3F75]  }
0x1a: {  	s8 =	sadd.s32 $0xFFFFE003, lr  }
0x1b: {  	s9 =	sadd.s32 $0xFFFFFEF7, lr;
	s5 =	simm.s32 $0xFFFFFFFF;
	p2 =	slt.u32 s8, $0xFFFFF086  }
0x1c: {  	p1 =	slt.u32 s9, $0xF7A;
	s5 =	simm.s32 @!p2 $0x0  }
0x1d: {  	s5 =	simm.s32 @p1 $0x1;
	p0 =	seq.s32 s7, s2  }
0x1e: {  	s7 =	smul.u32 @!p0 $0xF7A, s2;
	p2 =	seq.s32 @!p0 s5, $0x0  }
0x1f: {  	s9 =	smul.u32 $0xF7A, s1;
	s8 =	simm.s32 @!p0 $0x1BF5;
	p2 =	por !p2, p0  }
0x20: {  	[sflag:s8] =	ssyncset.s32 @!p0 $0xFFFFF086;
	s6 =	sadd.s32 @!p0 s3, s7;
	s7 =	simm.s32 @!p0 $0x108  }
0x21: {  	s3 =	sadd.s32 s3, s9;
	s6 =	sadd.s32 @!p0 $0x88, s6;
	s7 =	simm.s32 @p2 $0x1082  }
0x22: {  	[simem:s7], [sflag:s8] =	dma.local @!p0 [hbm:s6], $0xF7A  }
0x23: {  	s9 =	sor.u32 $0xD0000000, s2;
	s6 =	simm.s32 $0x108;
	_ =	swait.ge @!p0 [sflag:s8], $0x0  }
0x24: {  	s3 =	sadd.s32 $0x88, s3;
	s6 =	simm.s32 @!p1 $0x1082;
	[sflag:s4] =	ssyncset.s32 $0xFFFFF086  }
0x25: {  	[simem:s6], [sflag:s4] =	dma.local [hbm:s3], $0xF7A  }
0x26: {  	[smem:$0x3F75] =	sst s1;
	(tag) =	ssettag s2;
	_ =	strace s9  }
0x27: {  	s1 =	sld [smem:$0x3F85]  }
0x28: {  	s2 =	sld [smem:$0x3F86]  }
0x29: {  	s4 =	sld [smem:$0x3F88]  }
0x2a: {  	p0 =	seq.s32 s5, $0x0;
	s5 =	sld [smem:$0x3F89]  }
0x2b: {  	s6 =	sld [smem:$0x3F8A]  }
0x2c: {  	s7 =	sld [smem:$0x3F8B]  }
0x2d: {  	s3 =	simm.s32 $0x108;
	s8 =	sld [smem:$0x3F8C]  }
0x2e: {  	s3 =	simm.s32 @!p0 $0x1082;
	s9 =	sld [smem:$0x3F8D]  }
0x2f: {  	lr =	sadd.s32 s0, s3;
	s0 =	sld [smem:$0x3F84]  }
0x30: {  	s3 =	sld [smem:$0x3F87]  }
0x31: {  	[smem:$0x3F90] =	sst s10  }
0x32: {  	s10 =	sld [smem:$0x3F8E];
	_ =	sdelay $0x3  }
0x33: {  	p0 =	seq.s32 s10, $0x1;
	s10 =	sld [smem:$0x3F90];
	_ =	sdelay $0x3  }
0x34: {  	[smem:$0x3F90] =	sst s10  }
0x35: {  	s10 =	sld [smem:$0x3F8F];
	_ =	sdelay $0x3  }
0x36: {  	p1 =	seq.s32 s10, $0x1;
	s10 =	sld [smem:$0x3F90];
	_ =	sdelay $0x3  }
0x37: {  	[smem:$0x3F90] =	sst s10  }
0x38: {  	s10 =	sld [smem:$0x3F91]  }
0x39: {  	_ = 	snop;
	(pc) =	sbr.ind lr, $3  }
0x3a: {  	_ = 	snop  }
0x3b: {  	_ = 	snop  }
0x3c: {  	p2 =	seq.s32 s10, $0x1;
	s10 =	sld [smem:$0x3F90]  }
0x3d: {  	_ =	shalt  }
0x3e: {  	_ =	shalt  }
0x3f: {  	_ =	shalt  }
0x40: {  	_ =	shalt  }
0x41: {  	_ =	shalt  }
0x42: {  	_ =	shalt  }
0x43: {  	_ =	shalt  }
0x44: {  	_ =	shalt  }
0x45: {  	_ =	shalt  }
0x46: {  	_ =	shalt  }
0x47: {  	_ =	shalt  }
0x48: {  	_ =	shalt  }
0x49: {  	_ =	shalt  }
0x4a: {  	_ =	shalt  }
0x4b: {  	_ =	shalt  }
0x4c: {  	_ =	shalt  }
0x4d: {  	_ =	shalt  }
0x4e: {  	_ =	shalt  }
0x4f: {  	_ =	shalt  }
0x50: {  	_ =	shalt  }
0x51: {  	_ =	shalt  }
0x52: {  	_ =	shalt  }
0x53: {  	_ =	shalt  }
0x54: {  	_ =	shalt  }
0x55: {  	_ =	shalt  }
0x56: {  	_ =	shalt  }
0x57: {  	_ =	shalt  }
0x58: {  	_ =	shalt  }
0x59: {  	_ =	shalt  }
0x5a: {  	_ =	shalt  }
0x5b: {  	_ =	shalt  }
0x5c: {  	_ =	shalt  }
0x5d: {  	_ =	shalt  }
0x5e: {  	_ =	shalt  }
0x5f: {  	_ =	shalt  }
0x60: {  	_ =	shalt  }
0x61: {  	_ =	shalt  }
0x62: {  	_ =	shalt  }
0x63: {  	_ =	shalt  }
0x64: {  	_ =	shalt  }
0x65: {  	_ =	shalt  }
0x66: {  	_ =	shalt  }
0x67: {  	_ =	shalt  }
0x68: {  	_ =	shalt  }
0x69: {  	_ =	shalt  }
0x6a: {  	_ =	shalt  }
0x6b: {  	_ =	shalt  }
0x6c: {  	_ =	shalt  }
0x6d: {  	_ =	shalt  }
0x6e: {  	_ =	shalt  }
0x6f: {  	_ =	shalt  }
0x70: {  	_ =	shalt  }
0x71: {  	_ =	shalt  }
0x72: {  	_ =	shalt  }
0x73: {  	_ =	shalt  }
0x74: {  	_ =	shalt  }
0x75: {  	_ =	shalt  }
0x76: {  	_ =	shalt  }
0x77: {  	_ =	shalt  }
0x78: {  	_ =	shalt  }
0x79: {  	_ =	shalt  }
0x7a: {  	_ =	shalt  }
0x7b: {  	_ =	shalt  }
0x7c: {  	_ =	shalt  }
0x7d: {  	_ =	shalt  }
0x7e: {  	_ =	shalt  }
0x7f: {  	_ =	shalt  }
0x80: {  	_ =	shalt  }
0x81: {  	_ =	shalt  }
0x82: {  	_ =	shalt  }
0x83: {  	_ =	shalt  }
0x84: {  	_ =	shalt  }
0x85: {  	_ =	shalt  }
0x86: {  	_ =	shalt  }
0x87: {  	_ =	shalt  }
.Lfunc_end0:
.L_simem_size_0:
called_computation.3_lowered:
.L_overlay_start_0:
0x88: {  	s2 =	sld [smem:$0x3FD9]  }
0x89: {  	s3 =	sld [smem:$0x3FFE];
	_ =	sdelay $0x1  }
0x8a: {  	s1 =	srdreg.scid  }
0x8b: {  	s0 =	sand.u32 $0x1, s1  }
0x8c: {  	s14 =	sshll.u32 s0, $0xA;
	s2 =	sadd.s32 s3, s2  }
0x8d: {  	s2 =	sadd.s32 s2, s14  }
0x8e: {  	[smem:$0x3F9C] =	sst s2  }
0x8f: {  	_ = 	snop  }
0x90: {  	s2 =	sld [smem:$0x3FD0];
	_ =	sdelay $0x2  }
0x91: {  	s15 =	simm.s32 $0xA;
	s4 =	simm.s32 $0x10  }
0x92: {  	[smem:s4], [sflag:s15] =	dma.local [hbm:s2], $0x1  }
0x93: {  	_ =	swait.eq [sflag:s15], $0x1  }
0x94: {  	[sflag:s15] =	ssyncset.done $0x0  }
0x95: {  	[sflag:s15] =	ssyncadd.s32 $0xFFFFFFFF  }
0x96: {  	s16 =	sld [smem:$0x14];
	(tm) =	ssettm $0x1  }
0x97: {  	s17 =	sld [smem:$0x3FFB];
	_ =	sdelay $0x3  }
0x98: {  	_ =	strace s17  }
0x99: {  	s3 =	sld [smem:$0x3FFC];
	_ =	sdelay $0x3  }
0x9a: {  	_ =	strace s3  }
0x9b: {  	s3 =	sld [smem:$0x3FFD];
	_ =	sdelay $0x3  }
0x9c: {  	_ =	strace s3  }
0x9d: {  	_ =	strace $0x8FFFFFFF  }
0x9e: {  	s18 =	sld [smem:$0x3FDB];
	_ =	sdelay $0x1  }
0x9f: {  	s19 =	simm.s32 $_scs_section_size  }
0xa0: {  	s5 =	simm.s32 $_size__tile_overlayer_lowered;
	s6 =	simm.s32 $_tile_overlayer_lowered  }
0xa1: {  	s22 =	simm.s32 $0x1BFF;
	s21 =	sshll.u32 s6, $0x1;
	s3 =	sadd.s32 s19, s18  }
0xa2: {  	s7 =	simm.s32 $0x0;
	s20 =	sshll.u32 s5, $0x1;
	s5 =	sadd.s32 s21, s3  }
0xa3: {  	[timem:s7], [sflag:s22] =	dma.local [hbm:s5], s20  }
0xa4: {  	_ =	swait.ge [sflag:s22], s20  }
0xa5: {  	s4 =	ssub.s32 $0x0, s20;
	[sflag:s22] =	ssyncset.done $0x0  }
0xa6: {  	[sflag:s22] =	ssyncadd.s32 s4;
	_ =	sdelay $0x1  }
0xa7: {  	s23 =	simm.s32 $0x1B8B  }
0xa8: {  	_ =	swait.ge [sflag:s23], $0x1  }
0xa9: {  	[sflag:s23] =	ssyncset.done $0x0  }
0xaa: {  	s25 =	simm.s32 $0x1B8E;
	s24 =	sld [smem:$0x3FFE];
	[sflag:s23] =	ssyncadd.s32 $0xFFFFFFFF  }
0xab: {  	s26 =	simm.s32 $execute0_lowered;
	[smem:$0x3FD2] =	sst s25  }
0xac: {  	s5 =	sshll.u32 s26, $0x1;
	_ =	strace $0x8000004F;
	[dreg:$0x1] =	wrdreg $0xFFFFFFFF  }
0xad: {  	s28 =	simm.s32 $_size_execute0_lowered;
	s3 =	sadd.s32 s3, s5;
	[dreg:$0x0] =	wrdreg $0x0  }
0xae: {  	s5 =	sshll.u32 s28, $0x1;
	[dreg:$0x2] =	wrdreg s3  }
0xaf: {  	[dreg:$0x3] =	wrdreg s5  }
0xb0: {  	[dreg:$0x4] =	wrdreg $0xC0  }
0xb1: {  	_ =	task [dreg:s7], $0x5FFFF  }
0xb2: {  	[dreg:$0x1] =	wrdreg $0xFFFFFFFF  }
0xb3: {  	[dreg:$0x0] =	wrdreg $0x60  }
0xb4: {  	[dreg:$0x2] =	wrdreg s24  }
0xb5: {  	[dreg:$0x3] =	wrdreg s16  }
0xb6: {  	[dreg:$0x4] =	wrdreg $0x9  }
0xb7: {  	_ =	task.clear_ibuf [dreg:s7], $0x5FFFF;
	_ =	strace $0x9000004F  }
0xb8: {  	s29 =	simm.s32 $0x9;
	_ =	strace $0x80000051  }
0xb9: {  	_ =	swait.ge [sflag:s29], $0x1  }
0xba: {  	[sflag:s29] =	ssyncadd.s32 $0xFFFFFFFF  }
0xbb: {  	_ =	strace $0x90000051  }
0xbc: {  	_ =	sfence  }
0xbd: {  	s30 =	sld [smem:$0x0];
	_ =	sdelay $0x2  }
0xbe: {  	s31 =	sshll.u32 s1, $0xD;
	s1 =	sshrl.u32 s1, $0x2  }
0xbf: {  	s3 =	sand.u32 $0x4000, s31;
	s1 =	sadd.s32 s1, s30  }
0xc0: {  	s0 =	sor.u32 s3, s0;
	s1 =	sshll.u32 s1, $0x11  }
0xc1: {  	s0 =	sor.u32 s1, s0  }
0xc2: {  	s0 =	sadd.s32 $0x8F2B, s0  }
0xc3: {  	[sflag:s0] =	ssyncadd.remote.s32 $0x1  }
0xc4: {  	_ =	sfence.sel $0xFFFF  }
0xc5: {  	[dreg:$0x0] =	wrdreg $0xFFFFFFFF;
	(pc) =	sbr.abs _section_cstart, $3  }
0xc6: {  	[dreg:$0x1] =	wrdreg $0xFFFFFFFF  }
0xc7: {  	_ =	task.clear_ibuf [dreg:s7], $0x2FFFF;
	_ =	strace $0x9FFFFFFF  }
0xc8: {  	(tm) =	ssettm $0x7FFFFFFF  }
0xc9: {  	_ =	shalt  }
tec
execute0_lowered:
.L_overlay_start_1:
0x0: {  	(tag) =	ssettag $0x1  }
0x1: {  	s1 =	srdreg.scid;
	s0 =	stileid.u32  }
0x2: {  	s5 =	sand.u32 $0x1, s1;
	s31 =	sshll.u32 s0, $0x1  }
0x3: {  	s4 =	rddreg [dreg:$0x0];
	s6 =	sor.u32 s5, s31  }
0x4: {  	s2 =	rddreg [dreg:$0x1];
	s3 =	simm.s32 $0x0;
	s7 =	smul.u32 $0x271, s6  }
0x5: {  	s9 =	simm.s32 $0x0;
	[smem:$0x7FF] =	sst s3;
	s6 =	smul.u32 $0x1388, s6  }
0x6: {  	s1 =	rddreg [dreg:$0x2];
	s5 =	ssub.s32 $0x2, s5;
	_ =	strace $0x80000050  }
0x7: {  	s8 =	sshrl.u32 s5, $0x1;
	s7 =	sadd.s32 s7, s4;
	s6 =	sadd.s32 s6, s4  }
0x8: {  	s8 =	ssub.s32 s5, s8;
	s4 =	sadd.s32 $0x10600, s7;
	s5 =	sadd.s32 $0x63800, s6  }
0x9: {  	v0 =	vlaneseq.u32;
	s6 =	smax.u32 s8, $0x1;
	s7 =	simm.s32 $0x1;
	s8 =	simm.s32 $0x4398  }
.LBB2_1:
0xa: {  	[tilespmem:s3], [sflag:$0x1] =	stream.linear.gather [hbm4b:s2+s3], $0x3000, $0x38;
	[tilespmem:$0xE058] =	vst v63  }
0xb: {  	_ =	swait.ge [sflag:s7], $0x3000  }
0xc: {  	[sflag:s7] =	ssyncset.done $0x0  }
0xd: {  	s10 =	simm.s32 $0x3000;
	[sflag:s7] =	ssyncadd.s32 $0xFFFFD000  }
0xe: {  	[tilespmem:s10], [sflag:$0x1] =	stream.linear.gather [hbm4b:s4+s3], $0x1388, $0x38;
	[tilespmem:$0xE058] =	vst v63  }
0xf: {  	_ =	swait.ge [sflag:s7], $0x1388  }
0x10: {  	[sflag:s7] =	ssyncset.done $0x0  }
0x11: {  	[sflag:s7] =	ssyncadd.s32 $0xFFFFEC78  }
0x12: {  	v1 =	vld [tilespmem:s10+$0x0];
	_ =	sdelay $0x2  }
0x13: {  	v2 =	vor.u32 s3, v0  }
0x14: {  	vm0 =	vlt.u32 v2, $0x1388  }
0x15: {  	v1 =	vnsel vm0, $0x0, v1;
	_ =	sdelay $0x4  }
0x16: {  	v2 =	vshll.u32 v2, $0x3;
	v3 =	vld.idx.msk [tilespmem:v1+s3+$0x0], $0xffff  }
0x17: {  	v4 =	vadd.s32 $0x1000, v1;
	_ =	sdelay $0x3  }
0x18: {  	[tilespmem:v2+s8+$0x0] =	vst.idx.msk $0xffff, v3  }
0x19: {  	v63 =	vor.u32 $0x1, v2;
	v3 =	vld.idx.msk [tilespmem:v4+s3+$0x0], $0xffff  }
0x1a: {  	v1 =	vadd.s32 $0x2000, v1;
	_ =	sdelay $0x3  }
0x1b: {  	[tilespmem:v63+s8+$0x0] =	vst.idx.msk $0xffff, v3  }
0x1c: {  	s11 =	simm.s32 $0x10;
	v2 =	vor.u32 $0x2, v2;
	v1 =	vld.idx.msk [tilespmem:v1+s3+$0x0], $0xffff  }
.LBB2_2:
0x1d: {  	_ =	sdelay $0x2  }
0x1e: {  	p0 =	sne.s32 s11, $0x1380  }
0x1f: {  	s10 =	sadd.s32 $0x10, s10;
	s12 =	smov.u32 s11;
	s11 =	sadd.s32 $0x10, s11;
	[tilespmem:v2+s8+$0x0] =	vst.idx.msk $0xffff, v1  }
0x20: {  	v1 =	vld [tilespmem:s10+$0x0];
	_ =	sdelay $0x2  }
0x21: {  	v2 =	vor.u32 s12, v0  }
0x22: {  	vm0 =	vlt.u32 v2, $0x1388  }
0x23: {  	v1 =	vnsel vm0, $0x0, v1;
	_ =	sdelay $0x4  }
0x24: {  	v3 =	vld.idx.msk [tilespmem:v1+s3+$0x0], $0xffff  }
0x25: {  	v2 =	vshll.u32 v2, $0x3  }
0x26: {  	v4 =	vadd.s32 $0x1000, v1;
	_ =	sdelay $0x3  }
0x27: {  	[tilespmem:v2+s8+$0x0] =	vst.idx.msk $0xffff, v3  }
0x28: {  	v3 =	vld.idx.msk [tilespmem:v4+s3+$0x0], $0xffff  }
0x29: {  	v4 =	vor.u32 $0x1, v2  }
0x2a: {  	v1 =	vadd.s32 $0x2000, v1;
	_ =	sdelay $0x1  }
.Ltmp0:
0x2b: {  	(pc) =	sbr.rel @p0 .LBB2_2-.Ltmp0, $4  }
0x2c: {  	_ = 	snop  }
0x2d: {  	[tilespmem:v4+s8+$0x0] =	vst.idx.msk $0xffff, v3  }
0x2e: {  	v1 =	vld.idx.msk [tilespmem:v1+s3+$0x0], $0xffff  }
0x2f: {  	v2 =	vor.u32 $0x2, v2  }
0x30: {  	_ =	sdelay $0x1  }
0x31: {  	s9 =	sadd.s32 $0x1, s9  }
0x32: {  	p0 =	sne.s32 s9, s6  }
.Ltmp1:
0x33: {  	[tilespmem:v2+s8+$0x0] =	vst.idx.msk $0xffff, v1;
	(pc) =	sbr.rel @p0 .LBB2_1-.Ltmp1, $4  }
0x34: {  	[hbm4b:s5+s3] =	stream.linear.scatter [tilespmem:s8], [sflag:$0x1], $0x9C40, $0x38;
	[tilespmem:$0xE058] =	vst v63  }
0x35: {  	_ =	swait.ge [sflag:s7], $0x9C40  }
0x36: {  	[sflag:s7] =	ssyncset.done $0x0  }
0x37: {  	[sflag:s7] =	ssyncadd.s32 $0xFFFF63C0  }
0x38: {  	_ =	sfence.sel $0x180000  }
0x39: {  	[bflag:$0x0] =	sbarrier.arrive $0xFFFF  }
0x3a: {  	p0 =	sne.s32 s0, $0x0;
	_ =	strace $0x90000050  }
0x3b: {  	s0 =	sadd.s32 @!p0 $0x100000, s1;
	[bflag:$0x2] =	sbarrier.arrive $0xFFFF  }
0x3c: {  	[sflag:s0] =	ssyncadd.tile.s32 @!p0 $0x1;
	_ =	shalt  }
.Lfunc_end2:
_tile_overlayer_lowered:
.L_overlay_start_2:
0x3d: {  	(tag) =	ssettag $0x2  }
0x3e: {  	s0 =	rddreg [dreg:$0x0];
	s2 =	stileid.u32  }
0x3f: {  	s1 =	rddreg [dreg:$0x1];
	p0 =	sne.s32 s2, $0x0  }
0x40: {  	s3 =	rddreg [dreg:$0x2];
	[bflag:$0x3] =	sbarrier.arrive $0xFFFF;
	s2 =	simm.s32 @!p0 $0x1C01  }
0x41: {  	[timem:s3], [sflag:s2] =	dma.local @!p0 [hbm:s0], s1  }
0x42: {  	s0 =	simm.s32 @!p0 $0x1  }
0x43: {  	_ =	swait.ge @!p0 [sflag:s0], s1  }
0x44: {  	s1 =	ssub.s32 @!p0 $0x0, s1;
	[sflag:s0] =	ssyncset.done @!p0 $0x0  }
0x45: {  	[sflag:s0] =	ssyncadd.s32 @!p0 s1  }
0x46: {  	[bflag:$0x3] =	sbarrier.arrive $0xFFFF  }
0x47: {  	_ =	shalt  }

</sc_bundles>
